<compile_context>
chip_gen: v7x
topology: tpu7x:2x2x1
jax: 0.10.2.dev20260603
libtpu: 0.0.44.dev20260713+nightly
codegen_flags: <defaults>
</compile_context>

<pallas_src>
import functools

import jax
import jax.numpy as jnp
from jax import lax
from jax.experimental import pallas as pl
from jax.experimental.pallas import tpu as pltpu
from jax.experimental.pallas import tpu_sc as plsc

_BETA = 25.0
_NC = 2
_NS = 16
_NW = _NC * _NS
_LANES = 16
_NHALF = 2


def _make_body(B, D, K):
    rows = B // _NW
    half = rows // _NHALF
    nchunk = K // _LANES

    def body(x_hbm, pairs_hbm, out_hbm,
             x_v0, x_v1, o_v0, o_v1, pairs_v,
             si0, si1, so0, so1):
        xbufs = (x_v0, x_v1)
        obufs = (o_v0, o_v1)
        sin = (si0, si1)
        sout = (so0, so1)

        wid = lax.axis_index("s") * _NC + lax.axis_index("c")
        base = wid * rows

        in_h = []
        for h in range(_NHALF):
            src = x_hbm.at[pl.ds((base + h * half) * D, half * D)]
            in_h.append(pltpu.async_copy(src, xbufs[h], sin[h]))

        pltpu.sync_copy(pairs_hbm, pairs_v)
        lane = lax.iota(jnp.int32, _LANES)
        idx_i = []
        idx_j = []
        for c in range(nchunk):
            kvec = (c * _LANES + lane) * 2
            idx_i.append(plsc.load_gather(pairs_v, [kvec]))
            idx_j.append(plsc.load_gather(pairs_v, [kvec + 1]))

        out_h = []
        for h in range(_NHALF):
            in_h[h].wait()
            x_v = xbufs[h]
            o_v = obufs[h]

            @plsc.parallel_loop(0, half, 1, unroll=8)
            def _row(r):
                xrow = x_v.at[pl.ds(r * D, D)]
                orow = o_v.at[pl.ds(r * K, K)]
                for c in range(nchunk):
                    xi = plsc.load_gather(xrow, [idx_i[c]])
                    xj = plsc.load_gather(xrow, [idx_j[c]])
                    z = (xj - xi) * _BETA
                    orow[pl.ds(c * _LANES, _LANES)] = 1.0 / (1.0 + jnp.exp(z))

            dst = out_hbm.at[pl.ds((base + h * half) * K, half * K)]
            out_h.append(pltpu.async_copy(o_v, dst, sout[h]))

        for h in out_h:
            h.wait()

    return body


def kernel(x, pairs):
    B, D = x.shape
    K = pairs.shape[0]
    rows = B // _NW
    half = rows // _NHALF
    run = pl.kernel(
        _make_body(B, D, K),
        out_type=jax.ShapeDtypeStruct((B * K,), jnp.float32),
        mesh=plsc.VectorSubcoreMesh(core_axis_name="c", subcore_axis_name="s"),
        compiler_params=pltpu.CompilerParams(needs_layout_passes=False),
        scratch_types=[
            pltpu.VMEM((half * D,), jnp.float32),
            pltpu.VMEM((half * D,), jnp.float32),
            pltpu.VMEM((half * K,), jnp.float32),
            pltpu.VMEM((half * K,), jnp.float32),
            pltpu.VMEM((K * 2,), jnp.int32),
            pltpu.SemaphoreType.DMA,
            pltpu.SemaphoreType.DMA,
            pltpu.SemaphoreType.DMA,
            pltpu.SemaphoreType.DMA,
        ],
    )
    out = run(x.reshape(B * D), pairs.reshape(K * 2))
    return out.reshape(B, K)

# --- scband reference (transcript-rebuilt; emitter-appended) ---
"""Pipeline reference for scband-tsplayer-21062519620104 (READ-ONLY COPY).

The authoritative reference and input builder live on the scoring server;
editing this copy changes nothing except your own understanding.
"""

import jax, jax.numpy as jnp
import numpy as np

B = 16384
D = 128
K = 64
BETA = 25.0


def setup_inputs(seed: int = 0) -> dict:
    key = jax.random.key(seed)
    x = jax.random.normal(key, (B, D), dtype=jnp.float32)
    # pairs buffer: pairs[i] = (i, i + 64), matching init_kwargs
    i = jnp.arange(K, dtype=jnp.int32)
    pairs = jnp.stack([i, i + K], axis=1)  # [K, 2]
    return {"x": x, "pairs": pairs}


def reference(x, pairs):
    # TSPLayer.forward: smooth votes = sigmoid(beta * (x_i - x_j))
    # no learnable weights, hard=False, no chunking (K <= any chunk_size)
    xi = jnp.take(x, pairs[:, 0], axis=1)  # [B, K]
    xj = jnp.take(x, pairs[:, 1], axis=1)  # [B, K]
    diff = xi - xj
    votes = jax.nn.sigmoid(BETA * diff)
    return votes

if __name__ == "__main__":
    import jax
    _d = setup_inputs()
    print(jax.jit(kernel)(*tuple(_d.values())))

</pallas_src>

<mosaic_0001>
#map = affine_map<(d0, d1) -> (0)>
module attributes {stable_mosaic.version = 14 : i64} {
  func.func @body(%arg0: i32, %arg1: i32, %arg2: memref<2097152xf32, #tpu.memory_space<hbm>>, %arg3: memref<128xi32, #tpu.memory_space<hbm>>, %arg4: memref<1048576xf32, #tpu.memory_space<hbm>>, %arg5: memref<32768xf32, #tpu.memory_space<vmem>>, %arg6: memref<32768xf32, #tpu.memory_space<vmem>>, %arg7: memref<16384xf32, #tpu.memory_space<vmem>>, %arg8: memref<16384xf32, #tpu.memory_space<vmem>>, %arg9: memref<128xi32, #tpu.memory_space<vmem>>, %arg10: memref<!tpu.dma_semaphore, #tpu.memory_space<semaphore_mem>>, %arg11: memref<!tpu.dma_semaphore, #tpu.memory_space<semaphore_mem>>, %arg12: memref<!tpu.dma_semaphore, #tpu.memory_space<semaphore_mem>>, %arg13: memref<!tpu.dma_semaphore, #tpu.memory_space<semaphore_mem>>) attributes {dimension_semantics = [#tpu.dimension_semantics<core_parallel>, #tpu.dimension_semantics<subcore_parallel>], iteration_bounds = array<i64: 2, 16>, scalar_prefetch = 0 : i64, scratch_operands = 9 : i64, tpu.core_type = #tpu.core_type<sc_vector_subcore>, window_params = [{transform_indices = #map}, {transform_indices = #map}, {transform_indices = #map}]} {
    %mul3A = arith.constant 2 : i32
    %mul3A_0 = arith.muli %arg1, %mul3A : i32
    %add3A = arith.addi %mul3A_0, %arg0 : i32
    %mul3A_1 = arith.constant 512 : i32
    %mul3A_2 = arith.muli %add3A, %mul3A_1 : i32
    %add3A_3 = arith.constant 0 : i32
    %add3A_4 = arith.addi %mul3A_2, %add3A_3 : i32
    %mul3A_5 = arith.constant 128 : i32
    %mul3A_6 = arith.muli %add3A_4, %mul3A_5 : i32
    %dma_start3A = tpu.memref_slice %arg2[%mul3A_6] : memref<2097152xf32, #tpu.memory_space<hbm>> -> memref<32768xf32, #tpu.memory_space<hbm>>
    %dma_start3A_7 = tpu.memref_slice %arg2[%mul3A_6] : memref<2097152xf32, #tpu.memory_space<hbm>> -> memref<32768xf32, #tpu.memory_space<hbm>>
    tpu.enqueue_dma source(%dma_start3A_7 : memref<32768xf32, #tpu.memory_space<hbm>>) target(%arg5 : memref<32768xf32, #tpu.memory_space<vmem>>) target_semaphore(%arg10 : memref<!tpu.dma_semaphore, #tpu.memory_space<semaphore_mem>>)
    %add3A_8 = arith.constant 256 : i32
    %add3A_9 = arith.addi %mul3A_2, %add3A_8 : i32
    %mul3A_10 = arith.constant 128 : i32
    %mul3A_11 = arith.muli %add3A_9, %mul3A_10 : i32
    %dma_start3A_12 = tpu.memref_slice %arg2[%mul3A_11] : memref<2097152xf32, #tpu.memory_space<hbm>> -> memref<32768xf32, #tpu.memory_space<hbm>>
    %dma_start3A_13 = tpu.memref_slice %arg2[%mul3A_11] : memref<2097152xf32, #tpu.memory_space<hbm>> -> memref<32768xf32, #tpu.memory_space<hbm>>
    tpu.enqueue_dma source(%dma_start3A_13 : memref<32768xf32, #tpu.memory_space<hbm>>) target(%arg6 : memref<32768xf32, #tpu.memory_space<vmem>>) target_semaphore(%arg11 : memref<!tpu.dma_semaphore, #tpu.memory_space<semaphore_mem>>)
    "tpu.region"() ({
      %run_scoped3A = tpu.sem_alloc : memref<!tpu.dma_semaphore, #tpu.memory_space<semaphore_mem>>
      tpu.enqueue_dma source(%arg3 : memref<128xi32, #tpu.memory_space<hbm>>) target(%arg9 : memref<128xi32, #tpu.memory_space<vmem>>) target_semaphore(%run_scoped3A : memref<!tpu.dma_semaphore, #tpu.memory_space<semaphore_mem>>)
      tpu.wait_dma2 semaphore(%run_scoped3A : memref<!tpu.dma_semaphore, #tpu.memory_space<semaphore_mem>>) src(%arg3 : memref<128xi32, #tpu.memory_space<hbm>>) dst(%arg9 : memref<128xi32, #tpu.memory_space<vmem>>)
      tpu.yield
    }) : () -> ()
    %iota3A = tpu.iota {dimensions = array<i32: 0>} : vector<16xi32>
    %add3A_14 = arith.constant 0 : i32
    %add3A_15 = vector.broadcast %add3A_14 : i32 to vector<16xi32>
    %add3A_16 = arith.addi %add3A_15, %iota3A : vector<16xi32>
    %mul3A_17 = arith.constant 2 : i32
    %mul3A_18 = vector.broadcast %mul3A_17 : i32 to vector<16xi32>
    %mul3A_19 = arith.muli %add3A_16, %mul3A_18 : vector<16xi32>
    %gather3A = tpu.vector_load_idx %arg9[%mul3A_19] : memref<128xi32, #tpu.memory_space<vmem>>[vector<16xi32>], vector<16xi32>,
    %add3A_20 = arith.constant 1 : i32
    %add3A_21 = vector.broadcast %add3A_20 : i32 to vector<16xi32>
    %add3A_22 = arith.addi %mul3A_19, %add3A_21 : vector<16xi32>
    %gather3A_23 = tpu.vector_load_idx %arg9[%add3A_22] : memref<128xi32, #tpu.memory_space<vmem>>[vector<16xi32>], vector<16xi32>,
    %add3A_24 = arith.constant 16 : i32
    %add3A_25 = vector.broadcast %add3A_24 : i32 to vector<16xi32>
    %add3A_26 = arith.addi %add3A_25, %iota3A : vector<16xi32>
    %mul3A_27 = arith.constant 2 : i32
    %mul3A_28 = vector.broadcast %mul3A_27 : i32 to vector<16xi32>
    %mul3A_29 = arith.muli %add3A_26, %mul3A_28 : vector<16xi32>
    %gather3A_30 = tpu.vector_load_idx %arg9[%mul3A_29] : memref<128xi32, #tpu.memory_space<vmem>>[vector<16xi32>], vector<16xi32>,
    %add3A_31 = arith.constant 1 : i32
    %add3A_32 = vector.broadcast %add3A_31 : i32 to vector<16xi32>
    %add3A_33 = arith.addi %mul3A_29, %add3A_32 : vector<16xi32>
    %gather3A_34 = tpu.vector_load_idx %arg9[%add3A_33] : memref<128xi32, #tpu.memory_space<vmem>>[vector<16xi32>], vector<16xi32>,
    %add3A_35 = arith.constant 32 : i32
    %add3A_36 = vector.broadcast %add3A_35 : i32 to vector<16xi32>
    %add3A_37 = arith.addi %add3A_36, %iota3A : vector<16xi32>
    %mul3A_38 = arith.constant 2 : i32
    %mul3A_39 = vector.broadcast %mul3A_38 : i32 to vector<16xi32>
    %mul3A_40 = arith.muli %add3A_37, %mul3A_39 : vector<16xi32>
    %gather3A_41 = tpu.vector_load_idx %arg9[%mul3A_40] : memref<128xi32, #tpu.memory_space<vmem>>[vector<16xi32>], vector<16xi32>,
    %add3A_42 = arith.constant 1 : i32
    %add3A_43 = vector.broadcast %add3A_42 : i32 to vector<16xi32>
    %add3A_44 = arith.addi %mul3A_40, %add3A_43 : vector<16xi32>
    %gather3A_45 = tpu.vector_load_idx %arg9[%add3A_44] : memref<128xi32, #tpu.memory_space<vmem>>[vector<16xi32>], vector<16xi32>,
    %add3A_46 = arith.constant 48 : i32
    %add3A_47 = vector.broadcast %add3A_46 : i32 to vector<16xi32>
    %add3A_48 = arith.addi %add3A_47, %iota3A : vector<16xi32>
    %mul3A_49 = arith.constant 2 : i32
    %mul3A_50 = vector.broadcast %mul3A_49 : i32 to vector<16xi32>
    %mul3A_51 = arith.muli %add3A_48, %mul3A_50 : vector<16xi32>
    %gather3A_52 = tpu.vector_load_idx %arg9[%mul3A_51] : memref<128xi32, #tpu.memory_space<vmem>>[vector<16xi32>], vector<16xi32>,
    %add3A_53 = arith.constant 1 : i32
    %add3A_54 = vector.broadcast %add3A_53 : i32 to vector<16xi32>
    %add3A_55 = arith.addi %mul3A_51, %add3A_54 : vector<16xi32>
    %gather3A_56 = tpu.vector_load_idx %arg9[%add3A_55] : memref<128xi32, #tpu.memory_space<vmem>>[vector<16xi32>], vector<16xi32>,
    %dma_wait3A = tpu.memref_slice %arg2[%mul3A_6] : memref<2097152xf32, #tpu.memory_space<hbm>> -> memref<32768xf32, #tpu.memory_space<hbm>>
    %dma_wait3A_57 = tpu.memref_slice %arg2[%mul3A_6] : memref<2097152xf32, #tpu.memory_space<hbm>> -> memref<32768xf32, #tpu.memory_space<hbm>>
    tpu.wait_dma2 semaphore(%arg10 : memref<!tpu.dma_semaphore, #tpu.memory_space<semaphore_mem>>) src(%dma_wait3A_57 : memref<32768xf32, #tpu.memory_space<hbm>>) dst(%arg5 : memref<32768xf32, #tpu.memory_space<vmem>>)
    %parallel_loop3A = arith.constant 0 : i32
    %parallel_loop3A_58 = arith.constant 256 : i32
    %parallel_loop3A_59 = arith.constant 1 : i32
    scf.for %parallel_loop3A_81 = %parallel_loop3A to %parallel_loop3A_58 step %parallel_loop3A_59  : i32 {
      %parallel_loop3A_82 = arith.constant 128 : i32
      %parallel_loop3A_83 = arith.muli %parallel_loop3A_81, %parallel_loop3A_82 : i32
      %parallel_loop3A_84 = arith.constant 64 : i32
      %parallel_loop3A_85 = arith.muli %parallel_loop3A_81, %parallel_loop3A_84 : i32
      %parallel_loop3A_86 = tpu.memref_slice %arg5[%parallel_loop3A_83] : memref<32768xf32, #tpu.memory_space<vmem>> -> memref<128xf32, #tpu.memory_space<vmem>>
      %parallel_loop3A_87 = tpu.vector_load_idx %parallel_loop3A_86[%gather3A] : memref<128xf32, #tpu.memory_space<vmem>>[vector<16xi32>], vector<16xf32>,
      %parallel_loop3A_88 = tpu.memref_slice %arg5[%parallel_loop3A_83] : memref<32768xf32, #tpu.memory_space<vmem>> -> memref<128xf32, #tpu.memory_space<vmem>>
      %parallel_loop3A_89 = tpu.vector_load_idx %parallel_loop3A_88[%gather3A_23] : memref<128xf32, #tpu.memory_space<vmem>>[vector<16xi32>], vector<16xf32>,
      %parallel_loop3A_90 = arith.subf %parallel_loop3A_89, %parallel_loop3A_87 : vector<16xf32>
      %parallel_loop3A_91 = arith.constant 2.500000e+01 : f32
      %parallel_loop3A_92 = vector.broadcast %parallel_loop3A_91 : f32 to vector<16xf32>
      %parallel_loop3A_93 = arith.mulf %parallel_loop3A_90, %parallel_loop3A_92 : vector<16xf32>
      %parallel_loop3A_94 = math.exp %parallel_loop3A_93 : vector<16xf32>
      %parallel_loop3A_95 = arith.constant 1.000000e+00 : f32
      %parallel_loop3A_96 = vector.broadcast %parallel_loop3A_95 : f32 to vector<16xf32>
      %parallel_loop3A_97 = arith.addf %parallel_loop3A_96, %parallel_loop3A_94 : vector<16xf32>
      %parallel_loop3A_98 = arith.constant 1.000000e+00 : f32
      %parallel_loop3A_99 = vector.broadcast %parallel_loop3A_98 : f32 to vector<16xf32>
      %parallel_loop3A_100 = arith.divf %parallel_loop3A_99, %parallel_loop3A_97 : vector<16xf32>
      %parallel_loop3A_101 = tpu.memref_slice %arg7[%parallel_loop3A_85] : memref<16384xf32, #tpu.memory_space<vmem>> -> memref<64xf32, #tpu.memory_space<vmem>>
      %parallel_loop3A_102 = arith.constant 0 : index
      %parallel_loop3A_103 = tpu.vector_load %parallel_loop3A_101[%parallel_loop3A_102] {strides = array<i32>} : memref<64xf32, #tpu.memory_space<vmem>>, vector<16xf32>,
      tpu.vector_store %parallel_loop3A_101[%parallel_loop3A_102], %parallel_loop3A_100 {strides = array<i32>} : memref<64xf32, #tpu.memory_space<vmem>>, vector<16xf32>,
      %parallel_loop3A_104 = tpu.memref_slice %arg5[%parallel_loop3A_83] : memref<32768xf32, #tpu.memory_space<vmem>> -> memref<128xf32, #tpu.memory_space<vmem>>
      %parallel_loop3A_105 = tpu.vector_load_idx %parallel_loop3A_104[%gather3A_30] : memref<128xf32, #tpu.memory_space<vmem>>[vector<16xi32>], vector<16xf32>,
      %parallel_loop3A_106 = tpu.memref_slice %arg5[%parallel_loop3A_83] : memref<32768xf32, #tpu.memory_space<vmem>> -> memref<128xf32, #tpu.memory_space<vmem>>
      %parallel_loop3A_107 = tpu.vector_load_idx %parallel_loop3A_106[%gather3A_34] : memref<128xf32, #tpu.memory_space<vmem>>[vector<16xi32>], vector<16xf32>,
      %parallel_loop3A_108 = arith.subf %parallel_loop3A_107, %parallel_loop3A_105 : vector<16xf32>
      %parallel_loop3A_109 = arith.constant 2.500000e+01 : f32
      %parallel_loop3A_110 = vector.broadcast %parallel_loop3A_109 : f32 to vector<16xf32>
      %parallel_loop3A_111 = arith.mulf %parallel_loop3A_108, %parallel_loop3A_110 : vector<16xf32>
      %parallel_loop3A_112 = math.exp %parallel_loop3A_111 : vector<16xf32>
      %parallel_loop3A_113 = arith.constant 1.000000e+00 : f32
      %parallel_loop3A_114 = vector.broadcast %parallel_loop3A_113 : f32 to vector<16xf32>
      %parallel_loop3A_115 = arith.addf %parallel_loop3A_114, %parallel_loop3A_112 : vector<16xf32>
      %parallel_loop3A_116 = arith.constant 1.000000e+00 : f32
      %parallel_loop3A_117 = vector.broadcast %parallel_loop3A_116 : f32 to vector<16xf32>
      %parallel_loop3A_118 = arith.divf %parallel_loop3A_117, %parallel_loop3A_115 : vector<16xf32>
      %parallel_loop3A_119 = tpu.memref_slice %arg7[%parallel_loop3A_85] : memref<16384xf32, #tpu.memory_space<vmem>> -> memref<64xf32, #tpu.memory_space<vmem>>
      %parallel_loop3A_120 = arith.constant 16 : index
      %parallel_loop3A_121 = tpu.vector_load %parallel_loop3A_119[%parallel_loop3A_120] {strides = array<i32>} : memref<64xf32, #tpu.memory_space<vmem>>, vector<16xf32>,
      tpu.vector_store %parallel_loop3A_119[%parallel_loop3A_120], %parallel_loop3A_118 {strides = array<i32>} : memref<64xf32, #tpu.memory_space<vmem>>, vector<16xf32>,
      %parallel_loop3A_122 = tpu.memref_slice %arg5[%parallel_loop3A_83] : memref<32768xf32, #tpu.memory_space<vmem>> -> memref<128xf32, #tpu.memory_space<vmem>>
      %parallel_loop3A_123 = tpu.vector_load_idx %parallel_loop3A_122[%gather3A_41] : memref<128xf32, #tpu.memory_space<vmem>>[vector<16xi32>], vector<16xf32>,
      %parallel_loop3A_124 = tpu.memref_slice %arg5[%parallel_loop3A_83] : memref<32768xf32, #tpu.memory_space<vmem>> -> memref<128xf32, #tpu.memory_space<vmem>>
      %parallel_loop3A_125 = tpu.vector_load_idx %parallel_loop3A_124[%gather3A_45] : memref<128xf32, #tpu.memory_space<vmem>>[vector<16xi32>], vector<16xf32>,
      %parallel_loop3A_126 = arith.subf %parallel_loop3A_125, %parallel_loop3A_123 : vector<16xf32>
      %parallel_loop3A_127 = arith.constant 2.500000e+01 : f32
      %parallel_loop3A_128 = vector.broadcast %parallel_loop3A_127 : f32 to vector<16xf32>
      %parallel_loop3A_129 = arith.mulf %parallel_loop3A_126, %parallel_loop3A_128 : vector<16xf32>
      %parallel_loop3A_130 = math.exp %parallel_loop3A_129 : vector<16xf32>
      %parallel_loop3A_131 = arith.constant 1.000000e+00 : f32
      %parallel_loop3A_132 = vector.broadcast %parallel_loop3A_131 : f32 to vector<16xf32>
      %parallel_loop3A_133 = arith.addf %parallel_loop3A_132, %parallel_loop3A_130 : vector<16xf32>
      %parallel_loop3A_134 = arith.constant 1.000000e+00 : f32
      %parallel_loop3A_135 = vector.broadcast %parallel_loop3A_134 : f32 to vector<16xf32>
      %parallel_loop3A_136 = arith.divf %parallel_loop3A_135, %parallel_loop3A_133 : vector<16xf32>
      %parallel_loop3A_137 = tpu.memref_slice %arg7[%parallel_loop3A_85] : memref<16384xf32, #tpu.memory_space<vmem>> -> memref<64xf32, #tpu.memory_space<vmem>>
      %parallel_loop3A_138 = arith.constant 32 : index
      %parallel_loop3A_139 = tpu.vector_load %parallel_loop3A_137[%parallel_loop3A_138] {strides = array<i32>} : memref<64xf32, #tpu.memory_space<vmem>>, vector<16xf32>,
      tpu.vector_store %parallel_loop3A_137[%parallel_loop3A_138], %parallel_loop3A_136 {strides = array<i32>} : memref<64xf32, #tpu.memory_space<vmem>>, vector<16xf32>,
      %parallel_loop3A_140 = tpu.memref_slice %arg5[%parallel_loop3A_83] : memref<32768xf32, #tpu.memory_space<vmem>> -> memref<128xf32, #tpu.memory_space<vmem>>
      %parallel_loop3A_141 = tpu.vector_load_idx %parallel_loop3A_140[%gather3A_52] : memref<128xf32, #tpu.memory_space<vmem>>[vector<16xi32>], vector<16xf32>,
      %parallel_loop3A_142 = tpu.memref_slice %arg5[%parallel_loop3A_83] : memref<32768xf32, #tpu.memory_space<vmem>> -> memref<128xf32, #tpu.memory_space<vmem>>
      %parallel_loop3A_143 = tpu.vector_load_idx %parallel_loop3A_142[%gather3A_56] : memref<128xf32, #tpu.memory_space<vmem>>[vector<16xi32>], vector<16xf32>,
      %parallel_loop3A_144 = arith.subf %parallel_loop3A_143, %parallel_loop3A_141 : vector<16xf32>
      %parallel_loop3A_145 = arith.constant 2.500000e+01 : f32
      %parallel_loop3A_146 = vector.broadcast %parallel_loop3A_145 : f32 to vector<16xf32>
      %parallel_loop3A_147 = arith.mulf %parallel_loop3A_144, %parallel_loop3A_146 : vector<16xf32>
      %parallel_loop3A_148 = math.exp %parallel_loop3A_147 : vector<16xf32>
      %parallel_loop3A_149 = arith.constant 1.000000e+00 : f32
      %parallel_loop3A_150 = vector.broadcast %parallel_loop3A_149 : f32 to vector<16xf32>
      %parallel_loop3A_151 = arith.addf %parallel_loop3A_150, %parallel_loop3A_148 : vector<16xf32>
      %parallel_loop3A_152 = arith.constant 1.000000e+00 : f32
      %parallel_loop3A_153 = vector.broadcast %parallel_loop3A_152 : f32 to vector<16xf32>
      %parallel_loop3A_154 = arith.divf %parallel_loop3A_153, %parallel_loop3A_151 : vector<16xf32>
      %parallel_loop3A_155 = tpu.memref_slice %arg7[%parallel_loop3A_85] : memref<16384xf32, #tpu.memory_space<vmem>> -> memref<64xf32, #tpu.memory_space<vmem>>
      %parallel_loop3A_156 = arith.constant 48 : index
      %parallel_loop3A_157 = tpu.vector_load %parallel_loop3A_155[%parallel_loop3A_156] {strides = array<i32>} : memref<64xf32, #tpu.memory_space<vmem>>, vector<16xf32>,
      tpu.vector_store %parallel_loop3A_155[%parallel_loop3A_156], %parallel_loop3A_154 {strides = array<i32>} : memref<64xf32, #tpu.memory_space<vmem>>, vector<16xf32>,
    } {sc.loop_unroll_factor = 8 : i64, sc.parallel_access}
    %add3A_60 = arith.constant 0 : i32
    %add3A_61 = arith.addi %mul3A_2, %add3A_60 : i32
    %mul3A_62 = arith.constant 64 : i32
    %mul3A_63 = arith.muli %add3A_61, %mul3A_62 : i32
    %dma_start3A_64 = tpu.memref_slice %arg4[%mul3A_63] : memref<1048576xf32, #tpu.memory_space<hbm>> -> memref<16384xf32, #tpu.memory_space<hbm>>
    %dma_start3A_65 = tpu.memref_slice %arg4[%mul3A_63] : memref<1048576xf32, #tpu.memory_space<hbm>> -> memref<16384xf32, #tpu.memory_space<hbm>>
    tpu.enqueue_dma source(%arg7 : memref<16384xf32, #tpu.memory_space<vmem>>) target(%dma_start3A_65 : memref<16384xf32, #tpu.memory_space<hbm>>) target_semaphore(%arg12 : memref<!tpu.dma_semaphore, #tpu.memory_space<semaphore_mem>>)
    %dma_wait3A_66 = tpu.memref_slice %arg2[%mul3A_11] : memref<2097152xf32, #tpu.memory_space<hbm>> -> memref<32768xf32, #tpu.memory_space<hbm>>
    %dma_wait3A_67 = tpu.memref_slice %arg2[%mul3A_11] : memref<2097152xf32, #tpu.memory_space<hbm>> -> memref<32768xf32, #tpu.memory_space<hbm>>
    tpu.wait_dma2 semaphore(%arg11 : memref<!tpu.dma_semaphore, #tpu.memory_space<semaphore_mem>>) src(%dma_wait3A_67 : memref<32768xf32, #tpu.memory_space<hbm>>) dst(%arg6 : memref<32768xf32, #tpu.memory_space<vmem>>)
    %parallel_loop3A_68 = arith.constant 0 : i32
    %parallel_loop3A_69 = arith.constant 256 : i32
    %parallel_loop3A_70 = arith.constant 1 : i32
    scf.for %parallel_loop3A_81 = %parallel_loop3A_68 to %parallel_loop3A_69 step %parallel_loop3A_70  : i32 {
      %parallel_loop3A_82 = arith.constant 128 : i32
      %parallel_loop3A_83 = arith.muli %parallel_loop3A_81, %parallel_loop3A_82 : i32
      %parallel_loop3A_84 = arith.constant 64 : i32
      %parallel_loop3A_85 = arith.muli %parallel_loop3A_81, %parallel_loop3A_84 : i32
      %parallel_loop3A_86 = tpu.memref_slice %arg6[%parallel_loop3A_83] : memref<32768xf32, #tpu.memory_space<vmem>> -> memref<128xf32, #tpu.memory_space<vmem>>
      %parallel_loop3A_87 = tpu.vector_load_idx %parallel_loop3A_86[%gather3A] : memref<128xf32, #tpu.memory_space<vmem>>[vector<16xi32>], vector<16xf32>,
      %parallel_loop3A_88 = tpu.memref_slice %arg6[%parallel_loop3A_83] : memref<32768xf32, #tpu.memory_space<vmem>> -> memref<128xf32, #tpu.memory_space<vmem>>
      %parallel_loop3A_89 = tpu.vector_load_idx %parallel_loop3A_88[%gather3A_23] : memref<128xf32, #tpu.memory_space<vmem>>[vector<16xi32>], vector<16xf32>,
      %parallel_loop3A_90 = arith.subf %parallel_loop3A_89, %parallel_loop3A_87 : vector<16xf32>
      %parallel_loop3A_91 = arith.constant 2.500000e+01 : f32
      %parallel_loop3A_92 = vector.broadcast %parallel_loop3A_91 : f32 to vector<16xf32>
      %parallel_loop3A_93 = arith.mulf %parallel_loop3A_90, %parallel_loop3A_92 : vector<16xf32>
      %parallel_loop3A_94 = math.exp %parallel_loop3A_93 : vector<16xf32>
      %parallel_loop3A_95 = arith.constant 1.000000e+00 : f32
      %parallel_loop3A_96 = vector.broadcast %parallel_loop3A_95 : f32 to vector<16xf32>
      %parallel_loop3A_97 = arith.addf %parallel_loop3A_96, %parallel_loop3A_94 : vector<16xf32>
      %parallel_loop3A_98 = arith.constant 1.000000e+00 : f32
      %parallel_loop3A_99 = vector.broadcast %parallel_loop3A_98 : f32 to vector<16xf32>
      %parallel_loop3A_100 = arith.divf %parallel_loop3A_99, %parallel_loop3A_97 : vector<16xf32>
      %parallel_loop3A_101 = tpu.memref_slice %arg8[%parallel_loop3A_85] : memref<16384xf32, #tpu.memory_space<vmem>> -> memref<64xf32, #tpu.memory_space<vmem>>
      %parallel_loop3A_102 = arith.constant 0 : index
      %parallel_loop3A_103 = tpu.vector_load %parallel_loop3A_101[%parallel_loop3A_102] {strides = array<i32>} : memref<64xf32, #tpu.memory_space<vmem>>, vector<16xf32>,
      tpu.vector_store %parallel_loop3A_101[%parallel_loop3A_102], %parallel_loop3A_100 {strides = array<i32>} : memref<64xf32, #tpu.memory_space<vmem>>, vector<16xf32>,
      %parallel_loop3A_104 = tpu.memref_slice %arg6[%parallel_loop3A_83] : memref<32768xf32, #tpu.memory_space<vmem>> -> memref<128xf32, #tpu.memory_space<vmem>>
      %parallel_loop3A_105 = tpu.vector_load_idx %parallel_loop3A_104[%gather3A_30] : memref<128xf32, #tpu.memory_space<vmem>>[vector<16xi32>], vector<16xf32>,
      %parallel_loop3A_106 = tpu.memref_slice %arg6[%parallel_loop3A_83] : memref<32768xf32, #tpu.memory_space<vmem>> -> memref<128xf32, #tpu.memory_space<vmem>>
      %parallel_loop3A_107 = tpu.vector_load_idx %parallel_loop3A_106[%gather3A_34] : memref<128xf32, #tpu.memory_space<vmem>>[vector<16xi32>], vector<16xf32>,
      %parallel_loop3A_108 = arith.subf %parallel_loop3A_107, %parallel_loop3A_105 : vector<16xf32>
      %parallel_loop3A_109 = arith.constant 2.500000e+01 : f32
      %parallel_loop3A_110 = vector.broadcast %parallel_loop3A_109 : f32 to vector<16xf32>
      %parallel_loop3A_111 = arith.mulf %parallel_loop3A_108, %parallel_loop3A_110 : vector<16xf32>
      %parallel_loop3A_112 = math.exp %parallel_loop3A_111 : vector<16xf32>
      %parallel_loop3A_113 = arith.constant 1.000000e+00 : f32
      %parallel_loop3A_114 = vector.broadcast %parallel_loop3A_113 : f32 to vector<16xf32>
      %parallel_loop3A_115 = arith.addf %parallel_loop3A_114, %parallel_loop3A_112 : vector<16xf32>
      %parallel_loop3A_116 = arith.constant 1.000000e+00 : f32
      %parallel_loop3A_117 = vector.broadcast %parallel_loop3A_116 : f32 to vector<16xf32>
      %parallel_loop3A_118 = arith.divf %parallel_loop3A_117, %parallel_loop3A_115 : vector<16xf32>
      %parallel_loop3A_119 = tpu.memref_slice %arg8[%parallel_loop3A_85] : memref<16384xf32, #tpu.memory_space<vmem>> -> memref<64xf32, #tpu.memory_space<vmem>>
      %parallel_loop3A_120 = arith.constant 16 : index
      %parallel_loop3A_121 = tpu.vector_load %parallel_loop3A_119[%parallel_loop3A_120] {strides = array<i32>} : memref<64xf32, #tpu.memory_space<vmem>>, vector<16xf32>,
      tpu.vector_store %parallel_loop3A_119[%parallel_loop3A_120], %parallel_loop3A_118 {strides = array<i32>} : memref<64xf32, #tpu.memory_space<vmem>>, vector<16xf32>,
      %parallel_loop3A_122 = tpu.memref_slice %arg6[%parallel_loop3A_83] : memref<32768xf32, #tpu.memory_space<vmem>> -> memref<128xf32, #tpu.memory_space<vmem>>
      %parallel_loop3A_123 = tpu.vector_load_idx %parallel_loop3A_122[%gather3A_41] : memref<128xf32, #tpu.memory_space<vmem>>[vector<16xi32>], vector<16xf32>,
      %parallel_loop3A_124 = tpu.memref_slice %arg6[%parallel_loop3A_83] : memref<32768xf32, #tpu.memory_space<vmem>> -> memref<128xf32, #tpu.memory_space<vmem>>
      %parallel_loop3A_125 = tpu.vector_load_idx %parallel_loop3A_124[%gather3A_45] : memref<128xf32, #tpu.memory_space<vmem>>[vector<16xi32>], vector<16xf32>,
      %parallel_loop3A_126 = arith.subf %parallel_loop3A_125, %parallel_loop3A_123 : vector<16xf32>
      %parallel_loop3A_127 = arith.constant 2.500000e+01 : f32
      %parallel_loop3A_128 = vector.broadcast %parallel_loop3A_127 : f32 to vector<16xf32>
      %parallel_loop3A_129 = arith.mulf %parallel_loop3A_126, %parallel_loop3A_128 : vector<16xf32>
      %parallel_loop3A_130 = math.exp %parallel_loop3A_129 : vector<16xf32>
      %parallel_loop3A_131 = arith.constant 1.000000e+00 : f32
      %parallel_loop3A_132 = vector.broadcast %parallel_loop3A_131 : f32 to vector<16xf32>
      %parallel_loop3A_133 = arith.addf %parallel_loop3A_132, %parallel_loop3A_130 : vector<16xf32>
      %parallel_loop3A_134 = arith.constant 1.000000e+00 : f32
      %parallel_loop3A_135 = vector.broadcast %parallel_loop3A_134 : f32 to vector<16xf32>
      %parallel_loop3A_136 = arith.divf %parallel_loop3A_135, %parallel_loop3A_133 : vector<16xf32>
      %parallel_loop3A_137 = tpu.memref_slice %arg8[%parallel_loop3A_85] : memref<16384xf32, #tpu.memory_space<vmem>> -> memref<64xf32, #tpu.memory_space<vmem>>
      %parallel_loop3A_138 = arith.constant 32 : index
      %parallel_loop3A_139 = tpu.vector_load %parallel_loop3A_137[%parallel_loop3A_138] {strides = array<i32>} : memref<64xf32, #tpu.memory_space<vmem>>, vector<16xf32>,
      tpu.vector_store %parallel_loop3A_137[%parallel_loop3A_138], %parallel_loop3A_136 {strides = array<i32>} : memref<64xf32, #tpu.memory_space<vmem>>, vector<16xf32>,
      %parallel_loop3A_140 = tpu.memref_slice %arg6[%parallel_loop3A_83] : memref<32768xf32, #tpu.memory_space<vmem>> -> memref<128xf32, #tpu.memory_space<vmem>>
      %parallel_loop3A_141 = tpu.vector_load_idx %parallel_loop3A_140[%gather3A_52] : memref<128xf32, #tpu.memory_space<vmem>>[vector<16xi32>], vector<16xf32>,
      %parallel_loop3A_142 = tpu.memref_slice %arg6[%parallel_loop3A_83] : memref<32768xf32, #tpu.memory_space<vmem>> -> memref<128xf32, #tpu.memory_space<vmem>>
      %parallel_loop3A_143 = tpu.vector_load_idx %parallel_loop3A_142[%gather3A_56] : memref<128xf32, #tpu.memory_space<vmem>>[vector<16xi32>], vector<16xf32>,
      %parallel_loop3A_144 = arith.subf %parallel_loop3A_143, %parallel_loop3A_141 : vector<16xf32>
      %parallel_loop3A_145 = arith.constant 2.500000e+01 : f32
      %parallel_loop3A_146 = vector.broadcast %parallel_loop3A_145 : f32 to vector<16xf32>
      %parallel_loop3A_147 = arith.mulf %parallel_loop3A_144, %parallel_loop3A_146 : vector<16xf32>
      %parallel_loop3A_148 = math.exp %parallel_loop3A_147 : vector<16xf32>
      %parallel_loop3A_149 = arith.constant 1.000000e+00 : f32
      %parallel_loop3A_150 = vector.broadcast %parallel_loop3A_149 : f32 to vector<16xf32>
      %parallel_loop3A_151 = arith.addf %parallel_loop3A_150, %parallel_loop3A_148 : vector<16xf32>
      %parallel_loop3A_152 = arith.constant 1.000000e+00 : f32
      %parallel_loop3A_153 = vector.broadcast %parallel_loop3A_152 : f32 to vector<16xf32>
      %parallel_loop3A_154 = arith.divf %parallel_loop3A_153, %parallel_loop3A_151 : vector<16xf32>
      %parallel_loop3A_155 = tpu.memref_slice %arg8[%parallel_loop3A_85] : memref<16384xf32, #tpu.memory_space<vmem>> -> memref<64xf32, #tpu.memory_space<vmem>>
      %parallel_loop3A_156 = arith.constant 48 : index
      %parallel_loop3A_157 = tpu.vector_load %parallel_loop3A_155[%parallel_loop3A_156] {strides = array<i32>} : memref<64xf32, #tpu.memory_space<vmem>>, vector<16xf32>,
      tpu.vector_store %parallel_loop3A_155[%parallel_loop3A_156], %parallel_loop3A_154 {strides = array<i32>} : memref<64xf32, #tpu.memory_space<vmem>>, vector<16xf32>,
    } {sc.loop_unroll_factor = 8 : i64, sc.parallel_access}
    %add3A_71 = arith.constant 256 : i32
    %add3A_72 = arith.addi %mul3A_2, %add3A_71 : i32
    %mul3A_73 = arith.constant 64 : i32
    %mul3A_74 = arith.muli %add3A_72, %mul3A_73 : i32
    %dma_start3A_75 = tpu.memref_slice %arg4[%mul3A_74] : memref<1048576xf32, #tpu.memory_space<hbm>> -> memref<16384xf32, #tpu.memory_space<hbm>>
    %dma_start3A_76 = tpu.memref_slice %arg4[%mul3A_74] : memref<1048576xf32, #tpu.memory_space<hbm>> -> memref<16384xf32, #tpu.memory_space<hbm>>
    tpu.enqueue_dma source(%arg8 : memref<16384xf32, #tpu.memory_space<vmem>>) target(%dma_start3A_76 : memref<16384xf32, #tpu.memory_space<hbm>>) target_semaphore(%arg13 : memref<!tpu.dma_semaphore, #tpu.memory_space<semaphore_mem>>)
    %dma_wait3A_77 = tpu.memref_slice %arg4[%mul3A_63] : memref<1048576xf32, #tpu.memory_space<hbm>> -> memref<16384xf32, #tpu.memory_space<hbm>>
    %dma_wait3A_78 = tpu.memref_slice %arg4[%mul3A_63] : memref<1048576xf32, #tpu.memory_space<hbm>> -> memref<16384xf32, #tpu.memory_space<hbm>>
    tpu.wait_dma2 semaphore(%arg12 : memref<!tpu.dma_semaphore, #tpu.memory_space<semaphore_mem>>) src(%arg7 : memref<16384xf32, #tpu.memory_space<vmem>>) dst(%dma_wait3A_78 : memref<16384xf32, #tpu.memory_space<hbm>>)
    %dma_wait3A_79 = tpu.memref_slice %arg4[%mul3A_74] : memref<1048576xf32, #tpu.memory_space<hbm>> -> memref<16384xf32, #tpu.memory_space<hbm>>
    %dma_wait3A_80 = tpu.memref_slice %arg4[%mul3A_74] : memref<1048576xf32, #tpu.memory_space<hbm>> -> memref<16384xf32, #tpu.memory_space<hbm>>
    tpu.wait_dma2 semaphore(%arg13 : memref<!tpu.dma_semaphore, #tpu.memory_space<semaphore_mem>>) src(%arg8 : memref<16384xf32, #tpu.memory_space<vmem>>) dst(%dma_wait3A_80 : memref<16384xf32, #tpu.memory_space<hbm>>)
    return
  }
}

</mosaic_0001>

<sc_bundles>
// kernel: kernel.3.cloned.1.call-start
scs
__scs_entry_jumppad:
0x0: {  	(pc) =	sbr.rel $0x88, $3  }
0x1: {  	(tag) =	ssettag $0x0;
	lr =	simm.s32 $0x1  }
0x2: {  	[smem:$0x3F9F] =	sst lr;
	_ =	strace $0xD0000000  }
0x3: {  	_ = 	snop  }
0x4: {  	_ = 	snop  }
0x5: {  	_ = 	snop  }
0x6: {  	_ = 	snop  }
0x7: {  	_ = 	snop  }
__scs_overlays_trampoline_lowered:
0x8: {  	[smem:$0x3FAE] =	sst s0  }
0x9: {  	[smem:$0x3FAF] =	sst s1  }
0xa: {  	[smem:$0x3FB0] =	sst s2  }
0xb: {  	[smem:$0x3FB1] =	sst s3  }
0xc: {  	[smem:$0x3FB2] =	sst s4  }
0xd: {  	[smem:$0x3FB3] =	sst s5  }
0xe: {  	[smem:$0x3FB4] =	sst s6  }
0xf: {  	[smem:$0x3FB5] =	sst s7  }
0x10: {  	[smem:$0x3FB6] =	sst s8  }
0x11: {  	[smem:$0x3FB7] =	sst s9;
	s0 =	simm.s32 @!p0 $0x0  }
0x12: {  	s1 =	sld [smem:$0x3F9D];
	s0 =	simm.s32 @p0 $0x1  }
0x13: {  	[smem:$0x3FB8] =	sst s0;
	s0 =	simm.s32 @!p1 $0x0  }
0x14: {  	s2 =	sld [smem:$0x3F9C];
	s0 =	simm.s32 @p1 $0x1  }
0x15: {  	[smem:$0x3FB9] =	sst s0;
	s0 =	simm.s32 @!p2 $0x0  }
0x16: {  	s3 =	sld [smem:$0x3FDB];
	s0 =	simm.s32 @p2 $0x1  }
0x17: {  	s4 =	simm.s32 $0x1BF5;
	[smem:$0x3FBB] =	sst s0  }
0x18: {  	s0 =	sld [smem:$0x3F9E];
	_ =	swait.ge [sflag:s4], $0x0  }
0x19: {  	s7 =	sld [smem:$0x3F9F]  }
0x1a: {  	s8 =	sadd.s32 $0xFFFFE003, lr  }
0x1b: {  	s9 =	sadd.s32 $0xFFFFFEF7, lr;
	s5 =	simm.s32 $0xFFFFFFFF;
	p2 =	slt.u32 s8, $0xFFFFF086  }
0x1c: {  	p1 =	slt.u32 s9, $0xF7A;
	s5 =	simm.s32 @!p2 $0x0  }
0x1d: {  	s5 =	simm.s32 @p1 $0x1;
	p0 =	seq.s32 s7, s2  }
0x1e: {  	s7 =	smul.u32 @!p0 $0xF7A, s2;
	p2 =	seq.s32 @!p0 s5, $0x0  }
0x1f: {  	s9 =	smul.u32 $0xF7A, s1;
	s8 =	simm.s32 @!p0 $0x1BF5;
	p2 =	por !p2, p0  }
0x20: {  	[sflag:s8] =	ssyncset.s32 @!p0 $0xFFFFF086;
	s6 =	sadd.s32 @!p0 s3, s7;
	s7 =	simm.s32 @!p0 $0x108  }
0x21: {  	s3 =	sadd.s32 s3, s9;
	s6 =	sadd.s32 @!p0 $0x88, s6;
	s7 =	simm.s32 @p2 $0x1082  }
0x22: {  	[simem:s7], [sflag:s8] =	dma.local @!p0 [hbm:s6], $0xF7A  }
0x23: {  	s9 =	sor.u32 $0xD0000000, s2;
	s6 =	simm.s32 $0x108;
	_ =	swait.ge @!p0 [sflag:s8], $0x0  }
0x24: {  	s3 =	sadd.s32 $0x88, s3;
	s6 =	simm.s32 @!p1 $0x1082;
	[sflag:s4] =	ssyncset.s32 $0xFFFFF086  }
0x25: {  	[simem:s6], [sflag:s4] =	dma.local [hbm:s3], $0xF7A  }
0x26: {  	[smem:$0x3F9F] =	sst s1;
	(tag) =	ssettag s2;
	_ =	strace s9  }
0x27: {  	s1 =	sld [smem:$0x3FAF]  }
0x28: {  	s2 =	sld [smem:$0x3FB0]  }
0x29: {  	s4 =	sld [smem:$0x3FB2]  }
0x2a: {  	p0 =	seq.s32 s5, $0x0;
	s5 =	sld [smem:$0x3FB3]  }
0x2b: {  	s6 =	sld [smem:$0x3FB4]  }
0x2c: {  	s7 =	sld [smem:$0x3FB5]  }
0x2d: {  	s3 =	simm.s32 $0x108;
	s8 =	sld [smem:$0x3FB6]  }
0x2e: {  	s3 =	simm.s32 @!p0 $0x1082;
	s9 =	sld [smem:$0x3FB7]  }
0x2f: {  	lr =	sadd.s32 s0, s3;
	s0 =	sld [smem:$0x3FAE]  }
0x30: {  	s3 =	sld [smem:$0x3FB1]  }
0x31: {  	[smem:$0x3FBA] =	sst s10  }
0x32: {  	s10 =	sld [smem:$0x3FB8];
	_ =	sdelay $0x3  }
0x33: {  	p0 =	seq.s32 s10, $0x1;
	s10 =	sld [smem:$0x3FBA];
	_ =	sdelay $0x3  }
0x34: {  	[smem:$0x3FBA] =	sst s10  }
0x35: {  	s10 =	sld [smem:$0x3FB9];
	_ =	sdelay $0x3  }
0x36: {  	p1 =	seq.s32 s10, $0x1;
	s10 =	sld [smem:$0x3FBA];
	_ =	sdelay $0x3  }
0x37: {  	[smem:$0x3FBA] =	sst s10  }
0x38: {  	s10 =	sld [smem:$0x3FBB]  }
0x39: {  	_ = 	snop;
	(pc) =	sbr.ind lr, $3  }
0x3a: {  	_ = 	snop  }
0x3b: {  	_ = 	snop  }
0x3c: {  	p2 =	seq.s32 s10, $0x1;
	s10 =	sld [smem:$0x3FBA]  }
0x3d: {  	_ =	shalt  }
0x3e: {  	_ =	shalt  }
0x3f: {  	_ =	shalt  }
0x40: {  	_ =	shalt  }
0x41: {  	_ =	shalt  }
0x42: {  	_ =	shalt  }
0x43: {  	_ =	shalt  }
0x44: {  	_ =	shalt  }
0x45: {  	_ =	shalt  }
0x46: {  	_ =	shalt  }
0x47: {  	_ =	shalt  }
0x48: {  	_ =	shalt  }
0x49: {  	_ =	shalt  }
0x4a: {  	_ =	shalt  }
0x4b: {  	_ =	shalt  }
0x4c: {  	_ =	shalt  }
0x4d: {  	_ =	shalt  }
0x4e: {  	_ =	shalt  }
0x4f: {  	_ =	shalt  }
0x50: {  	_ =	shalt  }
0x51: {  	_ =	shalt  }
0x52: {  	_ =	shalt  }
0x53: {  	_ =	shalt  }
0x54: {  	_ =	shalt  }
0x55: {  	_ =	shalt  }
0x56: {  	_ =	shalt  }
0x57: {  	_ =	shalt  }
0x58: {  	_ =	shalt  }
0x59: {  	_ =	shalt  }
0x5a: {  	_ =	shalt  }
0x5b: {  	_ =	shalt  }
0x5c: {  	_ =	shalt  }
0x5d: {  	_ =	shalt  }
0x5e: {  	_ =	shalt  }
0x5f: {  	_ =	shalt  }
0x60: {  	_ =	shalt  }
0x61: {  	_ =	shalt  }
0x62: {  	_ =	shalt  }
0x63: {  	_ =	shalt  }
0x64: {  	_ =	shalt  }
0x65: {  	_ =	shalt  }
0x66: {  	_ =	shalt  }
0x67: {  	_ =	shalt  }
0x68: {  	_ =	shalt  }
0x69: {  	_ =	shalt  }
0x6a: {  	_ =	shalt  }
0x6b: {  	_ =	shalt  }
0x6c: {  	_ =	shalt  }
0x6d: {  	_ =	shalt  }
0x6e: {  	_ =	shalt  }
0x6f: {  	_ =	shalt  }
0x70: {  	_ =	shalt  }
0x71: {  	_ =	shalt  }
0x72: {  	_ =	shalt  }
0x73: {  	_ =	shalt  }
0x74: {  	_ =	shalt  }
0x75: {  	_ =	shalt  }
0x76: {  	_ =	shalt  }
0x77: {  	_ =	shalt  }
0x78: {  	_ =	shalt  }
0x79: {  	_ =	shalt  }
0x7a: {  	_ =	shalt  }
0x7b: {  	_ =	shalt  }
0x7c: {  	_ =	shalt  }
0x7d: {  	_ =	shalt  }
0x7e: {  	_ =	shalt  }
0x7f: {  	_ =	shalt  }
0x80: {  	_ =	shalt  }
0x81: {  	_ =	shalt  }
0x82: {  	_ =	shalt  }
0x83: {  	_ =	shalt  }
0x84: {  	_ =	shalt  }
0x85: {  	_ =	shalt  }
0x86: {  	_ =	shalt  }
0x87: {  	_ =	shalt  }
.Lfunc_end0:
.L_simem_size_0:
called_computation_lowered:
.L_overlay_start_0:
0x88: {  	s2 =	sld [smem:$0x3FD9]  }
0x89: {  	s3 =	sld [smem:$0x3FFE];
	_ =	sdelay $0x1  }
0x8a: {  	s1 =	srdreg.scid  }
0x8b: {  	s0 =	sand.u32 $0x1, s1  }
0x8c: {  	s17 =	sshll.u32 s0, $0xA;
	s2 =	sadd.s32 s3, s2  }
0x8d: {  	s2 =	sadd.s32 s2, s17  }
0x8e: {  	[smem:$0x3FC6] =	sst s2  }
0x8f: {  	_ = 	snop  }
0x90: {  	s2 =	sld [smem:$0x3FC9]  }
0x91: {  	s18 =	sld [smem:$0x3FD0];
	(tm) =	ssettm $0x1  }
0x92: {  	s4 =	sld [smem:$0x3FFB];
	_ =	sdelay $0x3  }
0x93: {  	_ =	strace s4  }
0x94: {  	s4 =	sld [smem:$0x3FFC];
	_ =	sdelay $0x3  }
0x95: {  	_ =	strace s4  }
0x96: {  	s4 =	sld [smem:$0x3FFD];
	_ =	sdelay $0x3  }
0x97: {  	_ =	strace s4  }
0x98: {  	_ =	strace $0x8FFFFFFF  }
0x99: {  	s19 =	sld [smem:$0x3FDB];
	_ =	sdelay $0x1  }
0x9a: {  	s5 =	simm.s32 $_scs_section_size  }
0x9b: {  	s6 =	simm.s32 $_size__tile_overlayer_lowered;
	s7 =	simm.s32 $_tile_overlayer_lowered  }
0x9c: {  	s22 =	simm.s32 $0x1BFF;
	s21 =	sshll.u32 s7, $0x1;
	s4 =	sadd.s32 s5, s19  }
0x9d: {  	s8 =	simm.s32 $0x0;
	s20 =	sshll.u32 s6, $0x1;
	s6 =	sadd.s32 s21, s4  }
0x9e: {  	[timem:s8], [sflag:s22] =	dma.local [hbm:s6], s20  }
0x9f: {  	_ =	swait.ge [sflag:s22], s20  }
0xa0: {  	s5 =	ssub.s32 $0x0, s20;
	[sflag:s22] =	ssyncset.done $0x0  }
0xa1: {  	[sflag:s22] =	ssyncadd.s32 s5;
	_ =	sdelay $0x1  }
0xa2: {  	s23 =	simm.s32 $0x1B8B  }
0xa3: {  	_ =	swait.ge [sflag:s23], $0x1  }
0xa4: {  	[sflag:s23] =	ssyncset.done $0x0  }
0xa5: {  	s25 =	simm.s32 $0x1B8E;
	s24 =	sld [smem:$0x3FFE];
	[sflag:s23] =	ssyncadd.s32 $0xFFFFFFFF  }
0xa6: {  	s26 =	simm.s32 $execute0_lowered;
	[smem:$0x3FD2] =	sst s25  }
0xa7: {  	s6 =	sshll.u32 s26, $0x1;
	_ =	strace $0x80000046;
	[dreg:$0x1] =	wrdreg $0xFFFFFFFF  }
0xa8: {  	s28 =	simm.s32 $_size_execute0_lowered;
	s4 =	sadd.s32 s4, s6;
	[dreg:$0x0] =	wrdreg $0x0  }
0xa9: {  	s6 =	sshll.u32 s28, $0x1;
	[dreg:$0x2] =	wrdreg s4  }
0xaa: {  	[dreg:$0x3] =	wrdreg s6  }
0xab: {  	[dreg:$0x4] =	wrdreg $0xC0  }
0xac: {  	_ =	task [dreg:s8], $0x5FFFF  }
0xad: {  	[dreg:$0x1] =	wrdreg $0xFFFFFFFF  }
0xae: {  	[dreg:$0x0] =	wrdreg $0x60  }
0xaf: {  	[dreg:$0x2] =	wrdreg s2  }
0xb0: {  	[dreg:$0x3] =	wrdreg s24  }
0xb1: {  	[dreg:$0x4] =	wrdreg s18  }
0xb2: {  	[dreg:$0x5] =	wrdreg $0x9  }
0xb3: {  	_ =	task.clear_ibuf [dreg:s8], $0x6FFFF;
	_ =	strace $0x90000046  }
0xb4: {  	s29 =	simm.s32 $0x9;
	_ =	strace $0x80000048  }
0xb5: {  	_ =	swait.ge [sflag:s29], $0x1  }
0xb6: {  	[sflag:s29] =	ssyncadd.s32 $0xFFFFFFFF  }
0xb7: {  	_ =	strace $0x90000048  }
0xb8: {  	_ =	sfence  }
0xb9: {  	s30 =	sld [smem:$0x0];
	_ =	sdelay $0x2  }
0xba: {  	s31 =	sshll.u32 s1, $0xD;
	s1 =	sshrl.u32 s1, $0x2  }
0xbb: {  	s3 =	sand.u32 $0x4000, s31;
	s1 =	sadd.s32 s1, s30  }
0xbc: {  	s0 =	sor.u32 s3, s0;
	s1 =	sshll.u32 s1, $0x11  }
0xbd: {  	s0 =	sor.u32 s1, s0  }
0xbe: {  	s0 =	sadd.s32 $0x8F2B, s0  }
0xbf: {  	[sflag:s0] =	ssyncadd.remote.s32 $0x1  }
0xc0: {  	_ =	sfence.sel $0xFFFF  }
0xc1: {  	[dreg:$0x0] =	wrdreg $0xFFFFFFFF;
	(pc) =	sbr.abs _section_cstart, $3  }
0xc2: {  	[dreg:$0x1] =	wrdreg $0xFFFFFFFF  }
0xc3: {  	_ =	task.clear_ibuf [dreg:s8], $0x2FFFF;
	_ =	strace $0x9FFFFFFF  }
0xc4: {  	(tm) =	ssettm $0x7FFFFFFF  }
0xc5: {  	_ =	shalt  }
tec
execute0_lowered:
.L_overlay_start_1:
0x0: {  	(tag) =	ssettag $0x1  }
0x1: {  	s5 =	rddreg [dreg:$0x0]  }
0x2: {  	s3 =	rddreg [dreg:$0x1]  }
0x3: {  	s7 =	rddreg [dreg:$0x2]  }
0x4: {  	s0 =	rddreg [dreg:$0x3]  }
0x5: {  	s2 =	simm.s32 $0x0;
	s4 =	srdreg.scid;
	s1 =	stileid.u32  }
0x6: {  	s11 =	simm.s32 $0x5;
	s12 =	simm.s32 $0x1;
	s13 =	simm.s32 $0x10000  }
0x7: {  	s14 =	simm.s32 $0x2;
	s15 =	simm.s32 $0x14000;
	s16 =	simm.s32 $0x3  }
0x8: {  	s17 =	simm.s32 $0x4;
	s18 =	simm.s32 $0x0;
	[smem:$0x7FF] =	sst s2  }
0x9: {  	s4 =	sand.u32 $0x1, s4;
	s6 =	sshll.u32 s1, $0x1;
	s3 =	sadd.s32 $0x400, s3  }
0xa: {  	v0 =	vlaneseq.u32;
	_ =	strace $0x80000047;
	s8 =	ssub.s32 $0x2, s4;
	s6 =	sor.u32 s4, s6  }
0xb: {  	v0 =	vmul.u32 $0x2, v0;
	s30 =	sshrl.u32 s8, $0x1;
	s9 =	sshll.u32 s6, $0x9;
	s31 =	sshll.u32 s6, $0xD  }
0xc: {  	s6 =	sshll.u32 s6, $0xC;
	s8 =	ssub.s32 s8, s30;
	s9 =	sor.u32 $0x100, s9  }
0xd: {  	v1 =	vor.u32 $0x1, v0;
	s4 =	sadd.s32 s5, s31;
	s6 =	sadd.s32 s7, s6;
	s10 =	sshll.u32 s9, $0x4  }
0xe: {  	v2 =	vor.u32 $0x20, v0;
	v3 =	vor.u32 $0x21, v0;
	v4 =	vor.u32 $0x40, v0;
	s9 =	sshll.u32 s9, $0x3;
	s8 =	smax.u32 s8, $0x1;
	s5 =	sadd.s32 s5, s10  }
0xf: {  	v5 =	vor.u32 $0x41, v0;
	v6 =	vor.u32 $0x60, v0;
	v7 =	vor.u32 $0x61, v0;
	s7 =	sadd.s32 s7, s9;
	s9 =	simm.s32 $0x8000;
	s10 =	simm.s32 $0x18000  }
.LBB2_1:
0x10: {  	[tilespmem:s2], [sflag:$0x1] =	stream.linear.gather [hbm4b:s4+s2], $0x8000, $0x38;
	[tilespmem:$0x18080] =	vst v63  }
0x11: {  	_ = 	snop  }
0x12: {  	[tilespmem:s9], [sflag:$0x2] =	stream.linear.gather [hbm4b:s5+s2], $0x8000, $0x38;
	[tilespmem:$0x18080] =	vst v63  }
0x13: {  	_ = 	snop  }
0x14: {  	[tilespmem:s10], [sflag:$0x5] =	stream.linear.gather [hbm4b:s3+s2], $0x80, $0x38;
	[tilespmem:$0x18080] =	vst v63  }
0x15: {  	_ =	swait.ge [sflag:s11], $0x80  }
0x16: {  	[sflag:s11] =	ssyncset.done $0x0  }
0x17: {  	[sflag:s11] =	ssyncadd.s32 $0xFFFFFF80  }
0x18: {  	v12 =	vld.idx.msk [tilespmem:v0+s10+$0x0], $0xffff  }
0x19: {  	v13 =	vld.idx.msk [tilespmem:v1+s10+$0x0], $0xffff  }
0x1a: {  	v14 =	vld.idx.msk [tilespmem:v2+s10+$0x0], $0xffff  }
0x1b: {  	v15 =	vld.idx.msk [tilespmem:v3+s10+$0x0], $0xffff  }
0x1c: {  	v11 =	vld.idx.msk [tilespmem:v4+s10+$0x0], $0xffff  }
0x1d: {  	v10 =	vld.idx.msk [tilespmem:v5+s10+$0x0], $0xffff  }
0x1e: {  	v9 =	vld.idx.msk [tilespmem:v6+s10+$0x0], $0xffff  }
0x1f: {  	v8 =	vld.idx.msk [tilespmem:v7+s10+$0x0], $0xffff;
	_ =	swait.ge [sflag:s12], $0x8000  }
0x20: {  	[sflag:s12] =	ssyncset.done $0x0  }
0x21: {  	s23 =	simm.s32 $0x380;
	[sflag:s12] =	ssyncadd.s32 $0xFFFF8000  }
0x22: {  	v16 =	vld.idx.msk [tilespmem:v12+s23+$0x0], $0xffff  }
0x23: {  	v17 =	vld.idx.msk [tilespmem:v13+s23+$0x0], $0xffff  }
0x24: {  	v19 =	vld.idx.msk [tilespmem:v12+s23+$0xFFFFFD00], $0xffff  }
0x25: {  	v20 =	vld.idx.msk [tilespmem:v13+s23+$0xFFFFFD00], $0xffff  }
0x26: {  	v21 =	vld.idx.msk [tilespmem:v12+s23+$0xFFFFFD80], $0xffff  }
0x27: {  	v22 =	vld.idx.msk [tilespmem:v13+s23+$0xFFFFFD80], $0xffff  }
0x28: {  	v23 =	vld.idx.msk [tilespmem:v13+s23+$0xFFFFFE00], $0xffff  }
0x29: {  	v24 =	vld.idx.msk [tilespmem:v12+s23+$0xFFFFFE80], $0xffff;
	v16 =	vsub.f32 v17, v16  }
0x2a: {  	v25 =	vld.idx.msk [tilespmem:v12+s23+$0xFFFFFF00], $0xffff  }
0x2b: {  	v17 =	vld.idx.msk [tilespmem:v12+s23+$0xFFFFFE00], $0xffff;
	v16 =	vmul.f32 $2.500000000e+01, v16  }
0x2c: {  	v19 =	vsub.f32 v20, v19;
	v20 =	vld.idx.msk [tilespmem:v13+s23+$0xFFFFFE80], $0xffff  }
0x2d: {  	v21 =	vsub.f32 v22, v21;
	v22 =	vld.idx.msk [tilespmem:v13+s23+$0xFFFFFF00], $0xffff;
	v16 =	vmul.f32 $1.442695020e+00, v16  }
0x2e: {  	v18 =	vld.idx.msk [tilespmem:v13+s23+$0xFFFFFC80], $0xffff;
	v19 =	vmul.f32 $2.500000000e+01, v19  }
0x2f: {  	v26 =	vld.idx.msk [tilespmem:v12+s23+$0xFFFFFC80], $0xffff;
	(erf) = vpow2.f32 v16  }
0x30: {  	v21 =	vmul.f32 $2.500000000e+01, v21;
	v19 =	vmul.f32 $1.442695020e+00, v19;
	v17 =	vsub.f32 v23, v17;
	v23 =	vld.idx.msk [tilespmem:v13+s23+$0xFFFFFF80], $0xffff  }
0x31: {  	v20 =	vsub.f32 v20, v24;
	v16 =	vld.idx.msk [tilespmem:v12+s23+$0xFFFFFF80], $0xffff  }
0x32: {  	v21 =	vmul.f32 $1.442695020e+00, v21;
	(erf) = vpow2.f32 v19;
	v19 =	vsub.f32 v22, v25  }
0x33: {  	v17 =	vmul.f32 $2.500000000e+01, v17;
	v20 =	vmul.f32 $2.500000000e+01, v20  }
0x34: {  	v18 =	vsub.f32 v18, v26;
	(erf) = vpow2.f32 v21;
	v19 =	vmul.f32 $2.500000000e+01, v19  }
0x35: {  	v17 =	vmul.f32 $1.442695020e+00, v17  }
0x36: {  	v18 =	vmul.f32 $2.500000000e+01, v18;
	v20 =	vmul.f32 $1.442695020e+00, v20;
	v16 =	vsub.f32 v23, v16  }
0x37: {  	(erf) = vpow2.f32 v17;
	v17 =	vmul.f32 $1.442695020e+00, v19  }
0x38: {  	(erf) = vpow2.f32 v20;
	v16 =	vmul.f32 $2.500000000e+01, v16;
	v19 =	vpop (erf)  }
0x39: {  	(erf) = vpow2.f32 v17;
	v17 =	vmul.f32 $1.442695020e+00, v18;
	v19 =	vadd.f32 $1.000000000e+00, v19  }
0x3a: {  	v16 =	vmul.f32 $1.442695020e+00, v16  }
0x3b: {  	v18 =	vpop (erf);
	(erf) = vrcp.f32 v19  }
0x3c: {  	(erf) = vpow2.f32 v16;
	v16 =	vadd.f32 $1.000000000e+00, v18  }
0x3d: {  	(erf) = vpow2.f32 v17;
	v17 =	vpop (erf)  }
0x3e: {  	v17 =	vadd.f32 $1.000000000e+00, v17;
	_ =	sdelay $0x1  }
0x3f: {  	(erf) = vrcp.f32 v16;
	v16 =	vpop (erf)  }
0x40: {  	v16 =	vadd.f32 $1.000000000e+00, v16  }
0x41: {  	(erf) = vrcp.f32 v17;
	v17 =	vpop (erf)  }
0x42: {  	v17 =	vadd.f32 $1.000000000e+00, v17;
	_ =	sdelay $0x1  }
0x43: {  	(erf) = vrcp.f32 v16;
	v16 =	vpop (erf)  }
0x44: {  	v18 =	vpop (erf)  }
0x45: {  	s19 =	simm.s32 $0x10100;
	(erf) = vrcp.f32 v17;
	v16 =	vadd.f32 $1.000000000e+00, v16;
	v17 =	vpop (erf)  }
0x46: {  	[tilespmem:s19+$0xC0] =	vst v18;
	v17 =	vadd.f32 $1.000000000e+00, v17;
	v19 =	vpop (erf)  }
0x47: {  	v18 =	vld.idx.msk [tilespmem:v14+s23+$0x0], $0xffff;
	(erf) = vrcp.f32 v16;
	v16 =	vadd.f32 $1.000000000e+00, v19  }
0x48: {  	v19 =	vld.idx.msk [tilespmem:v15+s23+$0x0], $0xffff;
	v20 =	vpop (erf);
	(erf) = vrcp.f32 v17  }
0x49: {  	[tilespmem:s19+$0xFFFFFF40] =	vst v20;
	(erf) = vrcp.f32 v16  }
0x4a: {  	v16 =	vld.idx.msk [tilespmem:v14+s23+$0xFFFFFD00], $0xffff;
	v17 =	vpop (erf)  }
0x4b: {  	v20 =	vld.idx.msk [tilespmem:v15+s23+$0xFFFFFD00], $0xffff;
	[tilespmem:s19+$0xFFFFFF80] =	vst v17  }
0x4c: {  	v21 =	vpop (erf);
	v17 =	vld.idx.msk [tilespmem:v14+s23+$0xFFFFFD80], $0xffff  }
0x4d: {  	v18 =	vsub.f32 v19, v18;
	v19 =	vld.idx.msk [tilespmem:v15+s23+$0xFFFFFD80], $0xffff;
	[tilespmem:s19+$0xFFFFFFC0] =	vst v21  }
0x4e: {  	v22 =	vpop (erf);
	v21 =	vld.idx.msk [tilespmem:v14+s23+$0xFFFFFE00], $0xffff  }
0x4f: {  	v23 =	vld.idx.msk [tilespmem:v15+s23+$0xFFFFFE00], $0xffff;
	[tilespmem:s19+$0x0] =	vst v22;
	v18 =	vmul.f32 $2.500000000e+01, v18  }
0x50: {  	v24 =	vld.idx.msk [tilespmem:v14+s23+$0xFFFFFE80], $0xffff;
	v22 =	vpop (erf)  }
0x51: {  	v16 =	vsub.f32 v20, v16;
	v20 =	vld.idx.msk [tilespmem:v15+s23+$0xFFFFFE80], $0xffff;
	v18 =	vmul.f32 $1.442695020e+00, v18;
	[tilespmem:s19+$0x40] =	vst v22;
	v22 =	vpop (erf)  }
0x52: {  	v25 =	vld.idx.msk [tilespmem:v14+s23+$0xFFFFFF00], $0xffff;
	v26 =	vpop (erf)  }
0x53: {  	v17 =	vsub.f32 v19, v17;
	(erf) = vpow2.f32 v18;
	v18 =	vld.idx.msk [tilespmem:v15+s23+$0xFFFFFF00], $0xffff;
	[tilespmem:s19+$0xFFFFFF00] =	vst v26  }
0x54: {  	v16 =	vmul.f32 $2.500000000e+01, v16;
	v19 =	vld.idx.msk [tilespmem:v14+s23+$0xFFFFFC80], $0xffff  }
0x55: {  	[tilespmem:s19+$0x80] =	vst v22;
	v17 =	vmul.f32 $2.500000000e+01, v17;
	v22 =	vld.idx.msk [tilespmem:v15+s23+$0xFFFFFC80], $0xffff  }
0x56: {  	v16 =	vmul.f32 $1.442695020e+00, v16;
	v21 =	vsub.f32 v23, v21  }
0x57: {  	v23 =	vld.idx.msk [tilespmem:v14+s23+$0xFFFFFF80], $0xffff;
	v20 =	vsub.f32 v20, v24;
	v17 =	vmul.f32 $1.442695020e+00, v17  }
0x58: {  	v24 =	vld.idx.msk [tilespmem:v15+s23+$0xFFFFFF80], $0xffff;
	v21 =	vmul.f32 $2.500000000e+01, v21;
	(erf) = vpow2.f32 v16  }
0x59: {  	v16 =	vmul.f32 $2.500000000e+01, v20;
	v18 =	vsub.f32 v18, v25;
	(erf) = vpow2.f32 v17  }
0x5a: {  	v20 =	vmul.f32 $1.442695020e+00, v21;
	v17 =	vsub.f32 v22, v19  }
0x5b: {  	v16 =	vmul.f32 $1.442695020e+00, v16;
	v18 =	vmul.f32 $2.500000000e+01, v18  }
0x5c: {  	(erf) = vpow2.f32 v20;
	v19 =	vpop (erf);
	v17 =	vmul.f32 $2.500000000e+01, v17  }
0x5d: {  	v20 =	vsub.f32 v24, v23;
	v18 =	vmul.f32 $1.442695020e+00, v18;
	v19 =	vadd.f32 $1.000000000e+00, v19  }
0x5e: {  	(erf) = vpow2.f32 v16;
	v17 =	vmul.f32 $1.442695020e+00, v17  }
0x5f: {  	v16 =	vmul.f32 $2.500000000e+01, v20;
	(erf) = vrcp.f32 v19;
	_ =	sdelay $0x1  }
0x60: {  	v16 =	vmul.f32 $1.442695020e+00, v16;
	(erf) = vpow2.f32 v18;
	v18 =	vpop (erf)  }
0x61: {  	v18 =	vadd.f32 $1.000000000e+00, v18;
	(erf) = vpow2.f32 v17;
	v17 =	vpop (erf)  }
0x62: {  	(erf) = vpow2.f32 v16;
	v16 =	vadd.f32 $1.000000000e+00, v17  }
0x63: {  	(erf) = vrcp.f32 v18;
	_ =	sdelay $0x1  }
0x64: {  	v17 =	vpop (erf);
	(erf) = vrcp.f32 v16  }
0x65: {  	v16 =	vpop (erf)  }
0x66: {  	v18 =	vpop (erf)  }
0x67: {  	v17 =	vadd.f32 $1.000000000e+00, v17;
	[tilespmem:s19+$0xD0] =	vst v18  }
0x68: {  	v16 =	vadd.f32 $1.000000000e+00, v16;
	v18 =	vpop (erf);
	v19 =	vld.idx.msk [tilespmem:v11+s23+$0x0], $0xffff  }
0x69: {  	(erf) = vrcp.f32 v17;
	v20 =	vld.idx.msk [tilespmem:v10+s23+$0x0], $0xffff;
	v21 =	vpop (erf);
	v17 =	vadd.f32 $1.000000000e+00, v18  }
0x6a: {  	s24 =	simm.s32 $0x780;
	(erf) = vrcp.f32 v16;
	v22 =	vpop (erf);
	v16 =	vadd.f32 $1.000000000e+00, v21  }
0x6b: {  	v21 =	vld.idx.msk [tilespmem:v12+s24+$0x0], $0xffff;
	v23 =	vpop (erf);
	(erf) = vrcp.f32 v17  }
0x6c: {  	[tilespmem:s19+$0xFFFFFF50] =	vst v23;
	(erf) = vrcp.f32 v16;
	v16 =	vld.idx.msk [tilespmem:v13+s24+$0x0], $0xffff  }
0x6d: {  	v23 =	vld.idx.msk [tilespmem:v11+s23+$0xFFFFFD00], $0xffff;
	v24 =	vpop (erf)  }
0x6e: {  	v25 =	vld.idx.msk [tilespmem:v10+s23+$0xFFFFFD00], $0xffff;
	[tilespmem:s19+$0xFFFFFF90] =	vst v24;
	v19 =	vsub.f32 v20, v19  }
0x6f: {  	v18 =	vld.idx.msk [tilespmem:v11+s23+$0xFFFFFD80], $0xffff  }
0x70: {  	v20 =	vld.idx.msk [tilespmem:v10+s23+$0xFFFFFD80], $0xffff;
	v19 =	vmul.f32 $2.500000000e+01, v19  }
0x71: {  	v27 =	vld.idx.msk [tilespmem:v13+s24+$0xFFFFFE00], $0xffff;
	v17 =	vadd.f32 $1.000000000e+00, v22  }
0x72: {  	v22 =	vld.idx.msk [tilespmem:v12+s24+$0xFFFFFD00], $0xffff;
	v19 =	vmul.f32 $1.442695020e+00, v19  }
0x73: {  	(erf) = vrcp.f32 v17;
	v24 =	vld.idx.msk [tilespmem:v12+s24+$0xFFFFFD80], $0xffff  }
0x74: {  	(erf) = vpow2.f32 v19;
	v19 =	vsub.f32 v25, v23;
	v23 =	vld.idx.msk [tilespmem:v13+s24+$0xFFFFFD00], $0xffff  }
0x75: {  	v16 =	vsub.f32 v16, v21;
	v18 =	vsub.f32 v20, v18;
	v20 =	vld.idx.msk [tilespmem:v13+s24+$0xFFFFFD80], $0xffff  }
0x76: {  	v25 =	vld.idx.msk [tilespmem:v12+s24+$0xFFFFFE00], $0xffff;
	v19 =	vmul.f32 $2.500000000e+01, v19  }
0x77: {  	v29 =	vld.idx.msk [tilespmem:v12+s24+$0xFFFFFE80], $0xffff;
	v16 =	vmul.f32 $2.500000000e+01, v16;
	v18 =	vmul.f32 $2.500000000e+01, v18  }
0x78: {  	v31 =	vld.idx.msk [tilespmem:v12+s24+$0xFFFFFF00], $0xffff;
	v21 =	vpop (erf);
	v19 =	vmul.f32 $1.442695020e+00, v19  }
0x79: {  	v26 =	vpop (erf);
	v16 =	vmul.f32 $1.442695020e+00, v16;
	v18 =	vmul.f32 $1.442695020e+00, v18;
	v22 =	vsub.f32 v23, v22;
	v23 =	vld.idx.msk [tilespmem:v13+s24+$0xFFFFFE80], $0xffff  }
0x7a: {  	v28 =	vpop (erf);
	v20 =	vsub.f32 v20, v24;
	v24 =	vld.idx.msk [tilespmem:v12+s24+$0xFFFFFF80], $0xffff;
	(erf) = vpow2.f32 v19  }
0x7b: {  	v30 =	vpop (erf);
	v25 =	vsub.f32 v27, v25;
	v27 =	vld.idx.msk [tilespmem:v13+s24+$0xFFFFFF80], $0xffff;
	(erf) = vpow2.f32 v18  }
0x7c: {  	v18 =	vmul.f32 $2.500000000e+01, v22;
	v22 =	vld.idx.msk [tilespmem:v13+s24+$0xFFFFFF00], $0xffff;
	v19 =	vpop (erf);
	(erf) = vpow2.f32 v16  }
0x7d: {  	v20 =	vmul.f32 $2.500000000e+01, v20;
	v16 =	vpop (erf)  }
0x7e: {  	v16 =	vadd.f32 $1.000000000e+00, v16  }
0x7f: {  	v18 =	vmul.f32 $1.442695020e+00, v18;
	v20 =	vmul.f32 $1.442695020e+00, v20  }
0x80: {  	v32 =	vld.idx.msk [tilespmem:v12+s24+$0xFFFFFC80], $0xffff;
	v25 =	vmul.f32 $2.500000000e+01, v25;
	(erf) = vrcp.f32 v16;
	v16 =	vsub.f32 v23, v29  }
0x81: {  	v17 =	vld.idx.msk [tilespmem:v13+s24+$0xFFFFFC80], $0xffff;
	v22 =	vsub.f32 v22, v31;
	v23 =	vsub.f32 v27, v24;
	(erf) = vpow2.f32 v18  }
0x82: {  	v18 =	vmul.f32 $1.442695020e+00, v25;
	v16 =	vmul.f32 $2.500000000e+01, v16  }
0x83: {  	(erf) = vpow2.f32 v20;
	v22 =	vmul.f32 $2.500000000e+01, v22;
	v20 =	vpop (erf)  }
0x84: {  	[tilespmem:s19+$0xFFFFFFD0] =	vst v21;
	(erf) = vpow2.f32 v18;
	v16 =	vmul.f32 $1.442695020e+00, v16;
	v25 =	vpop (erf)  }
0x85: {  	[tilespmem:s19+$0x10] =	vst v26;
	v21 =	vmul.f32 $1.442695020e+00, v22;
	v22 =	vmul.f32 $2.500000000e+01, v23;
	v23 =	vpop (erf)  }
0x86: {  	v17 =	vsub.f32 v17, v32;
	v26 =	vld.idx.msk [tilespmem:v10+s23+$0xFFFFFE80], $0xffff;
	[tilespmem:s19+$0xFFFFFF10] =	vst v30;
	v23 =	vadd.f32 $1.000000000e+00, v23;
	(erf) = vpow2.f32 v16  }
0x87: {  	v24 =	vld.idx.msk [tilespmem:v11+s23+$0xFFFFFC80], $0xffff  }
0x88: {  	v17 =	vmul.f32 $2.500000000e+01, v17;
	v18 =	vld.idx.msk [tilespmem:v10+s23+$0xFFFFFC80], $0xffff  }
0x89: {  	v27 =	vld.idx.msk [tilespmem:v11+s23+$0xFFFFFE00], $0xffff;
	v22 =	vmul.f32 $1.442695020e+00, v22;
	(erf) = vpow2.f32 v21  }
0x8a: {  	v17 =	vmul.f32 $1.442695020e+00, v17;
	v21 =	vld.idx.msk [tilespmem:v11+s23+$0xFFFFFE80], $0xffff;
	(erf) = vrcp.f32 v23;
	v23 =	vpop (erf)  }
0x8b: {  	[tilespmem:s19+$0x50] =	vst v28;
	v16 =	vld.idx.msk [tilespmem:v10+s23+$0xFFFFFE00], $0xffff;
	(erf) = vpow2.f32 v22;
	v28 =	vpop (erf)  }
0x8c: {  	v22 =	vld.idx.msk [tilespmem:v11+s23+$0xFFFFFF00], $0xffff;
	(erf) = vpow2.f32 v17;
	[tilespmem:s19+$0xE0] =	vst v23;
	v23 =	vadd.f32 $1.000000000e+00, v28;
	v28 =	vpop (erf)  }
0x8d: {  	v18 =	vsub.f32 v18, v24;
	v17 =	vld.idx.msk [tilespmem:v9+s23+$0x0], $0xffff;
	v24 =	vpop (erf)  }
0x8e: {  	v29 =	vld.idx.msk [tilespmem:v8+s23+$0x0], $0xffff;
	v28 =	vadd.f32 $1.000000000e+00, v28;
	(erf) = vrcp.f32 v23;
	v24 =	vadd.f32 $1.000000000e+00, v24  }
0x8f: {  	v21 =	vsub.f32 v26, v21;
	v23 =	vld.idx.msk [tilespmem:v10+s23+$0xFFFFFF00], $0xffff;
	v26 =	vpop (erf)  }
0x90: {  	[tilespmem:s19+$0x90] =	vst v19;
	v18 =	vmul.f32 $2.500000000e+01, v18;
	(erf) = vrcp.f32 v28;
	v19 =	vadd.f32 $1.000000000e+00, v26  }
0x91: {  	v16 =	vsub.f32 v16, v27  }
0x92: {  	v18 =	vmul.f32 $1.442695020e+00, v18;
	(erf) = vrcp.f32 v24;
	v24 =	vpop (erf)  }
0x93: {  	s20 =	simm.s32 $0x10300;
	v16 =	vmul.f32 $2.500000000e+01, v16;
	v28 =	vld.idx.msk [tilespmem:v10+s23+$0xFFFFFF80], $0xffff;
	v17 =	vsub.f32 v29, v17;
	v24 =	vadd.f32 $1.000000000e+00, v24;
	v27 =	vpop (erf)  }
0x94: {  	v21 =	vmul.f32 $2.500000000e+01, v21;
	v26 =	vld.idx.msk [tilespmem:v11+s23+$0xFFFFFF80], $0xffff;
	(erf) = vrcp.f32 v19;
	v22 =	vsub.f32 v23, v22;
	v19 =	vpop (erf);
	[tilespmem:s20+$0xC0] =	vst v27  }
0x95: {  	v17 =	vmul.f32 $2.500000000e+01, v17;
	v19 =	vadd.f32 $1.000000000e+00, v19;
	v23 =	vpop (erf);
	(erf) = vrcp.f32 v24;
	v24 =	vld.idx.msk [tilespmem:v14+s24+$0x0], $0xffff  }
0x96: {  	v16 =	vmul.f32 $1.442695020e+00, v16;
	v23 =	vadd.f32 $1.000000000e+00, v23;
	(erf) = vpow2.f32 v18;
	v18 =	vld.idx.msk [tilespmem:v15+s24+$0x0], $0xffff  }
0x97: {  	v17 =	vmul.f32 $1.442695020e+00, v17;
	v27 =	vpop (erf);
	(erf) = vrcp.f32 v19  }
0x98: {  	v19 =	vmul.f32 $2.500000000e+01, v22;
	[tilespmem:s20+$0xFFFFFF40] =	vst v27;
	(erf) = vrcp.f32 v23  }
0x99: {  	v21 =	vmul.f32 $1.442695020e+00, v21;
	v22 =	vsub.f32 v28, v26;
	v26 =	vpop (erf);
	v23 =	vld.idx.msk [tilespmem:v14+s24+$0xFFFFFD00], $0xffff;
	(erf) = vpow2.f32 v17  }
0x9a: {  	v17 =	vmul.f32 $1.442695020e+00, v19;
	v19 =	vld.idx.msk [tilespmem:v15+s24+$0xFFFFFD00], $0xffff;
	[tilespmem:s20+$0xFFFFFF80] =	vst v26;
	(erf) = vpow2.f32 v16  }
0x9b: {  	v26 =	vpop (erf);
	v16 =	vmul.f32 $2.500000000e+01, v22;
	v22 =	vld.idx.msk [tilespmem:v14+s24+$0xFFFFFD80], $0xffff;
	(erf) = vpow2.f32 v21;
	v18 =	vsub.f32 v18, v24  }
0x9c: {  	[tilespmem:s20+$0xFFFFFFC0] =	vst v26;
	v21 =	vld.idx.msk [tilespmem:v15+s24+$0xFFFFFD80], $0xffff;
	(erf) = vpow2.f32 v17  }
0x9d: {  	v26 =	vld.idx.msk [tilespmem:v15+s24+$0xFFFFFE00], $0xffff;
	v16 =	vmul.f32 $1.442695020e+00, v16;
	v18 =	vmul.f32 $2.500000000e+01, v18  }
0x9e: {  	v20 =	vadd.f32 $1.000000000e+00, v20;
	v25 =	vadd.f32 $1.000000000e+00, v25;
	v24 =	vpop (erf);
	v17 =	vld.idx.msk [tilespmem:v14+s24+$0xFFFFFE00], $0xffff  }
0x9f: {  	[tilespmem:s20+$0x0] =	vst v24;
	v24 =	vpop (erf);
	(erf) = vpow2.f32 v16;
	v18 =	vmul.f32 $1.442695020e+00, v18  }
0xa0: {  	v16 =	vld.idx.msk [tilespmem:v14+s24+$0xFFFFFE80], $0xffff;
	v19 =	vsub.f32 v19, v23;
	v27 =	vpop (erf);
	(erf) = vrcp.f32 v20  }
0xa1: {  	[tilespmem:s20+$0x40] =	vst v24;
	v20 =	vld.idx.msk [tilespmem:v15+s24+$0xFFFFFE80], $0xffff;
	v24 =	vpop (erf);
	(erf) = vrcp.f32 v25;
	v27 =	vadd.f32 $1.000000000e+00, v27  }
0xa2: {  	v23 =	vld.idx.msk [tilespmem:v14+s24+$0xFFFFFF00], $0xffff;
	v21 =	vsub.f32 v21, v22;
	v19 =	vmul.f32 $2.500000000e+01, v19;
	v25 =	vpop (erf);
	(erf) = vpow2.f32 v18  }
0xa3: {  	v22 =	vld.idx.msk [tilespmem:v15+s24+$0xFFFFFF00], $0xffff;
	[tilespmem:s20+$0x80] =	vst v24;
	v17 =	vsub.f32 v26, v17;
	v18 =	vpop (erf)  }
0xa4: {  	[tilespmem:s20+$0xFFFFFF00] =	vst v25;
	v21 =	vmul.f32 $2.500000000e+01, v21;
	v19 =	vmul.f32 $1.442695020e+00, v19;
	v26 =	vld.idx.msk [tilespmem:v14+s24+$0xFFFFFF80], $0xffff;
	v18 =	vadd.f32 $1.000000000e+00, v18;
	v28 =	vpop (erf)  }
0xa5: {  	v25 =	vld.idx.msk [tilespmem:v14+s24+$0xFFFFFC80], $0xffff;
	v17 =	vmul.f32 $2.500000000e+01, v17;
	(erf) = vrcp.f32 v27;
	v27 =	vpop (erf)  }
0xa6: {  	v24 =	vld.idx.msk [tilespmem:v15+s24+$0xFFFFFC80], $0xffff;
	v29 =	vpop (erf);
	(erf) = vrcp.f32 v18;
	v18 =	vmul.f32 $1.442695020e+00, v21  }
0xa7: {  	v16 =	vsub.f32 v20, v16;
	v17 =	vmul.f32 $1.442695020e+00, v17;
	v20 =	vld.idx.msk [tilespmem:v15+s24+$0xFFFFFF80], $0xffff;
	(erf) = vpow2.f32 v19  }
0xa8: {  	v22 =	vsub.f32 v22, v23;
	v19 =	vpop (erf)  }
0xa9: {  	v16 =	vmul.f32 $2.500000000e+01, v16;
	v21 =	vpop (erf);
	(erf) = vpow2.f32 v18  }
0xaa: {  	v22 =	vmul.f32 $2.500000000e+01, v22;
	v18 =	vpop (erf)  }
0xab: {  	v23 =	vsub.f32 v24, v25;
	v16 =	vmul.f32 $1.442695020e+00, v16;
	(erf) = vpow2.f32 v17;
	v17 =	vpop (erf)  }
0xac: {  	[tilespmem:s19+$0xFFFFFF60] =	vst v21;
	v21 =	vmul.f32 $1.442695020e+00, v22;
	v20 =	vsub.f32 v20, v26;
	v17 =	vadd.f32 $1.000000000e+00, v17  }
0xad: {  	v23 =	vmul.f32 $2.500000000e+01, v23;
	(erf) = vpow2.f32 v16  }
0xae: {  	v22 =	vadd.f32 $1.000000000e+00, v28;
	v24 =	vld.idx.msk [tilespmem:v9+s23+$0xFFFFFD00], $0xffff;
	v25 =	vpop (erf);
	v20 =	vmul.f32 $2.500000000e+01, v20;
	(erf) = vrcp.f32 v17  }
0xaf: {  	v23 =	vmul.f32 $1.442695020e+00, v23;
	v17 =	vld.idx.msk [tilespmem:v8+s23+$0xFFFFFD00], $0xffff;
	v16 =	vpop (erf);
	(erf) = vpow2.f32 v21  }
0xb0: {  	[tilespmem:s19+$0xFFFFFF20] =	vst v25;
	v20 =	vmul.f32 $1.442695020e+00, v20;
	v21 =	vpop (erf);
	(erf) = vrcp.f32 v22  }
0xb1: {  	v25 =	vld.idx.msk [tilespmem:v8+s23+$0xFFFFFC80], $0xffff;
	v21 =	vadd.f32 $1.000000000e+00, v21;
	(erf) = vpow2.f32 v23;
	v23 =	vadd.f32 $1.000000000e+00, v27  }
0xb2: {  	v22 =	vld.idx.msk [tilespmem:v9+s23+$0xFFFFFC80], $0xffff;
	v26 =	vpop (erf);
	(erf) = vpow2.f32 v20  }
0xb3: {  	[tilespmem:s19+$0xFFFFFFA0] =	vst v18;
	v18 =	vadd.f32 $1.000000000e+00, v29;
	v20 =	vadd.f32 $1.000000000e+00, v26;
	(erf) = vrcp.f32 v21  }
0xb4: {  	v17 =	vsub.f32 v17, v24;
	v21 =	vld.idx.msk [tilespmem:v9+s23+$0xFFFFFD80], $0xffff;
	(erf) = vrcp.f32 v23  }
0xb5: {  	v23 =	vpop (erf);
	(erf) = vrcp.f32 v20;
	v20 =	vld.idx.msk [tilespmem:v8+s23+$0xFFFFFD80], $0xffff  }
0xb6: {  	v17 =	vmul.f32 $2.500000000e+01, v17;
	v23 =	vadd.f32 $1.000000000e+00, v23;
	v24 =	vpop (erf)  }
0xb7: {  	v19 =	vadd.f32 $1.000000000e+00, v19;
	v22 =	vsub.f32 v25, v22;
	(erf) = vrcp.f32 v18;
	v18 =	vpop (erf)  }
0xb8: {  	v17 =	vmul.f32 $1.442695020e+00, v17;
	v24 =	vadd.f32 $1.000000000e+00, v24;
	(erf) = vrcp.f32 v23;
	[tilespmem:s20+$0xD0] =	vst v18  }
0xb9: {  	v22 =	vmul.f32 $2.500000000e+01, v22;
	v18 =	vpop (erf);
	(erf) = vrcp.f32 v19;
	v19 =	vld.idx.msk [tilespmem:v11+s24+$0x0], $0xffff  }
0xba: {  	v18 =	vadd.f32 $1.000000000e+00, v18;
	v23 =	vpop (erf);
	(erf) = vrcp.f32 v24;
	v24 =	vld.idx.msk [tilespmem:v10+s24+$0x0], $0xffff;
	v20 =	vsub.f32 v20, v21  }
0xbb: {  	v21 =	vmul.f32 $1.442695020e+00, v22;
	v25 =	vpop (erf);
	[tilespmem:s19+$0xFFFFFFE0] =	vst v23;
	(erf) = vpow2.f32 v17  }
0xbc: {  	v17 =	vpop (erf);
	(erf) = vrcp.f32 v18;
	v18 =	vld.idx.msk [tilespmem:v9+s23+$0xFFFFFE00], $0xffff;
	v20 =	vmul.f32 $2.500000000e+01, v20  }
0xbd: {  	s21 =	simm.s32 $0xB80;
	v26 =	vld.idx.msk [tilespmem:v8+s23+$0xFFFFFE00], $0xffff;
	v22 =	vpop (erf)  }
0xbe: {  	v28 =	vld.idx.msk [tilespmem:v12+s21+$0x0], $0xffff;
	v25 =	vadd.f32 $1.000000000e+00, v25;
	(erf) = vpow2.f32 v21;
	[tilespmem:s20+$0xFFFFFF50] =	vst v22;
	v23 =	vpop (erf)  }
0xbf: {  	v17 =	vadd.f32 $1.000000000e+00, v17;
	v21 =	vld.idx.msk [tilespmem:v11+s24+$0xFFFFFD00], $0xffff;
	v22 =	vpop (erf);
	v19 =	vsub.f32 v24, v19  }
0xc0: {  	v27 =	vmul.f32 $1.442695020e+00, v20;
	(erf) = vrcp.f32 v25;
	v25 =	vld.idx.msk [tilespmem:v10+s24+$0xFFFFFD00], $0xffff;
	[tilespmem:s20+$0xFFFFFF90] =	vst v22;
	v20 =	vpop (erf)  }
0xc1: {  	(erf) = vrcp.f32 v17;
	v17 =	vld.idx.msk [tilespmem:v11+s24+$0xFFFFFD80], $0xffff;
	v24 =	vpop (erf);
	v19 =	vmul.f32 $2.500000000e+01, v19  }
0xc2: {  	(erf) = vpow2.f32 v27;
	v27 =	vld.idx.msk [tilespmem:v10+s24+$0xFFFFFD80], $0xffff;
	v18 =	vsub.f32 v26, v18;
	v22 =	vpop (erf)  }
0xc3: {  	v29 =	vld.idx.msk [tilespmem:v13+s21+$0x0], $0xffff;
	v26 =	vpop (erf);
	v19 =	vmul.f32 $1.442695020e+00, v19  }
0xc4: {  	v18 =	vmul.f32 $2.500000000e+01, v18;
	v44 =	vpop (erf)  }
0xc5: {  	v30 =	vadd.f32 $1.000000000e+00, v44  }
0xc6: {  	v33 =	vld.idx.msk [tilespmem:v12+s21+$0xFFFFFD00], $0xffff;
	v46 =	vpop (erf);
	(erf) = vpow2.f32 v19;
	v18 =	vmul.f32 $1.442695020e+00, v18  }
0xc7: {  	v34 =	vld.idx.msk [tilespmem:v13+s21+$0xFFFFFD80], $0xffff;
	v21 =	vsub.f32 v25, v21;
	v17 =	vsub.f32 v27, v17;
	v19 =	vpop (erf);
	(erf) = vrcp.f32 v30  }
0xc8: {  	v25 =	vld.idx.msk [tilespmem:v13+s21+$0xFFFFFD00], $0xffff;
	v19 =	vadd.f32 $1.000000000e+00, v19;
	(erf) = vpow2.f32 v18;
	v18 =	vsub.f32 v29, v28  }
0xc9: {  	v35 =	vld.idx.msk [tilespmem:v13+s21+$0xFFFFFE00], $0xffff;
	v21 =	vmul.f32 $2.500000000e+01, v21  }
0xca: {  	v27 =	vld.idx.msk [tilespmem:v12+s21+$0xFFFFFD80], $0xffff;
	v47 =	vpop (erf);
	v17 =	vmul.f32 $2.500000000e+01, v17;
	v18 =	vmul.f32 $2.500000000e+01, v18  }
0xcb: {  	v29 =	vld.idx.msk [tilespmem:v12+s21+$0xFFFFFE00], $0xffff;
	v21 =	vmul.f32 $1.442695020e+00, v21;
	v28 =	vpop (erf);
	(erf) = vrcp.f32 v19  }
0xcc: {  	v45 =	vld.idx.msk [tilespmem:v13+s21+$0xFFFFFC80], $0xffff;
	v17 =	vmul.f32 $1.442695020e+00, v17;
	v19 =	vpop (erf);
	v18 =	vmul.f32 $1.442695020e+00, v18  }
0xcd: {  	v36 =	vld.idx.msk [tilespmem:v12+s21+$0xFFFFFE80], $0xffff;
	(erf) = vpow2.f32 v21;
	v21 =	vsub.f32 v25, v33;
	v19 =	vadd.f32 $1.000000000e+00, v19  }
0xce: {  	v48 =	vld.idx.msk [tilespmem:v12+s21+$0xFFFFFF00], $0xffff;
	(erf) = vpow2.f32 v17  }
0xcf: {  	v25 =	vld.idx.msk [tilespmem:v13+s21+$0xFFFFFE80], $0xffff;
	v17 =	vmul.f32 $2.500000000e+01, v21;
	(erf) = vrcp.f32 v19;
	v19 =	vsub.f32 v34, v27  }
0xd0: {  	v21 =	vsub.f32 v35, v29;
	v27 =	vld.idx.msk [tilespmem:v13+s21+$0xFFFFFF00], $0xffff;
	(erf) = vpow2.f32 v18;
	v18 =	vpop (erf)  }
0xd1: {  	v49 =	vld.idx.msk [tilespmem:v12+s21+$0xFFFFFF80], $0xffff;
	v18 =	vadd.f32 $1.000000000e+00, v18;
	v19 =	vmul.f32 $2.500000000e+01, v19  }
0xd2: {  	v29 =	vld.idx.msk [tilespmem:v13+s21+$0xFFFFFF80], $0xffff;
	v50 =	vmul.f32 $1.442695020e+00, v17;
	v38 =	vmul.f32 $2.500000000e+01, v21  }
0xd3: {  	v37 =	vld.idx.msk [tilespmem:v12+s21+$0xFFFFFC80], $0xffff;
	v17 =	vpop (erf);
	(erf) = vrcp.f32 v18;
	v19 =	vmul.f32 $1.442695020e+00, v19  }
0xd4: {  	v25 =	vsub.f32 v25, v36;
	v51 =	vmul.f32 $1.442695020e+00, v38;
	v21 =	vpop (erf);
	(erf) = vpow2.f32 v50  }
0xd5: {  	v27 =	vsub.f32 v27, v48;
	v18 =	vpop (erf);
	(erf) = vpow2.f32 v19  }
0xd6: {  	v25 =	vmul.f32 $2.500000000e+01, v25;
	v52 =	vpop (erf);
	(erf) = vpow2.f32 v51  }
0xd7: {  	[tilespmem:s20+$0xFFFFFFD0] =	vst v24;
	v29 =	vsub.f32 v29, v49;
	v27 =	vmul.f32 $2.500000000e+01, v27;
	v53 =	vpop (erf)  }
0xd8: {  	v31 =	vsub.f32 v45, v37;
	v56 =	vld.idx.msk [tilespmem:v11+s24+$0xFFFFFE00], $0xffff;
	[tilespmem:s20+$0x10] =	vst v26;
	v25 =	vmul.f32 $1.442695020e+00, v25;
	v19 =	vpop (erf)  }
0xd9: {  	v58 =	vld.idx.msk [tilespmem:v10+s24+$0xFFFFFE80], $0xffff;
	[tilespmem:s20+$0xFFFFFF10] =	vst v47;
	v29 =	vmul.f32 $2.500000000e+01, v29;
	v27 =	vmul.f32 $1.442695020e+00, v27;
	v55 =	vpop (erf)  }
0xda: {  	v31 =	vmul.f32 $2.500000000e+01, v31;
	v54 =	vld.idx.msk [tilespmem:v11+s24+$0xFFFFFC80], $0xffff;
	(erf) = vpow2.f32 v25;
	v35 =	vadd.f32 $1.000000000e+00, v55  }
0xdb: {  	v24 =	vld.idx.msk [tilespmem:v10+s24+$0xFFFFFC80], $0xffff;
	[tilespmem:s20+$0x90] =	vst v28;
	v26 =	vmul.f32 $1.442695020e+00, v29;
	(erf) = vpow2.f32 v27  }
0xdc: {  	v41 =	vld.idx.msk [tilespmem:v11+s24+$0xFFFFFF80], $0xffff;
	v29 =	vmul.f32 $1.442695020e+00, v31;
	(erf) = vrcp.f32 v35;
	v57 =	vpop (erf)  }
0xdd: {  	[tilespmem:s19+$0x20] =	vst v23;
	v23 =	vld.idx.msk [tilespmem:v10+s24+$0xFFFFFF80], $0xffff;
	v59 =	vpop (erf);
	(erf) = vpow2.f32 v26  }
0xde: {  	v25 =	vld.idx.msk [tilespmem:v10+s24+$0xFFFFFE00], $0xffff;
	(erf) = vpow2.f32 v29;
	v61 =	vpop (erf)  }
0xdf: {  	v27 =	vld.idx.msk [tilespmem:v11+s24+$0xFFFFFE80], $0xffff;
	[tilespmem:s20+$0xE0] =	vst v57;
	v60 =	vadd.f32 $1.000000000e+00, v59;
	v40 =	vpop (erf)  }
0xe0: {  	v29 =	vld.idx.msk [tilespmem:v9+s24+$0x0], $0xffff;
	v28 =	vadd.f32 $1.000000000e+00, v40  }
0xe1: {  	v24 =	vsub.f32 v24, v54;
	v62 =	vld.idx.msk [tilespmem:v8+s24+$0x0], $0xffff;
	v35 =	vadd.f32 $1.000000000e+00, v61;
	(erf) = vrcp.f32 v60  }
0xe2: {  	[tilespmem:s20+$0x50] =	vst v46;
	v23 =	vsub.f32 v23, v41  }
0xe3: {  	v63 =	vld.idx.msk [tilespmem:v10+s24+$0xFFFFFF00], $0xffff;
	v24 =	vmul.f32 $2.500000000e+01, v24;
	v25 =	vsub.f32 v25, v56;
	v42 =	vpop (erf);
	(erf) = vrcp.f32 v35  }
0xe4: {  	v23 =	vmul.f32 $2.500000000e+01, v23;
	v26 =	vld.idx.msk [tilespmem:v11+s24+$0xFFFFFF00], $0xffff;
	(erf) = vrcp.f32 v28;
	v28 =	vpop (erf)  }
0xe5: {  	v25 =	vmul.f32 $2.500000000e+01, v25;
	v27 =	vsub.f32 v58, v27;
	v32 =	vadd.f32 $1.000000000e+00, v42;
	v44 =	vpop (erf)  }
0xe6: {  	v24 =	vmul.f32 $1.442695020e+00, v24;
	v29 =	vsub.f32 v62, v29;
	v28 =	vadd.f32 $1.000000000e+00, v28;
	v46 =	vpop (erf)  }
0xe7: {  	s22 =	simm.s32 $0x10500;
	v43 =	vld.idx.msk [tilespmem:v9+s23+$0xFFFFFE80], $0xffff;
	v25 =	vmul.f32 $1.442695020e+00, v25;
	(erf) = vrcp.f32 v32;
	v32 =	vadd.f32 $1.000000000e+00, v46;
	v48 =	vpop (erf)  }
0xe8: {  	v45 =	vld.idx.msk [tilespmem:v8+s23+$0xFFFFFE80], $0xffff;
	[tilespmem:s22+$0xC0] =	vst v44;
	(erf) = vrcp.f32 v28;
	v28 =	vmul.f32 $2.500000000e+01, v29;
	v29 =	vadd.f32 $1.000000000e+00, v48  }
0xe9: {  	v27 =	vmul.f32 $2.500000000e+01, v27;
	v26 =	vsub.f32 v63, v26;
	v47 =	vld.idx.msk [tilespmem:v14+s21+$0x0], $0xffff;
	(erf) = vpow2.f32 v24  }
0xea: {  	v49 =	vld.idx.msk [tilespmem:v15+s21+$0x0], $0xffff;
	v24 =	vpop (erf);
	(erf) = vrcp.f32 v32;
	v28 =	vmul.f32 $1.442695020e+00, v28  }
0xeb: {  	v26 =	vmul.f32 $2.500000000e+01, v26;
	[tilespmem:s22+$0xFFFFFF40] =	vst v24;
	(erf) = vrcp.f32 v29  }
0xec: {  	v27 =	vmul.f32 $1.442695020e+00, v27;
	v24 =	vld.idx.msk [tilespmem:v14+s21+$0xFFFFFD00], $0xffff;
	(erf) = vpow2.f32 v28;
	v29 =	vpop (erf)  }
0xed: {  	v26 =	vmul.f32 $1.442695020e+00, v26;
	v28 =	vsub.f32 v45, v43;
	v50 =	vld.idx.msk [tilespmem:v15+s21+$0xFFFFFD00], $0xffff;
	(erf) = vpow2.f32 v25;
	[tilespmem:s22+$0xFFFFFF80] =	vst v29  }
0xee: {  	v23 =	vmul.f32 $1.442695020e+00, v23;
	v51 =	vadd.f32 $1.000000000e+00, v52;
	v29 =	vpop (erf);
	(erf) = vpow2.f32 v27;
	v25 =	vld.idx.msk [tilespmem:v14+s21+$0xFFFFFD80], $0xffff  }
0xef: {  	v27 =	vsub.f32 v49, v47;
	v28 =	vmul.f32 $2.500000000e+01, v28;
	v52 =	vld.idx.msk [tilespmem:v15+s21+$0xFFFFFD80], $0xffff;
	[tilespmem:s22+$0xFFFFFFC0] =	vst v29;
	(erf) = vpow2.f32 v26  }
0xf0: {  	v26 =	vadd.f32 $1.000000000e+00, v53;
	v53 =	vpop (erf);
	v29 =	vld.idx.msk [tilespmem:v14+s21+$0xFFFFFE00], $0xffff;
	(erf) = vpow2.f32 v23  }
0xf1: {  	v23 =	vmul.f32 $2.500000000e+01, v27;
	v27 =	vmul.f32 $1.442695020e+00, v28;
	v28 =	vld.idx.msk [tilespmem:v15+s21+$0xFFFFFE00], $0xffff;
	[tilespmem:s22+$0x0] =	vst v53  }
0xf2: {  	(erf) = vrcp.f32 v51;
	v55 =	vld.idx.msk [tilespmem:v14+s21+$0xFFFFFE80], $0xffff  }
0xf3: {  	v54 =	vpop (erf);
	v24 =	vsub.f32 v50, v24;
	(erf) = vrcp.f32 v26;
	v26 =	vld.idx.msk [tilespmem:v15+s21+$0xFFFFFE80], $0xffff  }
0xf4: {  	v56 =	vpop (erf);
	v23 =	vmul.f32 $1.442695020e+00, v23;
	[tilespmem:s22+$0x40] =	vst v54  }
0xf5: {  	v57 =	vpop (erf);
	(erf) = vpow2.f32 v27;
	v27 =	vld.idx.msk [tilespmem:v14+s21+$0xFFFFFF00], $0xffff;
	v24 =	vmul.f32 $2.500000000e+01, v24  }
0xf6: {  	v59 =	vld.idx.msk [tilespmem:v15+s21+$0xFFFFFF00], $0xffff;
	v58 =	vpop (erf);
	v25 =	vsub.f32 v52, v25;
	(erf) = vpow2.f32 v23;
	[tilespmem:s22+$0x80] =	vst v57  }
0xf7: {  	v23 =	vadd.f32 $1.000000000e+00, v56;
	v60 =	vpop (erf);
	v24 =	vmul.f32 $1.442695020e+00, v24;
	v28 =	vsub.f32 v28, v29;
	v30 =	vld.idx.msk [tilespmem:v14+s21+$0xFFFFFF80], $0xffff  }
0xf8: {  	[tilespmem:s22+$0xFFFFFF00] =	vst v58;
	v40 =	vld.idx.msk [tilespmem:v15+s21+$0xFFFFFF80], $0xffff;
	v33 =	vadd.f32 $1.000000000e+00, v60;
	v62 =	vpop (erf);
	v25 =	vmul.f32 $2.500000000e+01, v25;
	v26 =	vsub.f32 v26, v55  }
0xf9: {  	v61 =	vld.idx.msk [tilespmem:v14+s21+$0xFFFFFC80], $0xffff;
	(erf) = vrcp.f32 v23;
	v29 =	vpop (erf);
	v28 =	vmul.f32 $2.500000000e+01, v28  }
0xfa: {  	v23 =	vld.idx.msk [tilespmem:v15+s21+$0xFFFFFC80], $0xffff;
	v63 =	vpop (erf);
	(erf) = vrcp.f32 v33;
	v26 =	vmul.f32 $2.500000000e+01, v26  }
0xfb: {  	v25 =	vmul.f32 $1.442695020e+00, v25;
	v27 =	vsub.f32 v59, v27;
	v41 =	vpop (erf);
	(erf) = vpow2.f32 v24  }
0xfc: {  	v24 =	vpop (erf)  }
0xfd: {  	v28 =	vmul.f32 $1.442695020e+00, v28;
	(erf) = vpow2.f32 v25;
	v42 =	vpop (erf)  }
0xfe: {  	[tilespmem:s19+$0x60] =	vst v20;
	v20 =	vmul.f32 $2.500000000e+01, v27;
	v25 =	vmul.f32 $1.442695020e+00, v26;
	v26 =	vpop (erf)  }
0xff: {  	v30 =	vsub.f32 v40, v30;
	v23 =	vsub.f32 v23, v61;
	v27 =	vpop (erf)  }
0x100: {  	[tilespmem:s20+$0xFFFFFF60] =	vst v24;
	v24 =	vmul.f32 $1.442695020e+00, v20;
	(erf) = vpow2.f32 v28;
	v27 =	vadd.f32 $1.000000000e+00, v27  }
0x101: {  	v23 =	vmul.f32 $2.500000000e+01, v23;
	(erf) = vpow2.f32 v25  }
0x102: {  	v43 =	vld.idx.msk [tilespmem:v8+s23+$0xFFFFFF00], $0xffff;
	v30 =	vmul.f32 $2.500000000e+01, v30;
	v25 =	vadd.f32 $1.000000000e+00, v62;
	v45 =	vpop (erf);
	(erf) = vrcp.f32 v27  }
0x103: {  	v44 =	vld.idx.msk [tilespmem:v9+s24+$0xFFFFFD00], $0xffff;
	v23 =	vmul.f32 $1.442695020e+00, v23;
	v20 =	vpop (erf);
	(erf) = vpow2.f32 v24  }
0x104: {  	v27 =	vld.idx.msk [tilespmem:v8+s24+$0xFFFFFD00], $0xffff;
	v24 =	vmul.f32 $1.442695020e+00, v30;
	v46 =	vpop (erf);
	(erf) = vrcp.f32 v25  }
0x105: {  	v28 =	vld.idx.msk [tilespmem:v9+s23+$0xFFFFFF00], $0xffff;
	[tilespmem:s20+$0xFFFFFF20] =	vst v45;
	v30 =	vadd.f32 $1.000000000e+00, v46;
	(erf) = vpow2.f32 v23  }
0x106: {  	[tilespmem:s19+$0xA0] =	vst v22;
	v22 =	vadd.f32 $1.000000000e+00, v29;
	v25 =	vld.idx.msk [tilespmem:v9+s24+$0xFFFFFC80], $0xffff;
	(erf) = vpow2.f32 v24  }
0x107: {  	[tilespmem:s20+$0xFFFFFFA0] =	vst v42;
	v23 =	vld.idx.msk [tilespmem:v8+s24+$0xFFFFFC80], $0xffff;
	(erf) = vrcp.f32 v30  }
0x108: {  	v47 =	vld.idx.msk [tilespmem:v9+s24+$0xFFFFFD80], $0xffff;
	v29 =	vpop (erf);
	(erf) = vrcp.f32 v22;
	v22 =	vadd.f32 $1.000000000e+00, v63  }
0x109: {  	v31 =	vld.idx.msk [tilespmem:v8+s24+$0xFFFFFD80], $0xffff;
	v29 =	vadd.f32 $1.000000000e+00, v29;
	v27 =	vsub.f32 v27, v44  }
0x10a: {  	v33 =	vadd.f32 $1.000000000e+00, v41;
	v24 =	vld.idx.msk [tilespmem:v9+s23+$0xFFFFFF80], $0xffff;
	v48 =	vpop (erf)  }
0x10b: {  	v32 =	vadd.f32 $1.000000000e+00, v48;
	v49 =	vpop (erf);
	(erf) = vrcp.f32 v29;
	v29 =	vld.idx.msk [tilespmem:v8+s23+$0xFFFFFF80], $0xffff;
	v27 =	vmul.f32 $2.500000000e+01, v27  }
0x10c: {  	v28 =	vsub.f32 v43, v28;
	v23 =	vsub.f32 v23, v25;
	(erf) = vrcp.f32 v22;
	v22 =	vpop (erf)  }
0x10d: {  	v25 =	vmul.f32 $1.442695020e+00, v27;
	v27 =	vadd.f32 $1.000000000e+00, v49;
	(erf) = vrcp.f32 v32;
	[tilespmem:s22+$0xD0] =	vst v22  }
0x10e: {  	v23 =	vmul.f32 $2.500000000e+01, v23;
	v22 =	vpop (erf);
	(erf) = vrcp.f32 v33;
	v50 =	vld.idx.msk [tilespmem:v11+s21+$0x0], $0xffff  }
0x10f: {  	v28 =	vmul.f32 $2.500000000e+01, v28;
	v30 =	vsub.f32 v31, v47;
	v51 =	vpop (erf);
	(erf) = vrcp.f32 v27;
	v27 =	vld.idx.msk [tilespmem:v10+s21+$0x0], $0xffff  }
0x110: {  	v22 =	vadd.f32 $1.000000000e+00, v22;
	v24 =	vsub.f32 v29, v24;
	v23 =	vmul.f32 $1.442695020e+00, v23  }
0x111: {  	s23 =	simm.s32 $0xF80;
	v29 =	vmul.f32 $2.500000000e+01, v30;
	v52 =	vpop (erf);
	(erf) = vpow2.f32 v25  }
0x112: {  	v58 =	vld.idx.msk [tilespmem:v12+s23+$0x0], $0xffff;
	[tilespmem:s20+$0xFFFFFFE0] =	vst v51;
	v25 =	vpop (erf);
	v53 =	vadd.f32 $1.000000000e+00, v52;
	(erf) = vrcp.f32 v22;
	v24 =	vmul.f32 $2.500000000e+01, v24  }
0x113: {  	v28 =	vmul.f32 $1.442695020e+00, v28;
	v22 =	vld.idx.msk [tilespmem:v9+s24+$0xFFFFFE00], $0xffff;
	v54 =	vpop (erf);
	v25 =	vadd.f32 $1.000000000e+00, v25;
	(erf) = vpow2.f32 v23  }
0x114: {  	v33 =	vld.idx.msk [tilespmem:v8+s24+$0xFFFFFE00], $0xffff;
	v23 =	vmul.f32 $1.442695020e+00, v29;
	[tilespmem:s22+$0xFFFFFF50] =	vst v54;
	v31 =	vpop (erf);
	(erf) = vrcp.f32 v53;
	v27 =	vsub.f32 v27, v50  }
0x115: {  	v56 =	vmul.f32 $1.442695020e+00, v24;
	v29 =	vld.idx.msk [tilespmem:v11+s21+$0xFFFFFD00], $0xffff;
	v55 =	vpop (erf);
	(erf) = vrcp.f32 v25  }
0x116: {  	v25 =	vld.idx.msk [tilespmem:v10+s21+$0xFFFFFD00], $0xffff;
	[tilespmem:s22+$0xFFFFFF90] =	vst v55;
	(erf) = vpow2.f32 v23;
	v24 =	vpop (erf);
	v27 =	vmul.f32 $2.500000000e+01, v27  }
0x117: {  	v21 =	vadd.f32 $1.000000000e+00, v21;
	v57 =	vld.idx.msk [tilespmem:v11+s21+$0xFFFFFD80], $0xffff;
	v34 =	vpop (erf);
	(erf) = vpow2.f32 v28  }
0x118: {  	v28 =	vld.idx.msk [tilespmem:v10+s21+$0xFFFFFD80], $0xffff;
	v23 =	vpop (erf);
	(erf) = vpow2.f32 v56;
	v27 =	vmul.f32 $1.442695020e+00, v27  }
0x119: {  	v26 =	vadd.f32 $1.000000000e+00, v26;
	v22 =	vsub.f32 v33, v22;
	v33 =	vpop (erf);
	(erf) = vrcp.f32 v21;
	v21 =	vld.idx.msk [tilespmem:v13+s23+$0x0], $0xffff  }
0x11a: {  	v61 =	vld.idx.msk [tilespmem:v12+s23+$0xFFFFFD00], $0xffff;
	v59 =	vpop (erf)  }
0x11b: {  	v63 =	vld.idx.msk [tilespmem:v12+s23+$0xFFFFFD80], $0xffff;
	v22 =	vmul.f32 $2.500000000e+01, v22;
	(erf) = vrcp.f32 v26;
	v37 =	vpop (erf)  }
0x11c: {  	v40 =	vld.idx.msk [tilespmem:v13+s23+$0xFFFFFD80], $0xffff;
	v25 =	vsub.f32 v25, v29;
	v26 =	vadd.f32 $1.000000000e+00, v59;
	(erf) = vpow2.f32 v27;
	v27 =	vpop (erf)  }
0x11d: {  	v29 =	vld.idx.msk [tilespmem:v13+s23+$0xFFFFFD00], $0xffff;
	v22 =	vmul.f32 $1.442695020e+00, v22;
	v28 =	vsub.f32 v28, v57;
	v27 =	vadd.f32 $1.000000000e+00, v27  }
0x11e: {  	v48 =	vld.idx.msk [tilespmem:v13+s23+$0xFFFFFE00], $0xffff;
	v25 =	vmul.f32 $2.500000000e+01, v25;
	(erf) = vrcp.f32 v26;
	v62 =	vpop (erf);
	v21 =	vsub.f32 v21, v58  }
0x11f: {  	v43 =	vld.idx.msk [tilespmem:v12+s23+$0xFFFFFE80], $0xffff;
	(erf) = vpow2.f32 v22;
	v22 =	vmul.f32 $2.500000000e+01, v28;
	v39 =	vpop (erf)  }
0x120: {  	v28 =	vld.idx.msk [tilespmem:v12+s23+$0xFFFFFE00], $0xffff;
	v25 =	vmul.f32 $1.442695020e+00, v25;
	v26 =	vpop (erf);
	(erf) = vrcp.f32 v27  }
0x121: {  	v44 =	vld.idx.msk [tilespmem:v12+s23+$0xFFFFFF00], $0xffff;
	v41 =	vmul.f32 $2.500000000e+01, v21;
	v22 =	vmul.f32 $1.442695020e+00, v22;
	v27 =	vpop (erf)  }
0x122: {  	v49 =	vld.idx.msk [tilespmem:v13+s23+$0xFFFFFE80], $0xffff;
	v29 =	vsub.f32 v29, v61;
	v42 =	vadd.f32 $1.000000000e+00, v26;
	(erf) = vpow2.f32 v25;
	v21 =	vpop (erf)  }
0x123: {  	v50 =	vld.idx.msk [tilespmem:v13+s23+$0xFFFFFF00], $0xffff;
	v41 =	vmul.f32 $1.442695020e+00, v41;
	(erf) = vpow2.f32 v22;
	v22 =	vsub.f32 v40, v63;
	v26 =	vpop (erf)  }
0x124: {  	v52 =	vld.idx.msk [tilespmem:v12+s23+$0xFFFFFF80], $0xffff;
	v29 =	vmul.f32 $2.500000000e+01, v29;
	v27 =	vadd.f32 $1.000000000e+00, v27;
	(erf) = vrcp.f32 v42;
	v25 =	vpop (erf)  }
0x125: {  	v54 =	vld.idx.msk [tilespmem:v13+s23+$0xFFFFFF80], $0xffff;
	(erf) = vpow2.f32 v41;
	v53 =	vmul.f32 $2.500000000e+01, v22;
	v22 =	vsub.f32 v48, v28;
	v51 =	vpop (erf)  }
0x126: {  	v60 =	vld.idx.msk [tilespmem:v13+s23+$0xFFFFFC80], $0xffff;
	v29 =	vmul.f32 $1.442695020e+00, v29;
	(erf) = vrcp.f32 v27;
	v28 =	vadd.f32 $1.000000000e+00, v51  }
0x127: {  	v55 =	vld.idx.msk [tilespmem:v12+s23+$0xFFFFFC80], $0xffff;
	v45 =	vmul.f32 $2.500000000e+01, v22;
	v42 =	vmul.f32 $1.442695020e+00, v53  }
0x128: {  	v38 =	vsub.f32 v50, v44;
	v27 =	vpop (erf);
	(erf) = vrcp.f32 v28  }
0x129: {  	v35 =	vsub.f32 v49, v43;
	v22 =	vpop (erf);
	(erf) = vpow2.f32 v29;
	v29 =	vmul.f32 $1.442695020e+00, v45  }
0x12a: {  	v30 =	vsub.f32 v54, v52;
	v28 =	vpop (erf)  }
0x12b: {  	v35 =	vmul.f32 $2.500000000e+01, v35;
	[tilespmem:s22+$0xFFFFFFD0] =	vst v34;
	(erf) = vpow2.f32 v42;
	v42 =	vpop (erf)  }
0x12c: {  	[tilespmem:s22+$0x10] =	vst v33;
	v36 =	vsub.f32 v60, v55;
	v30 =	vmul.f32 $2.500000000e+01, v30;
	v60 =	vld.idx.msk [tilespmem:v11+s21+$0xFFFFFE00], $0xffff;
	v56 =	vmul.f32 $2.500000000e+01, v38;
	v38 =	vpop (erf)  }
0x12d: {  	v35 =	vmul.f32 $1.442695020e+00, v35;
	v49 =	vld.idx.msk [tilespmem:v10+s21+$0xFFFFFE80], $0xffff;
	[tilespmem:s22+$0x50] =	vst v37;
	(erf) = vpow2.f32 v29;
	v29 =	vpop (erf)  }
0x12e: {  	v32 =	vmul.f32 $1.442695020e+00, v56;
	v56 =	vld.idx.msk [tilespmem:v10+s21+$0xFFFFFF00], $0xffff;
	v59 =	vpop (erf)  }
0x12f: {  	v36 =	vmul.f32 $2.500000000e+01, v36;
	[tilespmem:s22+$0xFFFFFF10] =	vst v62;
	v61 =	vld.idx.msk [tilespmem:v10+s21+$0xFFFFFE00], $0xffff;
	(erf) = vpow2.f32 v35;
	v40 =	vadd.f32 $1.000000000e+00, v59  }
0x130: {  	v62 =	vmul.f32 $1.442695020e+00, v30;
	v57 =	vld.idx.msk [tilespmem:v11+s21+$0xFFFFFC80], $0xffff;
	(erf) = vpow2.f32 v32;
	v30 =	vpop (erf)  }
0x131: {  	v36 =	vmul.f32 $1.442695020e+00, v36;
	v58 =	vld.idx.msk [tilespmem:v10+s21+$0xFFFFFC80], $0xffff;
	(erf) = vrcp.f32 v40;
	v48 =	vpop (erf)  }
0x132: {  	v63 =	vld.idx.msk [tilespmem:v11+s21+$0xFFFFFE80], $0xffff;
	v50 =	vpop (erf);
	(erf) = vpow2.f32 v62  }
0x133: {  	v51 =	vld.idx.msk [tilespmem:v11+s21+$0xFFFFFF00], $0xffff;
	[tilespmem:s22+$0xE0] =	vst v48;
	v52 =	vadd.f32 $1.000000000e+00, v50;
	(erf) = vpow2.f32 v36  }
0x134: {  	v33 =	vsub.f32 v61, v60;
	v53 =	vld.idx.msk [tilespmem:v9+s21+$0x0], $0xffff;
	v54 =	vpop (erf)  }
0x135: {  	v55 =	vld.idx.msk [tilespmem:v8+s21+$0x0], $0xffff;
	v44 =	vadd.f32 $1.000000000e+00, v54;
	(erf) = vrcp.f32 v52  }
0x136: {  	v34 =	vsub.f32 v58, v57;
	v33 =	vmul.f32 $2.500000000e+01, v33;
	v57 =	vpop (erf)  }
0x137: {  	[tilespmem:s22+$0x90] =	vst v39;
	v58 =	vadd.f32 $1.000000000e+00, v57;
	(erf) = vrcp.f32 v44  }
0x138: {  	v61 =	vld.idx.msk [tilespmem:v10+s21+$0xFFFFFF80], $0xffff;
	v34 =	vmul.f32 $2.500000000e+01, v34;
	v33 =	vmul.f32 $1.442695020e+00, v33;
	v35 =	vsub.f32 v56, v51;
	v60 =	vpop (erf)  }
0x139: {  	[tilespmem:s20+$0x20] =	vst v31;
	v32 =	vsub.f32 v49, v63;
	v59 =	vld.idx.msk [tilespmem:v11+s21+$0xFFFFFF80], $0xffff;
	v37 =	vadd.f32 $1.000000000e+00, v60;
	v62 =	vpop (erf);
	(erf) = vrcp.f32 v58  }
0x13a: {  	s25 =	simm.s32 $0x10700;
	v34 =	vmul.f32 $1.442695020e+00, v34;
	v63 =	vld.idx.msk [tilespmem:v9+s24+$0xFFFFFE80], $0xffff;
	v39 =	vadd.f32 $1.000000000e+00, v62;
	v36 =	vsub.f32 v55, v53;
	v47 =	vpop (erf)  }
0x13b: {  	v35 =	vmul.f32 $2.500000000e+01, v35;
	v48 =	vld.idx.msk [tilespmem:v8+s24+$0xFFFFFE80], $0xffff;
	(erf) = vrcp.f32 v37;
	[tilespmem:s25+$0xC0] =	vst v47;
	v49 =	vpop (erf)  }
0x13c: {  	(erf) = vrcp.f32 v39;
	v36 =	vmul.f32 $2.500000000e+01, v36;
	v37 =	vadd.f32 $1.000000000e+00, v49;
	v41 =	vld.idx.msk [tilespmem:v14+s23+$0x0], $0xffff;
	v50 =	vpop (erf)  }
0x13d: {  	v32 =	vmul.f32 $2.500000000e+01, v32;
	(erf) = vpow2.f32 v34;
	v51 =	vld.idx.msk [tilespmem:v15+s23+$0x0], $0xffff;
	v39 =	vadd.f32 $1.000000000e+00, v50  }
0x13e: {  	v31 =	vsub.f32 v61, v59;
	v36 =	vmul.f32 $1.442695020e+00, v36;
	v52 =	vpop (erf);
	(erf) = vrcp.f32 v37  }
0x13f: {  	v32 =	vmul.f32 $1.442695020e+00, v32;
	[tilespmem:s25+$0xFFFFFF40] =	vst v52;
	(erf) = vrcp.f32 v39  }
0x140: {  	v31 =	vmul.f32 $2.500000000e+01, v31;
	v54 =	vpop (erf);
	v53 =	vld.idx.msk [tilespmem:v14+s23+$0xFFFFFD00], $0xffff;
	(erf) = vpow2.f32 v36  }
0x141: {  	v35 =	vmul.f32 $1.442695020e+00, v35;
	v55 =	vsub.f32 v48, v63;
	v56 =	vld.idx.msk [tilespmem:v15+s23+$0xFFFFFD00], $0xffff;
	[tilespmem:s25+$0xFFFFFF80] =	vst v54;
	(erf) = vpow2.f32 v33  }
0x142: {  	v31 =	vmul.f32 $1.442695020e+00, v31;
	v57 =	vld.idx.msk [tilespmem:v14+s23+$0xFFFFFD80], $0xffff;
	v58 =	vpop (erf);
	v59 =	vsub.f32 v51, v41;
	(erf) = vpow2.f32 v32  }
0x143: {  	v60 =	vadd.f32 $1.000000000e+00, v42;
	v36 =	vmul.f32 $2.500000000e+01, v55;
	v61 =	vld.idx.msk [tilespmem:v15+s23+$0xFFFFFD80], $0xffff;
	[tilespmem:s25+$0xFFFFFFC0] =	vst v58;
	(erf) = vpow2.f32 v35  }
0x144: {  	v62 =	vadd.f32 $1.000000000e+00, v38;
	v45 =	vpop (erf);
	v63 =	vld.idx.msk [tilespmem:v14+s23+$0xFFFFFE00], $0xffff;
	v46 =	vmul.f32 $2.500000000e+01, v59;
	(erf) = vpow2.f32 v31  }
0x145: {  	v47 =	vmul.f32 $1.442695020e+00, v36;
	v48 =	vld.idx.msk [tilespmem:v15+s23+$0xFFFFFE00], $0xffff;
	[tilespmem:s25+$0x0] =	vst v45;
	v49 =	vpop (erf);
	(erf) = vrcp.f32 v60  }
0x146: {  	v50 =	vld.idx.msk [tilespmem:v14+s23+$0xFFFFFE80], $0xffff;
	v51 =	vpop (erf);
	v31 =	vmul.f32 $1.442695020e+00, v46;
	(erf) = vrcp.f32 v62  }
0x147: {  	[tilespmem:s25+$0x40] =	vst v49;
	v52 =	vsub.f32 v56, v53;
	v53 =	vld.idx.msk [tilespmem:v15+s23+$0xFFFFFE80], $0xffff;
	v54 =	vpop (erf);
	(erf) = vpow2.f32 v47  }
0x148: {  	v55 =	vld.idx.msk [tilespmem:v14+s23+$0xFFFFFF00], $0xffff;
	v33 =	vsub.f32 v61, v57;
	v56 =	vpop (erf);
	(erf) = vpow2.f32 v31  }
0x149: {  	v58 =	vld.idx.msk [tilespmem:v15+s23+$0xFFFFFF00], $0xffff;
	v57 =	vadd.f32 $1.000000000e+00, v51;
	[tilespmem:s25+$0x80] =	vst v54;
	v59 =	vpop (erf)  }
0x14a: {  	v35 =	vmul.f32 $2.500000000e+01, v52;
	v33 =	vmul.f32 $2.500000000e+01, v33;
	[tilespmem:s25+$0xFFFFFF00] =	vst v56;
	v39 =	vld.idx.msk [tilespmem:v14+s23+$0xFFFFFF80], $0xffff;
	v61 =	vpop (erf)  }
0x14b: {  	v36 =	vsub.f32 v48, v63;
	(erf) = vrcp.f32 v57;
	v60 =	vld.idx.msk [tilespmem:v14+s23+$0xFFFFFC80], $0xffff;
	v41 =	vadd.f32 $1.000000000e+00, v59;
	v63 =	vpop (erf)  }
0x14c: {  	v35 =	vmul.f32 $1.442695020e+00, v35;
	v62 =	vld.idx.msk [tilespmem:v15+s23+$0xFFFFFC80], $0xffff;
	v33 =	vmul.f32 $1.442695020e+00, v33;
	v34 =	vsub.f32 v53, v50;
	v48 =	vpop (erf)  }
0x14d: {  	v49 =	vld.idx.msk [tilespmem:v15+s23+$0xFFFFFF80], $0xffff;
	v36 =	vmul.f32 $2.500000000e+01, v36;
	(erf) = vrcp.f32 v41;
	v50 =	vpop (erf)  }
0x14e: {  	v34 =	vmul.f32 $2.500000000e+01, v34;
	(erf) = vpow2.f32 v35;
	v51 =	vpop (erf)  }
0x14f: {  	v32 =	vsub.f32 v58, v55;
	v36 =	vmul.f32 $1.442695020e+00, v36;
	v52 =	vpop (erf)  }
0x150: {  	[tilespmem:s20+$0x60] =	vst v24;
	(erf) = vpow2.f32 v33;
	v24 =	vmul.f32 $1.442695020e+00, v34;
	v53 =	vpop (erf)  }
0x151: {  	[tilespmem:s19+$0xF0] =	vst v16;
	v54 =	vld.idx.msk [tilespmem:v9+s24+$0xFFFFFF00], $0xffff;
	v32 =	vmul.f32 $2.500000000e+01, v32;
	v16 =	vsub.f32 v62, v60;
	(erf) = vpow2.f32 v36;
	v55 =	vpop (erf)  }
0x152: {  	[tilespmem:s19+$0xFFFFFF30] =	vst v18;
	v56 =	vsub.f32 v49, v39;
	(erf) = vpow2.f32 v24;
	v24 =	vld.idx.msk [tilespmem:v8+s24+$0xFFFFFF00], $0xffff;
	v36 =	vadd.f32 $1.000000000e+00, v55  }
0x153: {  	v18 =	vadd.f32 $1.000000000e+00, v61;
	v32 =	vmul.f32 $1.442695020e+00, v32;
	[tilespmem:s22+$0xFFFFFF60] =	vst v51;
	v16 =	vmul.f32 $2.500000000e+01, v16  }
0x154: {  	[tilespmem:s19+$0xFFFFFF70] =	vst v17;
	v17 =	vld.idx.msk [tilespmem:v9+s21+$0xFFFFFD00], $0xffff;
	v35 =	vmul.f32 $2.500000000e+01, v56;
	v58 =	vpop (erf);
	(erf) = vrcp.f32 v36  }
0x155: {  	v57 =	vld.idx.msk [tilespmem:v8+s21+$0xFFFFFD00], $0xffff;
	[tilespmem:s22+$0xFFFFFF20] =	vst v58;
	v16 =	vmul.f32 $1.442695020e+00, v16;
	(erf) = vpow2.f32 v32  }
0x156: {  	[tilespmem:s19+$0xFFFFFFB0] =	vst v19;
	v19 =	vld.idx.msk [tilespmem:v9+s21+$0xFFFFFC80], $0xffff;
	v59 =	vpop (erf);
	(erf) = vrcp.f32 v18  }
0x157: {  	[tilespmem:s20+$0xA0] =	vst v23;
	v35 =	vmul.f32 $1.442695020e+00, v35;
	v18 =	vpop (erf);
	v23 =	vsub.f32 v24, v54;
	(erf) = vpow2.f32 v16;
	v16 =	vld.idx.msk [tilespmem:v8+s21+$0xFFFFFC80], $0xffff  }
0x158: {  	[tilespmem:s20+$0xF0] =	vst v20;
	v60 =	vadd.f32 $1.000000000e+00, v63;
	v18 =	vadd.f32 $1.000000000e+00, v18  }
0x159: {  	[tilespmem:s22+$0xFFFFFFA0] =	vst v52;
	v61 =	vpop (erf);
	(erf) = vpow2.f32 v35;
	v62 =	vmul.f32 $2.500000000e+01, v23;
	v23 =	vadd.f32 $1.000000000e+00, v48  }
0x15a: {  	[tilespmem:s19+$0xFFFFFFF0] =	vst v26;
	v26 =	vld.idx.msk [tilespmem:v8+s21+$0xFFFFFD80], $0xffff;
	v20 =	vadd.f32 $1.000000000e+00, v61;
	(erf) = vrcp.f32 v18  }
0x15b: {  	v17 =	vsub.f32 v57, v17;
	v18 =	vld.idx.msk [tilespmem:v9+s21+$0xFFFFFD80], $0xffff;
	v63 =	vpop (erf);
	(erf) = vrcp.f32 v60  }
0x15c: {  	[tilespmem:s19+$0x30] =	vst v25;
	v25 =	vld.idx.msk [tilespmem:v8+s24+$0xFFFFFF80], $0xffff;
	v31 =	vadd.f32 $1.000000000e+00, v63;
	(erf) = vrcp.f32 v20;
	v16 =	vsub.f32 v16, v19;
	v19 =	vpop (erf)  }
0x15d: {  	v24 =	vld.idx.msk [tilespmem:v9+s24+$0xFFFFFF80], $0xffff;
	v20 =	vadd.f32 $1.000000000e+00, v50;
	(erf) = vrcp.f32 v23;
	v19 =	vadd.f32 $1.000000000e+00, v19;
	v23 =	vpop (erf)  }
0x15e: {  	[tilespmem:s20+$0xFFFFFF70] =	vst v27;
	v17 =	vmul.f32 $2.500000000e+01, v17;
	(erf) = vrcp.f32 v31;
	v27 =	vpop (erf)  }
0x15f: {  	(erf) = vrcp.f32 v20;
	v20 =	vadd.f32 $1.000000000e+00, v27  }
0x160: {  	[tilespmem:s20+$0xFFFFFF30] =	vst v28;
	v17 =	vmul.f32 $1.442695020e+00, v17;
	v18 =	vsub.f32 v26, v18  }
0x161: {  	[tilespmem:s20+$0xFFFFFFB0] =	vst v29;
	v16 =	vmul.f32 $2.500000000e+01, v16;
	(erf) = vrcp.f32 v19;
	v19 =	vpop (erf)  }
0x162: {  	[tilespmem:s25+$0xD0] =	vst v23;
	v23 =	vsub.f32 v25, v24;
	(erf) = vpow2.f32 v17;
	v17 =	vmul.f32 $2.500000000e+01, v18;
	v25 =	vpop (erf)  }
0x163: {  	[tilespmem:s19+$0x70] =	vst v30;
	v24 =	vld.idx.msk [tilespmem:v11+s23+$0x0], $0xffff;
	v16 =	vmul.f32 $1.442695020e+00, v16;
	(erf) = vrcp.f32 v20;
	v20 =	vpop (erf)  }
0x164: {  	v18 =	vld.idx.msk [tilespmem:v10+s23+$0x0], $0xffff;
	[tilespmem:s22+$0xFFFFFFE0] =	vst v19;
	v19 =	vadd.f32 $1.000000000e+00, v25;
	v20 =	vadd.f32 $1.000000000e+00, v20  }
0x165: {  	[tilespmem:s22+$0xF0] =	vst v59;
	v27 =	vmul.f32 $2.500000000e+01, v23;
	(erf) = vpow2.f32 v16;
	v23 =	vld.idx.msk [tilespmem:v9+s21+$0xFFFFFE00], $0xffff;
	v25 =	vpop (erf)  }
0x166: {  	v16 =	vmul.f32 $1.442695020e+00, v17;
	v26 =	vld.idx.msk [tilespmem:v8+s21+$0xFFFFFE00], $0xffff;
	[tilespmem:s25+$0xFFFFFF50] =	vst v25;
	(erf) = vrcp.f32 v19;
	v17 =	vpop (erf)  }
0x167: {  	v19 =	vmul.f32 $1.442695020e+00, v62;
	v25 =	vld.idx.msk [tilespmem:v11+s23+$0xFFFFFD00], $0xffff;
	v28 =	vpop (erf);
	(erf) = vrcp.f32 v20;
	[tilespmem:s22+$0x20] =	vst v17  }
0x168: {  	v29 =	vmul.f32 $1.442695020e+00, v27;
	v27 =	vld.idx.msk [tilespmem:v10+s23+$0xFFFFFD00], $0xffff;
	v17 =	vadd.f32 $1.000000000e+00, v22;
	[tilespmem:s25+$0xFFFFFF90] =	vst v28;
	(erf) = vpow2.f32 v16;
	v20 =	vpop (erf)  }
0x169: {  	v22 =	vsub.f32 v18, v24;
	v16 =	vadd.f32 $1.000000000e+00, v21;
	v21 =	vld.idx.msk [tilespmem:v11+s23+$0xFFFFFD80], $0xffff;
	(erf) = vpow2.f32 v19;
	v28 =	vpop (erf);
	[tilespmem:s22+$0x60] =	vst v20  }
0x16a: {  	s26 =	simm.s32 $0x1380;
	s24 =	simm.s32 $0x18;
	v19 =	vld.idx.msk [tilespmem:v10+s23+$0xFFFFFD80], $0xffff;
	v20 =	vadd.f32 $1.000000000e+00, v53;
	[tilespmem:s25+$0xFFFFFFD0] =	vst v28;
	v24 =	vpop (erf);
	(erf) = vpow2.f32 v29  }
.LBB2_2:
0x16b: {  	v18 =	vld.idx.msk [tilespmem:v12+s26+$0x0], $0xffff;
	v22 =	vmul.f32 $2.500000000e+01, v22;
	v28 =	vpop (erf);
	v23 =	vsub.f32 v26, v23;
	[tilespmem:s22+$0xA0] =	vst v24;
	(erf) = vrcp.f32 v17  }
0x16c: {  	v17 =	vld.idx.msk [tilespmem:v13+s26+$0x0], $0xffff;
	[tilespmem:s25+$0x10] =	vst v28;
	v24 =	vpop (erf);
	(erf) = vrcp.f32 v20  }
0x16d: {  	v20 =	vld.idx.msk [tilespmem:v13+s26+$0xFFFFFC80], $0xffff;
	v22 =	vmul.f32 $1.442695020e+00, v22;
	v26 =	vpop (erf);
	v24 =	vadd.f32 $1.000000000e+00, v24;
	v23 =	vmul.f32 $2.500000000e+01, v23  }
0x16e: {  	v25 =	vsub.f32 v27, v25;
	v28 =	vld.idx.msk [tilespmem:v12+s26+$0xFFFFFD00], $0xffff;
	[tilespmem:s25+$0x50] =	vst v26;
	v26 =	vpop (erf);
	(erf) = vrcp.f32 v16  }
0x16f: {  	s24 =	sadd.s32 $0x8, s24;
	v27 =	vld.idx.msk [tilespmem:v13+s26+$0xFFFFFD00], $0xffff;
	v16 =	vpop (erf);
	(erf) = vpow2.f32 v22;
	v22 =	vadd.f32 $1.000000000e+00, v26;
	v23 =	vmul.f32 $1.442695020e+00, v23  }
0x170: {  	p0 =	slt.u32 s24, $0xF8;
	v26 =	vld.idx.msk [tilespmem:v12+s26+$0xFFFFFD80], $0xffff;
	[tilespmem:s25+$0xFFFFFF10] =	vst v16;
	v16 =	vmul.f32 $2.500000000e+01, v25;
	v25 =	vsub.f32 v19, v21;
	v21 =	vpop (erf);
	(erf) = vrcp.f32 v24  }
0x171: {  	v24 =	vld.idx.msk [tilespmem:v13+s26+$0xFFFFFD80], $0xffff;
	[tilespmem:s25+$0x90] =	vst v21;
	v21 =	vpop (erf);
	(erf) = vpow2.f32 v23  }
0x172: {  	v17 =	vsub.f32 v17, v18;
	v23 =	vld.idx.msk [tilespmem:v12+s26+$0xFFFFFE00], $0xffff;
	v31 =	vmul.f32 $1.442695020e+00, v16;
	v16 =	vmul.f32 $2.500000000e+01, v25;
	v19 =	vpop (erf)  }
0x173: {  	v21 =	vadd.f32 $1.000000000e+00, v21;
	v25 =	vld.idx.msk [tilespmem:v13+s26+$0xFFFFFE00], $0xffff;
	(erf) = vrcp.f32 v22;
	v19 =	vadd.f32 $1.000000000e+00, v19;
	v22 =	vpop (erf)  }
0x174: {  	v17 =	vmul.f32 $2.500000000e+01, v17;
	v29 =	vld.idx.msk [tilespmem:v12+s26+$0xFFFFFE80], $0xffff;
	v30 =	vmul.f32 $1.442695020e+00, v16;
	v16 =	vadd.f32 $1.000000000e+00, v22;
	v22 =	vpop (erf)  }
0x175: {  	v27 =	vsub.f32 v27, v28;
	v28 =	vld.idx.msk [tilespmem:v13+s26+$0xFFFFFE80], $0xffff;
	(erf) = vpow2.f32 v31;
	[tilespmem:s20+$0xFFFFFFF0] =	vst v22;
	v18 =	vpop (erf)  }
0x176: {  	v31 =	vmul.f32 $1.442695020e+00, v17;
	v22 =	vld.idx.msk [tilespmem:v12+s26+$0xFFFFFF00], $0xffff;
	(erf) = vpow2.f32 v30;
	[tilespmem:s20+$0x30] =	vst v18  }
0x177: {  	v18 =	vmul.f32 $2.500000000e+01, v27;
	v24 =	vsub.f32 v24, v26;
	v26 =	vld.idx.msk [tilespmem:v13+s26+$0xFFFFFF00], $0xffff;
	(erf) = vrcp.f32 v21;
	v21 =	vpop (erf)  }
0x178: {  	v27 =	vld.idx.msk [tilespmem:v12+s26+$0xFFFFFF80], $0xffff;
	(erf) = vpow2.f32 v31;
	v17 =	vpop (erf);
	[tilespmem:s19+$0xB0] =	vst v21;
	s19 =	smov.u32 s20;
	s20 =	smov.u32 s22;
	s22 =	smov.u32 s25  }
0x179: {  	v21 =	vmul.f32 $2.500000000e+01, v24;
	v23 =	vsub.f32 v25, v23;
	v24 =	vld.idx.msk [tilespmem:v13+s26+$0xFFFFFF80], $0xffff;
	v17 =	vadd.f32 $1.000000000e+00, v17;
	v25 =	vpop (erf)  }
0x17a: {  	v18 =	vmul.f32 $1.442695020e+00, v18;
	v30 =	vld.idx.msk [tilespmem:v12+s26+$0xFFFFFC80], $0xffff;
	[tilespmem:s20+$0xFFFFFF70] =	vst v25;
	v25 =	vpop (erf);
	(erf) = vrcp.f32 v19  }
0x17b: {  	v19 =	vmul.f32 $2.500000000e+01, v23;
	v23 =	vsub.f32 v28, v29;
	v28 =	vld.idx.msk [tilespmem:v11+s23+$0xFFFFFC80], $0xffff;
	(erf) = vrcp.f32 v17  }
0x17c: {  	v31 =	vmul.f32 $1.442695020e+00, v21;
	v17 =	vadd.f32 $1.000000000e+00, v25;
	(erf) = vpow2.f32 v18;
	v18 =	vld.idx.msk [tilespmem:v10+s23+$0xFFFFFC80], $0xffff;
	v25 =	vpop (erf)  }
0x17d: {  	v19 =	vmul.f32 $1.442695020e+00, v19;
	v23 =	vmul.f32 $2.500000000e+01, v23;
	v22 =	vsub.f32 v26, v22;
	v26 =	vld.idx.msk [tilespmem:v11+s23+$0xFFFFFE00], $0xffff;
	[tilespmem:s20+$0xFFFFFF30] =	vst v25  }
0x17e: {  	(erf) = vpow2.f32 v31;
	v25 =	vld.idx.msk [tilespmem:v10+s23+$0xFFFFFE00], $0xffff;
	v21 =	vpop (erf)  }
0x17f: {  	v23 =	vmul.f32 $1.442695020e+00, v23;
	v22 =	vmul.f32 $2.500000000e+01, v22;
	v24 =	vsub.f32 v24, v27;
	v27 =	vld.idx.msk [tilespmem:v11+s23+$0xFFFFFE80], $0xffff;
	v29 =	vpop (erf)  }
0x180: {  	v30 =	vsub.f32 v20, v30;
	v20 =	vadd.f32 $1.000000000e+00, v21;
	(erf) = vpow2.f32 v19;
	v19 =	vld.idx.msk [tilespmem:v10+s23+$0xFFFFFE80], $0xffff;
	v31 =	vpop (erf)  }
0x181: {  	v22 =	vmul.f32 $1.442695020e+00, v22;
	v24 =	vmul.f32 $2.500000000e+01, v24;
	v21 =	vadd.f32 $1.000000000e+00, v29;
	v32 =	vpop (erf);
	v29 =	vld.idx.msk [tilespmem:v11+s23+$0xFFFFFF00], $0xffff;
	[tilespmem:s20+$0xFFFFFFB0] =	vst v31  }
0x182: {  	v30 =	vmul.f32 $2.500000000e+01, v30;
	v32 =	vadd.f32 $1.000000000e+00, v32;
	(erf) = vpow2.f32 v23;
	v23 =	vld.idx.msk [tilespmem:v10+s23+$0xFFFFFF00], $0xffff  }
0x183: {  	v18 =	vsub.f32 v18, v28;
	v24 =	vmul.f32 $1.442695020e+00, v24;
	(erf) = vpow2.f32 v22;
	v22 =	vld.idx.msk [tilespmem:v11+s23+$0xFFFFFF80], $0xffff;
	v28 =	vpop (erf)  }
0x184: {  	v33 =	vmul.f32 $1.442695020e+00, v30;
	v25 =	vsub.f32 v25, v26;
	(erf) = vrcp.f32 v32;
	v26 =	vld.idx.msk [tilespmem:v10+s23+$0xFFFFFF80], $0xffff;
	v31 =	vpop (erf);
	[tilespmem:s19+$0x70] =	vst v28  }
0x185: {  	v18 =	vmul.f32 $2.500000000e+01, v18;
	v28 =	vpop (erf);
	(erf) = vpow2.f32 v24;
	[tilespmem:s25+$0xE0] =	vst v31;
	v24 =	vld.idx.msk [tilespmem:v9+s21+$0xFFFFFE80], $0xffff  }
0x186: {  	v19 =	vsub.f32 v19, v27;
	v28 =	vadd.f32 $1.000000000e+00, v28;
	(erf) = vpow2.f32 v33;
	v27 =	vld.idx.msk [tilespmem:v9+s23+$0x0], $0xffff  }
0x187: {  	v18 =	vmul.f32 $1.442695020e+00, v18;
	v25 =	vmul.f32 $2.500000000e+01, v25;
	v30 =	vpop (erf);
	v31 =	vld.idx.msk [tilespmem:v8+s23+$0x0], $0xffff  }
0x188: {  	v23 =	vsub.f32 v23, v29;
	v33 =	vadd.f32 $1.000000000e+00, v30;
	(erf) = vrcp.f32 v28;
	v28 =	vld.idx.msk [tilespmem:v8+s21+$0xFFFFFE80], $0xffff  }
0x189: {  	v25 =	vmul.f32 $1.442695020e+00, v25;
	v19 =	vmul.f32 $2.500000000e+01, v19;
	v29 =	vpop (erf);
	v32 =	vld.idx.msk [tilespmem:v9+s21+$0xFFFFFF00], $0xffff  }
0x18a: {  	v22 =	vsub.f32 v26, v22;
	v34 =	vadd.f32 $1.000000000e+00, v29;
	(erf) = vrcp.f32 v33;
	v26 =	vld.idx.msk [tilespmem:v8+s21+$0xFFFFFF00], $0xffff  }
0x18b: {  	v19 =	vmul.f32 $1.442695020e+00, v19;
	v23 =	vmul.f32 $2.500000000e+01, v23;
	v30 =	vpop (erf);
	v33 =	vld.idx.msk [tilespmem:v9+s21+$0xFFFFFF80], $0xffff  }
0x18c: {  	v22 =	vmul.f32 $2.500000000e+01, v22;
	v36 =	vadd.f32 $1.000000000e+00, v30;
	(erf) = vrcp.f32 v34;
	v29 =	vpop (erf);
	v34 =	vld.idx.msk [tilespmem:v8+s21+$0xFFFFFF80], $0xffff;
	s21 =	smov.u32 s23;
	s23 =	smov.u32 s26  }
0x18d: {  	s25 =	sadd.s32 $0x200, s25;
	v23 =	vmul.f32 $1.442695020e+00, v23;
	v27 =	vsub.f32 v31, v27;
	v29 =	vadd.f32 $1.000000000e+00, v29;
	v35 =	vpop (erf)  }
0x18e: {  	v22 =	vmul.f32 $1.442695020e+00, v22;
	v24 =	vsub.f32 v28, v24;
	[tilespmem:s25+$0xC0] =	vst v35;
	(erf) = vrcp.f32 v36;
	v30 =	vpop (erf)  }
0x18f: {  	v27 =	vmul.f32 $2.500000000e+01, v27;
	v28 =	vadd.f32 $1.000000000e+00, v30;
	v30 =	vld.idx.msk [tilespmem:v14+s26+$0x0], $0xffff;
	v31 =	vpop (erf);
	(erf) = vrcp.f32 v29  }
0x190: {  	v35 =	vadd.f32 $1.000000000e+00, v31;
	v31 =	vld.idx.msk [tilespmem:v15+s26+$0x0], $0xffff;
	(erf) = vpow2.f32 v18;
	v18 =	vsub.f32 v26, v32  }
0x191: {  	v27 =	vmul.f32 $1.442695020e+00, v27;
	v26 =	vpop (erf);
	(erf) = vrcp.f32 v28  }
0x192: {  	v24 =	vmul.f32 $2.500000000e+01, v24;
	[tilespmem:s25+$0xFFFFFF40] =	vst v26;
	(erf) = vrcp.f32 v35;
	v26 =	vsub.f32 v34, v33  }
0x193: {  	v18 =	vmul.f32 $2.500000000e+01, v18;
	v28 =	vld.idx.msk [tilespmem:v14+s26+$0xFFFFFD00], $0xffff;
	v29 =	vpop (erf);
	(erf) = vpow2.f32 v27  }
0x194: {  	v27 =	vld.idx.msk [tilespmem:v15+s26+$0xFFFFFD00], $0xffff;
	[tilespmem:s25+$0xFFFFFF80] =	vst v29;
	(erf) = vpow2.f32 v25;
	v25 =	vmul.f32 $2.500000000e+01, v26  }
0x195: {  	v24 =	vmul.f32 $1.442695020e+00, v24;
	v26 =	vld.idx.msk [tilespmem:v14+s26+$0xFFFFFD80], $0xffff;
	v29 =	vpop (erf);
	(erf) = vpow2.f32 v19  }
0x196: {  	v31 =	vsub.f32 v31, v30;
	v19 =	vmul.f32 $1.442695020e+00, v18;
	v32 =	vld.idx.msk [tilespmem:v15+s26+$0xFFFFFD80], $0xffff;
	[tilespmem:s25+$0xFFFFFFC0] =	vst v29;
	(erf) = vpow2.f32 v23  }
0x197: {  	v18 =	vmul.f32 $1.442695020e+00, v25;
	v23 =	vld.idx.msk [tilespmem:v14+s26+$0xFFFFFE00], $0xffff;
	v30 =	vpop (erf);
	(erf) = vpow2.f32 v22  }
0x198: {  	v25 =	vmul.f32 $2.500000000e+01, v31;
	v22 =	vld.idx.msk [tilespmem:v15+s26+$0xFFFFFE00], $0xffff;
	[tilespmem:s25+$0x0] =	vst v30;
	v29 =	vpop (erf);
	(erf) = vrcp.f32 v20  }
0x199: {  	v20 =	vld.idx.msk [tilespmem:v14+s26+$0xFFFFFE80], $0xffff;
	[tilespmem:s25+$0x40] =	vst v29;
	v29 =	vpop (erf);
	(erf) = vrcp.f32 v21  }
0x19a: {  	v21 =	vsub.f32 v27, v28;
	v31 =	vmul.f32 $1.442695020e+00, v25;
	v27 =	vld.idx.msk [tilespmem:v15+s26+$0xFFFFFE80], $0xffff;
	v28 =	vpop (erf);
	v33 =	vadd.f32 $1.000000000e+00, v29  }
0x19b: {  	v30 =	vld.idx.msk [tilespmem:v14+s26+$0xFFFFFF00], $0xffff;
	[tilespmem:s25+$0x80] =	vst v28;
	v28 =	vpop (erf);
	(erf) = vpow2.f32 v24  }
0x19c: {  	v21 =	vmul.f32 $2.500000000e+01, v21;
	v24 =	vsub.f32 v32, v26;
	[tilespmem:s25+$0xFFFFFF00] =	vst v28;
	v26 =	vld.idx.msk [tilespmem:v15+s26+$0xFFFFFF00], $0xffff;
	(erf) = vpow2.f32 v31;
	v25 =	vpop (erf)  }
0x19d: {  	v28 =	vld.idx.msk [tilespmem:v14+s26+$0xFFFFFC80], $0xffff;
	v25 =	vadd.f32 $1.000000000e+00, v25;
	(erf) = vrcp.f32 v33;
	v29 =	vpop (erf)  }
0x19e: {  	v21 =	vmul.f32 $1.442695020e+00, v21;
	v24 =	vmul.f32 $2.500000000e+01, v24;
	v22 =	vsub.f32 v22, v23;
	v31 =	vld.idx.msk [tilespmem:v15+s26+$0xFFFFFC80], $0xffff;
	v23 =	vpop (erf)  }
0x19f: {  	v29 =	vadd.f32 $1.000000000e+00, v29;
	v32 =	vld.idx.msk [tilespmem:v14+s26+$0xFFFFFF80], $0xffff;
	v23 =	vadd.f32 $1.000000000e+00, v23;
	v33 =	vpop (erf);
	(erf) = vrcp.f32 v25  }
0x1a0: {  	v24 =	vmul.f32 $1.442695020e+00, v24;
	v22 =	vmul.f32 $2.500000000e+01, v22;
	v20 =	vsub.f32 v27, v20;
	v25 =	vld.idx.msk [tilespmem:v15+s26+$0xFFFFFF80], $0xffff;
	v27 =	vpop (erf)  }
0x1a1: {  	(erf) = vpow2.f32 v21;
	v21 =	vadd.f32 $1.000000000e+00, v33;
	v27 =	vadd.f32 $1.000000000e+00, v27;
	v33 =	vpop (erf)  }
0x1a2: {  	v35 =	vmul.f32 $1.442695020e+00, v22;
	v34 =	vmul.f32 $2.500000000e+01, v20;
	v26 =	vsub.f32 v26, v30;
	[tilespmem:s22+$0xFFFFFF60] =	vst v33;
	v30 =	vpop (erf)  }
0x1a3: {  	(erf) = vpow2.f32 v24;
	v24 =	vld.idx.msk [tilespmem:v9+s21+$0xFFFFFD00], $0xffff;
	[tilespmem:s22+$0xFFFFFFA0] =	vst v30  }
0x1a4: {  	v28 =	vsub.f32 v31, v28;
	v30 =	vmul.f32 $1.442695020e+00, v34;
	v26 =	vmul.f32 $2.500000000e+01, v26;
	v31 =	vld.idx.msk [tilespmem:v8+s21+$0xFFFFFD00], $0xffff;
	v20 =	vpop (erf)  }
0x1a5: {  	(erf) = vpow2.f32 v35;
	v22 =	vpop (erf);
	v33 =	vld.idx.msk [tilespmem:v9+s21+$0xFFFFFD80], $0xffff;
	v20 =	vadd.f32 $1.000000000e+00, v20  }
0x1a6: {  	v28 =	vmul.f32 $2.500000000e+01, v28;
	v25 =	vsub.f32 v25, v32;
	v22 =	vadd.f32 $1.000000000e+00, v22;
	v32 =	vld.idx.msk [tilespmem:v8+s21+$0xFFFFFD80], $0xffff;
	v34 =	vpop (erf)  }
0x1a7: {  	v26 =	vmul.f32 $1.442695020e+00, v26;
	(erf) = vpow2.f32 v30;
	[tilespmem:s22+$0xFFFFFF20] =	vst v34  }
0x1a8: {  	v25 =	vmul.f32 $2.500000000e+01, v25;
	(erf) = vrcp.f32 v22;
	v22 =	vld.idx.msk [tilespmem:v9+s21+$0xFFFFFC80], $0xffff;
	v30 =	vpop (erf)  }
0x1a9: {  	v34 =	vmul.f32 $1.442695020e+00, v28;
	(erf) = vpow2.f32 v26;
	v26 =	vld.idx.msk [tilespmem:v8+s21+$0xFFFFFC80], $0xffff;
	[tilespmem:s22+$0xF0] =	vst v30  }
0x1aa: {  	v25 =	vmul.f32 $1.442695020e+00, v25;
	v24 =	vsub.f32 v31, v24;
	v30 =	vpop (erf);
	(erf) = vrcp.f32 v29  }
0x1ab: {  	v30 =	vadd.f32 $1.000000000e+00, v30;
	(erf) = vpow2.f32 v34  }
0x1ac: {  	v24 =	vmul.f32 $2.500000000e+01, v24;
	v28 =	vpop (erf);
	(erf) = vpow2.f32 v25;
	v25 =	vsub.f32 v32, v33  }
0x1ad: {  	v28 =	vadd.f32 $1.000000000e+00, v28;
	(erf) = vrcp.f32 v30  }
0x1ae: {  	v29 =	vpop (erf);
	v25 =	vmul.f32 $2.500000000e+01, v25;
	(erf) = vrcp.f32 v23  }
0x1af: {  	v22 =	vsub.f32 v26, v22;
	v29 =	vadd.f32 $1.000000000e+00, v29;
	(erf) = vrcp.f32 v28  }
0x1b0: {  	v24 =	vmul.f32 $1.442695020e+00, v24;
	v26 =	vpop (erf);
	(erf) = vrcp.f32 v21  }
0x1b1: {  	v21 =	vadd.f32 $1.000000000e+00, v26;
	(erf) = vrcp.f32 v29;
	v23 =	vpop (erf);
	v26 =	vmul.f32 $2.500000000e+01, v22  }
0x1b2: {  	v28 =	vmul.f32 $1.442695020e+00, v25;
	[tilespmem:s25+$0xD0] =	vst v23;
	v23 =	vpop (erf);
	(erf) = vrcp.f32 v27  }
0x1b3: {  	v23 =	vadd.f32 $1.000000000e+00, v23;
	v29 =	vld.idx.msk [tilespmem:v11+s26+$0x0], $0xffff;
	(erf) = vrcp.f32 v21;
	v21 =	vmul.f32 $1.442695020e+00, v26;
	v22 =	vpop (erf)  }
0x1b4: {  	v30 =	vld.idx.msk [tilespmem:v10+s26+$0x0], $0xffff;
	v25 =	vpop (erf);
	[tilespmem:s22+$0xFFFFFFE0] =	vst v22;
	(erf) = vpow2.f32 v24  }
0x1b5: {  	v27 =	vadd.f32 $1.000000000e+00, v25;
	(erf) = vrcp.f32 v23;
	v24 =	vpop (erf);
	v23 =	vld.idx.msk [tilespmem:v9+s21+$0xFFFFFE00], $0xffff  }
0x1b6: {  	v31 =	vadd.f32 $1.000000000e+00, v24;
	v25 =	vpop (erf);
	v26 =	vld.idx.msk [tilespmem:v8+s21+$0xFFFFFE00], $0xffff;
	(erf) = vpow2.f32 v21  }
.Ltmp0:
0x1b7: {  	[tilespmem:s25+$0xFFFFFF50] =	vst v25;
	(erf) = vrcp.f32 v27;
	v21 =	vpop (erf);
	(pc) =	sbr.rel @p0 .LBB2_2-.Ltmp0, $4  }
0x1b8: {  	v25 =	vld.idx.msk [tilespmem:v11+s26+$0xFFFFFD00], $0xffff;
	v22 =	vpop (erf);
	(erf) = vrcp.f32 v31;
	[tilespmem:s22+$0x20] =	vst v21  }
0x1b9: {  	v27 =	vld.idx.msk [tilespmem:v10+s26+$0xFFFFFD00], $0xffff;
	[tilespmem:s25+$0xFFFFFF90] =	vst v22;
	(erf) = vpow2.f32 v28;
	v24 =	vpop (erf)  }
0x1ba: {  	v22 =	vsub.f32 v30, v29;
	v21 =	vld.idx.msk [tilespmem:v11+s26+$0xFFFFFD80], $0xffff;
	v28 =	vpop (erf);
	[tilespmem:s22+$0x60] =	vst v24;
	(erf) = vpow2.f32 v19  }
0x1bb: {  	s26 =	sadd.s32 $0x400, s26;
	v19 =	vld.idx.msk [tilespmem:v10+s23+$0xFFFFFD80], $0xffff;
	[tilespmem:s25+$0xFFFFFFD0] =	vst v28;
	v24 =	vpop (erf);
	(erf) = vpow2.f32 v18  }
0x1bc: {  	v18 =	vmul.f32 $2.500000000e+01, v22;
	(erf) = vrcp.f32 v17  }
0x1bd: {  	v28 =	vpop (erf);
	(erf) = vrcp.f32 v20  }
0x1be: {  	v17 =	vpop (erf);
	v18 =	vmul.f32 $1.442695020e+00, v18;
	(erf) = vrcp.f32 v16;
	v16 =	vsub.f32 v26, v23  }
0x1bf: {  	v29 =	vpop (erf)  }
0x1c0: {  	v20 =	vpop (erf);
	(erf) = vpow2.f32 v18;
	v16 =	vmul.f32 $2.500000000e+01, v16;
	v18 =	vsub.f32 v27, v25  }
0x1c1: {  	v17 =	vadd.f32 $1.000000000e+00, v17;
	v22 =	vpop (erf);
	v19 =	vsub.f32 v19, v21  }
0x1c2: {  	v25 =	vpop (erf);
	v16 =	vmul.f32 $1.442695020e+00, v16;
	v18 =	vmul.f32 $2.500000000e+01, v18  }
0x1c3: {  	v21 =	vpop (erf);
	(erf) = vrcp.f32 v17;
	v17 =	vmul.f32 $2.500000000e+01, v19  }
0x1c4: {  	v26 =	vpop (erf);
	v18 =	vmul.f32 $1.442695020e+00, v18  }
0x1c5: {  	v20 =	vadd.f32 $1.000000000e+00, v20;
	v23 =	vpop (erf);
	v19 =	vmul.f32 $1.442695020e+00, v17  }
0x1c6: {  	(erf) = vpow2.f32 v16;
	v16 =	vpop (erf)  }
0x1c7: {  	(erf) = vrcp.f32 v20;
	v17 =	vpop (erf)  }
0x1c8: {  	v20 =	vadd.f32 $1.000000000e+00, v21;
	(erf) = vpow2.f32 v18;
	v18 =	vpop (erf)  }
0x1c9: {  	v21 =	vadd.f32 $1.000000000e+00, v26;
	(erf) = vpow2.f32 v19;
	v19 =	vpop (erf)  }
0x1ca: {  	(erf) = vrcp.f32 v20;
	v19 =	vadd.f32 $1.000000000e+00, v19  }
0x1cb: {  	(erf) = vrcp.f32 v21  }
0x1cc: {  	(erf) = vrcp.f32 v19;
	_ =	sdelay $0x1  }
0x1cd: {  	v19 =	vpop (erf)  }
0x1ce: {  	v26 =	vpop (erf)  }
0x1cf: {  	v20 =	vpop (erf)  }
0x1d0: {  	v30 =	vpop (erf)  }
0x1d1: {  	v33 =	vld.idx.msk [tilespmem:v11+s23+$0xFFFFFE00], $0xffff;
	[tilespmem:s25+$0x10] =	vst v28;
	v32 =	vpop (erf)  }
0x1d2: {  	v28 =	vld.idx.msk [tilespmem:v10+s23+$0xFFFFFE00], $0xffff;
	[tilespmem:s25+$0xFFFFFF10] =	vst v22;
	v22 =	vpop (erf)  }
0x1d3: {  	v27 =	vld.idx.msk [tilespmem:v11+s23+$0xFFFFFC80], $0xffff;
	v21 =	vpop (erf)  }
0x1d4: {  	v31 =	vld.idx.msk [tilespmem:v10+s23+$0xFFFFFC80], $0xffff;
	v35 =	vpop (erf)  }
0x1d5: {  	v34 =	vld.idx.msk [tilespmem:v11+s23+$0xFFFFFE80], $0xffff;
	[tilespmem:s25+$0xE0] =	vst v35  }
0x1d6: {  	v35 =	vld.idx.msk [tilespmem:v9+s23+$0x0], $0xffff  }
0x1d7: {  	[tilespmem:s25+$0x50] =	vst v29;
	v29 =	vld.idx.msk [tilespmem:v8+s23+$0x0], $0xffff  }
0x1d8: {  	v36 =	vld.idx.msk [tilespmem:v10+s23+$0xFFFFFE80], $0xffff  }
0x1d9: {  	v37 =	vld.idx.msk [tilespmem:v11+s23+$0xFFFFFF00], $0xffff;
	v27 =	vsub.f32 v31, v27  }
0x1da: {  	[tilespmem:s25+$0x90] =	vst v25;
	v25 =	vld.idx.msk [tilespmem:v10+s23+$0xFFFFFF00], $0xffff  }
0x1db: {  	v42 =	vld.idx.msk [tilespmem:v11+s23+$0xFFFFFF80], $0xffff;
	v27 =	vmul.f32 $2.500000000e+01, v27  }
0x1dc: {  	v43 =	vld.idx.msk [tilespmem:v10+s23+$0xFFFFFF80], $0xffff;
	v29 =	vsub.f32 v29, v35  }
0x1dd: {  	v28 =	vsub.f32 v28, v33;
	v27 =	vmul.f32 $1.442695020e+00, v27  }
0x1de: {  	v34 =	vsub.f32 v36, v34;
	v29 =	vmul.f32 $2.500000000e+01, v29  }
0x1df: {  	v44 =	vld.idx.msk [tilespmem:v9+s21+$0xFFFFFE80], $0xffff;
	v28 =	vmul.f32 $2.500000000e+01, v28;
	v25 =	vsub.f32 v25, v37;
	(erf) = vpow2.f32 v27  }
0x1e0: {  	v45 =	vld.idx.msk [tilespmem:v8+s21+$0xFFFFFE80], $0xffff;
	v27 =	vmul.f32 $2.500000000e+01, v34;
	v29 =	vmul.f32 $1.442695020e+00, v29  }
0x1e1: {  	v28 =	vmul.f32 $1.442695020e+00, v28;
	v31 =	vsub.f32 v43, v42;
	v25 =	vmul.f32 $2.500000000e+01, v25  }
0x1e2: {  	v27 =	vmul.f32 $1.442695020e+00, v27;
	(erf) = vpow2.f32 v29  }
0x1e3: {  	v31 =	vmul.f32 $2.500000000e+01, v31;
	(erf) = vpow2.f32 v28  }
0x1e4: {  	v25 =	vmul.f32 $1.442695020e+00, v25;
	(erf) = vpow2.f32 v27;
	v27 =	vadd.f32 $1.000000000e+00, v30  }
0x1e5: {  	v29 =	vsub.f32 v45, v44;
	v28 =	vmul.f32 $1.442695020e+00, v31  }
0x1e6: {  	(erf) = vpow2.f32 v25  }
0x1e7: {  	v29 =	vmul.f32 $2.500000000e+01, v29;
	v25 =	vadd.f32 $1.000000000e+00, v32;
	(erf) = vpow2.f32 v28  }
0x1e8: {  	(erf) = vrcp.f32 v27;
	v27 =	vpop (erf)  }
0x1e9: {  	v28 =	vmul.f32 $1.442695020e+00, v29;
	(erf) = vrcp.f32 v25;
	v25 =	vadd.f32 $1.000000000e+00, v27;
	_ =	sdelay $0x1  }
0x1ea: {  	(erf) = vpow2.f32 v28  }
0x1eb: {  	(erf) = vrcp.f32 v25  }
0x1ec: {  	v25 =	vpop (erf)  }
0x1ed: {  	v27 =	vpop (erf)  }
0x1ee: {  	v28 =	vpop (erf)  }
0x1ef: {  	v29 =	vpop (erf)  }
0x1f0: {  	v46 =	vpop (erf)  }
0x1f1: {  	v47 =	vpop (erf)  }
0x1f2: {  	[tilespmem:s25+$0xFFFFFF60] =	vst v47;
	v48 =	vpop (erf)  }
0x1f3: {  	v25 =	vadd.f32 $1.000000000e+00, v25;
	v49 =	vld.idx.msk [tilespmem:v9+s23+$0xFFFFFD00], $0xffff;
	v50 =	vpop (erf)  }
0x1f4: {  	[tilespmem:s25+$0xFFFFFFA0] =	vst v48;
	v51 =	vld.idx.msk [tilespmem:v8+s23+$0xFFFFFD00], $0xffff;
	v52 =	vpop (erf)  }
0x1f5: {  	v27 =	vadd.f32 $1.000000000e+00, v27;
	(erf) = vrcp.f32 v25;
	v25 =	vld.idx.msk [tilespmem:v9+s23+$0xFFFFFD80], $0xffff;
	[tilespmem:s25+$0xFFFFFF20] =	vst v52  }
0x1f6: {  	v34 =	vld.idx.msk [tilespmem:v9+s23+$0xFFFFFC80], $0xffff  }
0x1f7: {  	(erf) = vrcp.f32 v27;
	v27 =	vld.idx.msk [tilespmem:v8+s23+$0xFFFFFC80], $0xffff  }
0x1f8: {  	v53 =	vld.idx.msk [tilespmem:v8+s23+$0xFFFFFD80], $0xffff  }
0x1f9: {  	v54 =	vld.idx.msk [tilespmem:v9+s21+$0xFFFFFF00], $0xffff;
	v28 =	vadd.f32 $1.000000000e+00, v28;
	v31 =	vsub.f32 v51, v49  }
0x1fa: {  	v55 =	vld.idx.msk [tilespmem:v8+s21+$0xFFFFFF00], $0xffff;
	[tilespmem:s22+$0xA0] =	vst v24;
	v29 =	vadd.f32 $1.000000000e+00, v29  }
0x1fb: {  	(erf) = vrcp.f32 v28;
	v28 =	vld.idx.msk [tilespmem:v9+s21+$0xFFFFFF80], $0xffff;
	v24 =	vmul.f32 $2.500000000e+01, v31  }
0x1fc: {  	v30 =	vadd.f32 $1.000000000e+00, v46;
	(erf) = vrcp.f32 v29;
	v29 =	vld.idx.msk [tilespmem:v8+s21+$0xFFFFFF80], $0xffff;
	v27 =	vsub.f32 v27, v34  }
0x1fd: {  	v25 =	vsub.f32 v53, v25;
	v24 =	vmul.f32 $1.442695020e+00, v24  }
0x1fe: {  	(erf) = vrcp.f32 v30;
	v27 =	vmul.f32 $2.500000000e+01, v27  }
0x1ff: {  	v56 =	vpop (erf);
	v25 =	vmul.f32 $2.500000000e+01, v25;
	(erf) = vpow2.f32 v24  }
0x200: {  	v57 =	vsub.f32 v55, v54;
	v58 =	vpop (erf);
	v27 =	vmul.f32 $1.442695020e+00, v27  }
0x201: {  	v28 =	vsub.f32 v29, v28;
	[tilespmem:s25+$0xFFFFFFE0] =	vst v58;
	v25 =	vmul.f32 $1.442695020e+00, v25  }
0x202: {  	v59 =	vld.idx.msk [tilespmem:v9+s23+$0xFFFFFE00], $0xffff;
	v24 =	vmul.f32 $2.500000000e+01, v57;
	(erf) = vpow2.f32 v27  }
0x203: {  	v29 =	vld.idx.msk [tilespmem:v8+s23+$0xFFFFFE00], $0xffff;
	(erf) = vpow2.f32 v25;
	v25 =	vmul.f32 $2.500000000e+01, v28  }
0x204: {  	v26 =	vadd.f32 $1.000000000e+00, v26;
	v24 =	vmul.f32 $1.442695020e+00, v24;
	v27 =	vpop (erf)  }
0x205: {  	[tilespmem:s25+$0x20] =	vst v27;
	v25 =	vmul.f32 $1.442695020e+00, v25  }
0x206: {  	(erf) = vpow2.f32 v24;
	v27 =	vpop (erf);
	v24 =	vld.idx.msk [tilespmem:v9+s23+$0xFFFFFE80], $0xffff  }
0x207: {  	[tilespmem:s25+$0x60] =	vst v27;
	v27 =	vld.idx.msk [tilespmem:v8+s23+$0xFFFFFE80], $0xffff;
	v28 =	vpop (erf);
	(erf) = vpow2.f32 v25  }
0x208: {  	v29 =	vsub.f32 v29, v59;
	v60 =	vld.idx.msk [tilespmem:v9+s23+$0xFFFFFF00], $0xffff;
	(erf) = vrcp.f32 v26;
	v26 =	vpop (erf)  }
0x209: {  	v61 =	vadd.f32 $1.000000000e+00, v50;
	[tilespmem:s25+$0xA0] =	vst v28;
	v25 =	vld.idx.msk [tilespmem:v8+s23+$0xFFFFFF00], $0xffff;
	v26 =	vadd.f32 $1.000000000e+00, v26  }
0x20a: {  	v23 =	vadd.f32 $1.000000000e+00, v23;
	v28 =	vmul.f32 $2.500000000e+01, v29;
	v29 =	vld.idx.msk [tilespmem:v9+s23+$0xFFFFFF80], $0xffff  }
0x20b: {  	v62 =	vld.idx.msk [tilespmem:v8+s23+$0xFFFFFF80], $0xffff;
	(erf) = vrcp.f32 v61  }
0x20c: {  	(erf) = vrcp.f32 v23;
	v23 =	vmul.f32 $1.442695020e+00, v28;
	v63 =	vpop (erf)  }
0x20d: {  	(erf) = vrcp.f32 v26;
	v24 =	vsub.f32 v27, v24;
	v28 =	vadd.f32 $1.000000000e+00, v63;
	v26 =	vpop (erf)  }
0x20e: {  	(erf) = vpow2.f32 v23;
	v23 =	vadd.f32 $1.000000000e+00, v26  }
0x20f: {  	v25 =	vsub.f32 v25, v60;
	v24 =	vmul.f32 $2.500000000e+01, v24;
	v26 =	vpop (erf);
	(erf) = vrcp.f32 v28  }
0x210: {  	v26 =	vadd.f32 $1.000000000e+00, v26;
	(erf) = vrcp.f32 v23;
	v23 =	vsub.f32 v62, v29  }
0x211: {  	v25 =	vmul.f32 $2.500000000e+01, v25;
	v24 =	vmul.f32 $1.442695020e+00, v24  }
0x212: {  	v23 =	vmul.f32 $2.500000000e+01, v23  }
0x213: {  	v25 =	vmul.f32 $1.442695020e+00, v25;
	(erf) = vrcp.f32 v26  }
0x214: {  	v26 =	vpop (erf);
	(erf) = vpow2.f32 v24;
	v23 =	vmul.f32 $1.442695020e+00, v23  }
0x215: {  	v24 =	vpop (erf)  }
0x216: {  	v27 =	vpop (erf)  }
0x217: {  	(erf) = vpow2.f32 v25;
	v25 =	vpop (erf)  }
0x218: {  	(erf) = vpow2.f32 v23;
	v23 =	vpop (erf)  }
0x219: {  	v28 =	vpop (erf)  }
0x21a: {  	[tilespmem:s20+$0xFFFFFFF0] =	vst v16;
	v16 =	vpop (erf)  }
0x21b: {  	[tilespmem:s20+$0x30] =	vst v17;
	v17 =	vpop (erf)  }
0x21c: {  	[tilespmem:s19+$0xB0] =	vst v18;
	v18 =	vpop (erf)  }
0x21d: {  	[tilespmem:s22+$0xFFFFFF70] =	vst v19;
	v19 =	vadd.f32 $1.000000000e+00, v28;
	v28 =	vpop (erf)  }
0x21e: {  	[tilespmem:s22+$0xFFFFFF30] =	vst v20;
	v20 =	vadd.f32 $1.000000000e+00, v28;
	_ =	sdelay $0x2  }
0x21f: {  	[tilespmem:s22+$0xFFFFFFB0] =	vst v22;
	v22 =	vadd.f32 $1.000000000e+00, v26;
	(erf) = vrcp.f32 v19;
	v19 =	vpop (erf)  }
0x220: {  	[tilespmem:s20+$0x70] =	vst v21;
	v19 =	vadd.f32 $1.000000000e+00, v19;
	(erf) = vrcp.f32 v20;
	v20 =	vpop (erf)  }
0x221: {  	[tilespmem:s25+$0xF0] =	vst v56;
	(erf) = vrcp.f32 v22;
	v20 =	vadd.f32 $1.000000000e+00, v20  }
0x222: {  	[tilespmem:s22+$0xFFFFFFF0] =	vst v24;
	(erf) = vrcp.f32 v19  }
0x223: {  	[tilespmem:s22+$0x30] =	vst v27;
	(erf) = vrcp.f32 v20  }
0x224: {  	[tilespmem:s20+$0xB0] =	vst v25  }
0x225: {  	[tilespmem:s25+$0xFFFFFF70] =	vst v23  }
0x226: {  	[tilespmem:s25+$0xFFFFFF30] =	vst v16  }
0x227: {  	[tilespmem:s25+$0xFFFFFFB0] =	vst v17  }
0x228: {  	[tilespmem:s22+$0x70] =	vst v18;
	v16 =	vpop (erf)  }
0x229: {  	[tilespmem:s25+$0xFFFFFFF0] =	vst v16;
	v16 =	vpop (erf)  }
0x22a: {  	[tilespmem:s25+$0x30] =	vst v16;
	v16 =	vpop (erf)  }
0x22b: {  	[tilespmem:s22+$0xB0] =	vst v16;
	v16 =	vpop (erf)  }
0x22c: {  	[tilespmem:s25+$0x70] =	vst v16;
	v16 =	vpop (erf)  }
0x22d: {  	[tilespmem:s25+$0xB0] =	vst v16  }
0x22e: {  	[hbm4b:s6+s2] =	stream.linear.scatter [tilespmem:s13], [sflag:$0x3], $0x4000, $0x38;
	[tilespmem:$0x18080] =	vst v63  }
0x22f: {  	_ =	swait.ge [sflag:s14], $0x8000  }
0x230: {  	[sflag:s14] =	ssyncset.done $0x0  }
0x231: {  	s31 =	simm.s32 $0x8380;
	[sflag:s14] =	ssyncadd.s32 $0xFFFF8000  }
0x232: {  	v16 =	vld.idx.msk [tilespmem:v12+s31+$0x0], $0xffff  }
0x233: {  	v17 =	vld.idx.msk [tilespmem:v13+s31+$0x0], $0xffff  }
0x234: {  	v19 =	vld.idx.msk [tilespmem:v12+s31+$0xFFFFFD00], $0xffff  }
0x235: {  	v20 =	vld.idx.msk [tilespmem:v13+s31+$0xFFFFFD00], $0xffff  }
0x236: {  	v21 =	vld.idx.msk [tilespmem:v12+s31+$0xFFFFFD80], $0xffff  }
0x237: {  	v22 =	vld.idx.msk [tilespmem:v13+s31+$0xFFFFFD80], $0xffff  }
0x238: {  	v23 =	vld.idx.msk [tilespmem:v13+s31+$0xFFFFFE00], $0xffff  }
0x239: {  	v24 =	vld.idx.msk [tilespmem:v12+s31+$0xFFFFFE80], $0xffff;
	v16 =	vsub.f32 v17, v16  }
0x23a: {  	v25 =	vld.idx.msk [tilespmem:v12+s31+$0xFFFFFF00], $0xffff  }
0x23b: {  	v17 =	vld.idx.msk [tilespmem:v12+s31+$0xFFFFFE00], $0xffff;
	v16 =	vmul.f32 $2.500000000e+01, v16  }
0x23c: {  	v19 =	vsub.f32 v20, v19;
	v20 =	vld.idx.msk [tilespmem:v13+s31+$0xFFFFFE80], $0xffff  }
0x23d: {  	v21 =	vsub.f32 v22, v21;
	v22 =	vld.idx.msk [tilespmem:v13+s31+$0xFFFFFF00], $0xffff;
	v16 =	vmul.f32 $1.442695020e+00, v16  }
0x23e: {  	v18 =	vld.idx.msk [tilespmem:v13+s31+$0xFFFFFC80], $0xffff;
	v19 =	vmul.f32 $2.500000000e+01, v19  }
0x23f: {  	v26 =	vld.idx.msk [tilespmem:v12+s31+$0xFFFFFC80], $0xffff;
	(erf) = vpow2.f32 v16  }
0x240: {  	v21 =	vmul.f32 $2.500000000e+01, v21;
	v19 =	vmul.f32 $1.442695020e+00, v19;
	v17 =	vsub.f32 v23, v17;
	v23 =	vld.idx.msk [tilespmem:v13+s31+$0xFFFFFF80], $0xffff  }
0x241: {  	v20 =	vsub.f32 v20, v24;
	v16 =	vld.idx.msk [tilespmem:v12+s31+$0xFFFFFF80], $0xffff  }
0x242: {  	v21 =	vmul.f32 $1.442695020e+00, v21;
	(erf) = vpow2.f32 v19;
	v19 =	vsub.f32 v22, v25  }
0x243: {  	v17 =	vmul.f32 $2.500000000e+01, v17;
	v20 =	vmul.f32 $2.500000000e+01, v20  }
0x244: {  	v18 =	vsub.f32 v18, v26;
	(erf) = vpow2.f32 v21;
	v19 =	vmul.f32 $2.500000000e+01, v19  }
0x245: {  	v17 =	vmul.f32 $1.442695020e+00, v17  }
0x246: {  	v18 =	vmul.f32 $2.500000000e+01, v18;
	v20 =	vmul.f32 $1.442695020e+00, v20;
	v16 =	vsub.f32 v23, v16  }
0x247: {  	(erf) = vpow2.f32 v17;
	v17 =	vmul.f32 $1.442695020e+00, v19  }
0x248: {  	(erf) = vpow2.f32 v20;
	v16 =	vmul.f32 $2.500000000e+01, v16;
	v19 =	vpop (erf)  }
0x249: {  	(erf) = vpow2.f32 v17;
	v17 =	vmul.f32 $1.442695020e+00, v18;
	v19 =	vadd.f32 $1.000000000e+00, v19  }
0x24a: {  	v16 =	vmul.f32 $1.442695020e+00, v16  }
0x24b: {  	v18 =	vpop (erf);
	(erf) = vrcp.f32 v19  }
0x24c: {  	(erf) = vpow2.f32 v16;
	v16 =	vadd.f32 $1.000000000e+00, v18  }
0x24d: {  	(erf) = vpow2.f32 v17;
	v17 =	vpop (erf)  }
0x24e: {  	v17 =	vadd.f32 $1.000000000e+00, v17;
	_ =	sdelay $0x1  }
0x24f: {  	(erf) = vrcp.f32 v16;
	v16 =	vpop (erf)  }
0x250: {  	v16 =	vadd.f32 $1.000000000e+00, v16  }
0x251: {  	(erf) = vrcp.f32 v17;
	v17 =	vpop (erf)  }
0x252: {  	v17 =	vadd.f32 $1.000000000e+00, v17;
	_ =	sdelay $0x1  }
0x253: {  	(erf) = vrcp.f32 v16;
	v16 =	vpop (erf)  }
0x254: {  	v18 =	vpop (erf)  }
0x255: {  	s19 =	simm.s32 $0x14100;
	v16 =	vadd.f32 $1.000000000e+00, v16;
	(erf) = vrcp.f32 v17;
	v17 =	vpop (erf)  }
0x256: {  	[tilespmem:s19+$0xC0] =	vst v18;
	v17 =	vadd.f32 $1.000000000e+00, v17;
	v19 =	vpop (erf)  }
0x257: {  	v18 =	vld.idx.msk [tilespmem:v14+s31+$0x0], $0xffff;
	(erf) = vrcp.f32 v16;
	v16 =	vadd.f32 $1.000000000e+00, v19  }
0x258: {  	v19 =	vld.idx.msk [tilespmem:v15+s31+$0x0], $0xffff;
	v20 =	vpop (erf);
	(erf) = vrcp.f32 v17  }
0x259: {  	[tilespmem:s19+$0xFFFFFF40] =	vst v20;
	(erf) = vrcp.f32 v16  }
0x25a: {  	v16 =	vld.idx.msk [tilespmem:v14+s31+$0xFFFFFD00], $0xffff;
	v17 =	vpop (erf)  }
0x25b: {  	v20 =	vld.idx.msk [tilespmem:v15+s31+$0xFFFFFD00], $0xffff;
	[tilespmem:s19+$0xFFFFFF80] =	vst v17  }
0x25c: {  	v21 =	vpop (erf);
	v17 =	vld.idx.msk [tilespmem:v14+s31+$0xFFFFFD80], $0xffff  }
0x25d: {  	v18 =	vsub.f32 v19, v18;
	v19 =	vld.idx.msk [tilespmem:v15+s31+$0xFFFFFD80], $0xffff;
	[tilespmem:s19+$0xFFFFFFC0] =	vst v21  }
0x25e: {  	v21 =	vld.idx.msk [tilespmem:v14+s31+$0xFFFFFE00], $0xffff;
	v22 =	vpop (erf)  }
0x25f: {  	v23 =	vld.idx.msk [tilespmem:v15+s31+$0xFFFFFE00], $0xffff;
	v18 =	vmul.f32 $2.500000000e+01, v18;
	[tilespmem:s19+$0x0] =	vst v22  }
0x260: {  	v22 =	vpop (erf);
	v24 =	vld.idx.msk [tilespmem:v14+s31+$0xFFFFFE80], $0xffff  }
0x261: {  	v16 =	vsub.f32 v20, v16;
	v20 =	vld.idx.msk [tilespmem:v15+s31+$0xFFFFFE80], $0xffff;
	v18 =	vmul.f32 $1.442695020e+00, v18;
	[tilespmem:s19+$0x40] =	vst v22;
	v22 =	vpop (erf)  }
0x262: {  	v25 =	vld.idx.msk [tilespmem:v14+s31+$0xFFFFFF00], $0xffff;
	v26 =	vpop (erf)  }
0x263: {  	v17 =	vsub.f32 v19, v17;
	(erf) = vpow2.f32 v18;
	v18 =	vld.idx.msk [tilespmem:v15+s31+$0xFFFFFF00], $0xffff;
	[tilespmem:s19+$0xFFFFFF00] =	vst v26  }
0x264: {  	v16 =	vmul.f32 $2.500000000e+01, v16;
	v19 =	vld.idx.msk [tilespmem:v14+s31+$0xFFFFFC80], $0xffff  }
0x265: {  	[tilespmem:s19+$0x80] =	vst v22;
	v17 =	vmul.f32 $2.500000000e+01, v17;
	v22 =	vld.idx.msk [tilespmem:v15+s31+$0xFFFFFC80], $0xffff  }
0x266: {  	v16 =	vmul.f32 $1.442695020e+00, v16;
	v21 =	vsub.f32 v23, v21  }
0x267: {  	v23 =	vld.idx.msk [tilespmem:v14+s31+$0xFFFFFF80], $0xffff;
	v20 =	vsub.f32 v20, v24;
	v17 =	vmul.f32 $1.442695020e+00, v17  }
0x268: {  	v21 =	vmul.f32 $2.500000000e+01, v21;
	v24 =	vld.idx.msk [tilespmem:v15+s31+$0xFFFFFF80], $0xffff;
	(erf) = vpow2.f32 v16  }
0x269: {  	v16 =	vmul.f32 $2.500000000e+01, v20;
	v18 =	vsub.f32 v18, v25;
	(erf) = vpow2.f32 v17  }
0x26a: {  	v20 =	vmul.f32 $1.442695020e+00, v21;
	v17 =	vsub.f32 v22, v19  }
0x26b: {  	v16 =	vmul.f32 $1.442695020e+00, v16;
	v18 =	vmul.f32 $2.500000000e+01, v18  }
0x26c: {  	(erf) = vpow2.f32 v20;
	v19 =	vpop (erf);
	v17 =	vmul.f32 $2.500000000e+01, v17  }
0x26d: {  	v20 =	vsub.f32 v24, v23;
	v18 =	vmul.f32 $1.442695020e+00, v18;
	v19 =	vadd.f32 $1.000000000e+00, v19  }
0x26e: {  	(erf) = vpow2.f32 v16;
	v17 =	vmul.f32 $1.442695020e+00, v17  }
0x26f: {  	v16 =	vmul.f32 $2.500000000e+01, v20;
	(erf) = vrcp.f32 v19;
	_ =	sdelay $0x1  }
0x270: {  	v16 =	vmul.f32 $1.442695020e+00, v16;
	(erf) = vpow2.f32 v18;
	v18 =	vpop (erf)  }
0x271: {  	v18 =	vadd.f32 $1.000000000e+00, v18;
	(erf) = vpow2.f32 v17;
	v17 =	vpop (erf)  }
0x272: {  	(erf) = vpow2.f32 v16;
	v16 =	vadd.f32 $1.000000000e+00, v17  }
0x273: {  	(erf) = vrcp.f32 v18;
	_ =	sdelay $0x1  }
0x274: {  	v17 =	vpop (erf);
	(erf) = vrcp.f32 v16  }
0x275: {  	v16 =	vpop (erf)  }
0x276: {  	v18 =	vpop (erf)  }
0x277: {  	v17 =	vadd.f32 $1.000000000e+00, v17;
	[tilespmem:s19+$0xD0] =	vst v18  }
0x278: {  	v16 =	vadd.f32 $1.000000000e+00, v16;
	v18 =	vpop (erf);
	v19 =	vld.idx.msk [tilespmem:v11+s31+$0x0], $0xffff  }
0x279: {  	(erf) = vrcp.f32 v17;
	v20 =	vld.idx.msk [tilespmem:v10+s31+$0x0], $0xffff;
	v21 =	vpop (erf);
	v17 =	vadd.f32 $1.000000000e+00, v18  }
0x27a: {  	s24 =	simm.s32 $0x8780;
	(erf) = vrcp.f32 v16;
	v22 =	vpop (erf);
	v16 =	vadd.f32 $1.000000000e+00, v21  }
0x27b: {  	v21 =	vld.idx.msk [tilespmem:v12+s24+$0x0], $0xffff;
	v23 =	vpop (erf);
	(erf) = vrcp.f32 v17  }
0x27c: {  	[tilespmem:s19+$0xFFFFFF50] =	vst v23;
	(erf) = vrcp.f32 v16;
	v16 =	vld.idx.msk [tilespmem:v13+s24+$0x0], $0xffff  }
0x27d: {  	v23 =	vld.idx.msk [tilespmem:v11+s31+$0xFFFFFD00], $0xffff;
	v24 =	vpop (erf)  }
0x27e: {  	v25 =	vld.idx.msk [tilespmem:v10+s31+$0xFFFFFD00], $0xffff;
	[tilespmem:s19+$0xFFFFFF90] =	vst v24;
	v19 =	vsub.f32 v20, v19  }
0x27f: {  	v18 =	vld.idx.msk [tilespmem:v11+s31+$0xFFFFFD80], $0xffff  }
0x280: {  	v20 =	vld.idx.msk [tilespmem:v10+s31+$0xFFFFFD80], $0xffff;
	v19 =	vmul.f32 $2.500000000e+01, v19  }
0x281: {  	v27 =	vld.idx.msk [tilespmem:v13+s24+$0xFFFFFE00], $0xffff;
	v17 =	vadd.f32 $1.000000000e+00, v22  }
0x282: {  	v22 =	vld.idx.msk [tilespmem:v12+s24+$0xFFFFFD00], $0xffff;
	v19 =	vmul.f32 $1.442695020e+00, v19  }
0x283: {  	(erf) = vrcp.f32 v17;
	v24 =	vld.idx.msk [tilespmem:v12+s24+$0xFFFFFD80], $0xffff  }
0x284: {  	(erf) = vpow2.f32 v19;
	v19 =	vsub.f32 v25, v23;
	v23 =	vld.idx.msk [tilespmem:v13+s24+$0xFFFFFD00], $0xffff  }
0x285: {  	v16 =	vsub.f32 v16, v21;
	v18 =	vsub.f32 v20, v18;
	v20 =	vld.idx.msk [tilespmem:v13+s24+$0xFFFFFD80], $0xffff  }
0x286: {  	v25 =	vld.idx.msk [tilespmem:v12+s24+$0xFFFFFE00], $0xffff;
	v19 =	vmul.f32 $2.500000000e+01, v19  }
0x287: {  	v29 =	vld.idx.msk [tilespmem:v12+s24+$0xFFFFFE80], $0xffff;
	v16 =	vmul.f32 $2.500000000e+01, v16;
	v18 =	vmul.f32 $2.500000000e+01, v18  }
0x288: {  	v37 =	vld.idx.msk [tilespmem:v12+s24+$0xFFFFFF00], $0xffff;
	v21 =	vpop (erf);
	v19 =	vmul.f32 $1.442695020e+00, v19  }
0x289: {  	v26 =	vpop (erf);
	v16 =	vmul.f32 $1.442695020e+00, v16;
	v18 =	vmul.f32 $1.442695020e+00, v18;
	v22 =	vsub.f32 v23, v22;
	v23 =	vld.idx.msk [tilespmem:v13+s24+$0xFFFFFE80], $0xffff  }
0x28a: {  	v28 =	vpop (erf);
	v20 =	vsub.f32 v20, v24;
	v24 =	vld.idx.msk [tilespmem:v12+s24+$0xFFFFFF80], $0xffff;
	(erf) = vpow2.f32 v19  }
0x28b: {  	v36 =	vpop (erf);
	v25 =	vsub.f32 v27, v25;
	v27 =	vld.idx.msk [tilespmem:v13+s24+$0xFFFFFF80], $0xffff;
	(erf) = vpow2.f32 v18  }
0x28c: {  	v18 =	vmul.f32 $2.500000000e+01, v22;
	v22 =	vld.idx.msk [tilespmem:v13+s24+$0xFFFFFF00], $0xffff;
	v19 =	vpop (erf);
	(erf) = vpow2.f32 v16  }
0x28d: {  	v20 =	vmul.f32 $2.500000000e+01, v20;
	v16 =	vpop (erf)  }
0x28e: {  	v16 =	vadd.f32 $1.000000000e+00, v16  }
0x28f: {  	v18 =	vmul.f32 $1.442695020e+00, v18;
	v20 =	vmul.f32 $1.442695020e+00, v20  }
0x290: {  	v38 =	vld.idx.msk [tilespmem:v12+s24+$0xFFFFFC80], $0xffff;
	v25 =	vmul.f32 $2.500000000e+01, v25;
	(erf) = vrcp.f32 v16;
	v16 =	vsub.f32 v23, v29  }
0x291: {  	v17 =	vld.idx.msk [tilespmem:v13+s24+$0xFFFFFC80], $0xffff;
	v22 =	vsub.f32 v22, v37;
	v23 =	vsub.f32 v27, v24;
	(erf) = vpow2.f32 v18  }
0x292: {  	v18 =	vmul.f32 $1.442695020e+00, v25;
	v16 =	vmul.f32 $2.500000000e+01, v16  }
0x293: {  	(erf) = vpow2.f32 v20;
	v22 =	vmul.f32 $2.500000000e+01, v22;
	v20 =	vpop (erf)  }
0x294: {  	[tilespmem:s19+$0xFFFFFFD0] =	vst v21;
	(erf) = vpow2.f32 v18;
	v16 =	vmul.f32 $1.442695020e+00, v16;
	v25 =	vpop (erf)  }
0x295: {  	[tilespmem:s19+$0x10] =	vst v26;
	v21 =	vmul.f32 $1.442695020e+00, v22;
	v22 =	vmul.f32 $2.500000000e+01, v23;
	v23 =	vpop (erf)  }
0x296: {  	v17 =	vsub.f32 v17, v38;
	v26 =	vld.idx.msk [tilespmem:v10+s31+$0xFFFFFE80], $0xffff;
	[tilespmem:s19+$0xFFFFFF10] =	vst v36;
	v23 =	vadd.f32 $1.000000000e+00, v23;
	(erf) = vpow2.f32 v16  }
0x297: {  	v24 =	vld.idx.msk [tilespmem:v11+s31+$0xFFFFFC80], $0xffff  }
0x298: {  	v17 =	vmul.f32 $2.500000000e+01, v17;
	v18 =	vld.idx.msk [tilespmem:v10+s31+$0xFFFFFC80], $0xffff  }
0x299: {  	v27 =	vld.idx.msk [tilespmem:v11+s31+$0xFFFFFE00], $0xffff;
	v22 =	vmul.f32 $1.442695020e+00, v22;
	(erf) = vpow2.f32 v21  }
0x29a: {  	v17 =	vmul.f32 $1.442695020e+00, v17;
	v21 =	vld.idx.msk [tilespmem:v11+s31+$0xFFFFFE80], $0xffff;
	(erf) = vrcp.f32 v23;
	v23 =	vpop (erf)  }
0x29b: {  	[tilespmem:s19+$0x50] =	vst v28;
	v16 =	vld.idx.msk [tilespmem:v10+s31+$0xFFFFFE00], $0xffff;
	(erf) = vpow2.f32 v22;
	v28 =	vpop (erf)  }
0x29c: {  	v22 =	vld.idx.msk [tilespmem:v11+s31+$0xFFFFFF00], $0xffff;
	(erf) = vpow2.f32 v17;
	[tilespmem:s19+$0xE0] =	vst v23;
	v23 =	vadd.f32 $1.000000000e+00, v28;
	v28 =	vpop (erf)  }
0x29d: {  	v18 =	vsub.f32 v18, v24;
	v17 =	vld.idx.msk [tilespmem:v9+s31+$0x0], $0xffff;
	v24 =	vpop (erf)  }
0x29e: {  	v29 =	vld.idx.msk [tilespmem:v8+s31+$0x0], $0xffff;
	v28 =	vadd.f32 $1.000000000e+00, v28;
	(erf) = vrcp.f32 v23;
	v24 =	vadd.f32 $1.000000000e+00, v24  }
0x29f: {  	v21 =	vsub.f32 v26, v21;
	v23 =	vld.idx.msk [tilespmem:v10+s31+$0xFFFFFF00], $0xffff;
	v26 =	vpop (erf)  }
0x2a0: {  	[tilespmem:s19+$0x90] =	vst v19;
	v18 =	vmul.f32 $2.500000000e+01, v18;
	(erf) = vrcp.f32 v28;
	v19 =	vadd.f32 $1.000000000e+00, v26  }
0x2a1: {  	v16 =	vsub.f32 v16, v27  }
0x2a2: {  	v18 =	vmul.f32 $1.442695020e+00, v18;
	(erf) = vrcp.f32 v24;
	v24 =	vpop (erf)  }
0x2a3: {  	s20 =	simm.s32 $0x14300;
	v16 =	vmul.f32 $2.500000000e+01, v16;
	v28 =	vld.idx.msk [tilespmem:v10+s31+$0xFFFFFF80], $0xffff;
	v17 =	vsub.f32 v29, v17;
	v24 =	vadd.f32 $1.000000000e+00, v24;
	v27 =	vpop (erf)  }
0x2a4: {  	v21 =	vmul.f32 $2.500000000e+01, v21;
	v26 =	vld.idx.msk [tilespmem:v11+s31+$0xFFFFFF80], $0xffff;
	(erf) = vrcp.f32 v19;
	v22 =	vsub.f32 v23, v22;
	v19 =	vpop (erf);
	[tilespmem:s20+$0xC0] =	vst v27  }
0x2a5: {  	v17 =	vmul.f32 $2.500000000e+01, v17;
	v19 =	vadd.f32 $1.000000000e+00, v19;
	v23 =	vpop (erf);
	(erf) = vrcp.f32 v24;
	v24 =	vld.idx.msk [tilespmem:v14+s24+$0x0], $0xffff  }
0x2a6: {  	v16 =	vmul.f32 $1.442695020e+00, v16;
	v23 =	vadd.f32 $1.000000000e+00, v23;
	(erf) = vpow2.f32 v18;
	v18 =	vld.idx.msk [tilespmem:v15+s24+$0x0], $0xffff  }
0x2a7: {  	v17 =	vmul.f32 $1.442695020e+00, v17;
	v27 =	vpop (erf);
	(erf) = vrcp.f32 v19  }
0x2a8: {  	v19 =	vmul.f32 $2.500000000e+01, v22;
	[tilespmem:s20+$0xFFFFFF40] =	vst v27;
	(erf) = vrcp.f32 v23  }
0x2a9: {  	v21 =	vmul.f32 $1.442695020e+00, v21;
	v22 =	vsub.f32 v28, v26;
	v26 =	vpop (erf);
	v23 =	vld.idx.msk [tilespmem:v14+s24+$0xFFFFFD00], $0xffff;
	(erf) = vpow2.f32 v17  }
0x2aa: {  	v17 =	vmul.f32 $1.442695020e+00, v19;
	v19 =	vld.idx.msk [tilespmem:v15+s24+$0xFFFFFD00], $0xffff;
	[tilespmem:s20+$0xFFFFFF80] =	vst v26;
	(erf) = vpow2.f32 v16  }
0x2ab: {  	v26 =	vpop (erf);
	v16 =	vmul.f32 $2.500000000e+01, v22;
	v22 =	vld.idx.msk [tilespmem:v14+s24+$0xFFFFFD80], $0xffff;
	(erf) = vpow2.f32 v21;
	v18 =	vsub.f32 v18, v24  }
0x2ac: {  	[tilespmem:s20+$0xFFFFFFC0] =	vst v26;
	v21 =	vld.idx.msk [tilespmem:v15+s24+$0xFFFFFD80], $0xffff;
	(erf) = vpow2.f32 v17  }
0x2ad: {  	v26 =	vld.idx.msk [tilespmem:v15+s24+$0xFFFFFE00], $0xffff;
	v16 =	vmul.f32 $1.442695020e+00, v16;
	v18 =	vmul.f32 $2.500000000e+01, v18  }
0x2ae: {  	v20 =	vadd.f32 $1.000000000e+00, v20;
	v25 =	vadd.f32 $1.000000000e+00, v25;
	v24 =	vpop (erf);
	v17 =	vld.idx.msk [tilespmem:v14+s24+$0xFFFFFE00], $0xffff  }
0x2af: {  	[tilespmem:s20+$0x0] =	vst v24;
	v24 =	vpop (erf);
	(erf) = vpow2.f32 v16;
	v18 =	vmul.f32 $1.442695020e+00, v18  }
0x2b0: {  	v16 =	vld.idx.msk [tilespmem:v14+s24+$0xFFFFFE80], $0xffff;
	v19 =	vsub.f32 v19, v23;
	v27 =	vpop (erf);
	(erf) = vrcp.f32 v20  }
0x2b1: {  	[tilespmem:s20+$0x40] =	vst v24;
	v20 =	vld.idx.msk [tilespmem:v15+s24+$0xFFFFFE80], $0xffff;
	v24 =	vpop (erf);
	(erf) = vrcp.f32 v25;
	v27 =	vadd.f32 $1.000000000e+00, v27  }
0x2b2: {  	v23 =	vld.idx.msk [tilespmem:v14+s24+$0xFFFFFF00], $0xffff;
	v21 =	vsub.f32 v21, v22;
	v19 =	vmul.f32 $2.500000000e+01, v19;
	v25 =	vpop (erf);
	(erf) = vpow2.f32 v18  }
0x2b3: {  	v22 =	vld.idx.msk [tilespmem:v15+s24+$0xFFFFFF00], $0xffff;
	[tilespmem:s20+$0x80] =	vst v24;
	v17 =	vsub.f32 v26, v17;
	v18 =	vpop (erf)  }
0x2b4: {  	[tilespmem:s20+$0xFFFFFF00] =	vst v25;
	v21 =	vmul.f32 $2.500000000e+01, v21;
	v19 =	vmul.f32 $1.442695020e+00, v19;
	v26 =	vld.idx.msk [tilespmem:v14+s24+$0xFFFFFF80], $0xffff;
	v18 =	vadd.f32 $1.000000000e+00, v18;
	v28 =	vpop (erf)  }
0x2b5: {  	(erf) = vrcp.f32 v27;
	v25 =	vld.idx.msk [tilespmem:v14+s24+$0xFFFFFC80], $0xffff;
	v17 =	vmul.f32 $2.500000000e+01, v17;
	v27 =	vpop (erf)  }
0x2b6: {  	v24 =	vld.idx.msk [tilespmem:v15+s24+$0xFFFFFC80], $0xffff;
	v29 =	vpop (erf);
	(erf) = vrcp.f32 v18;
	v18 =	vmul.f32 $1.442695020e+00, v21  }
0x2b7: {  	v16 =	vsub.f32 v20, v16;
	v17 =	vmul.f32 $1.442695020e+00, v17;
	v20 =	vld.idx.msk [tilespmem:v15+s24+$0xFFFFFF80], $0xffff;
	(erf) = vpow2.f32 v19  }
0x2b8: {  	v22 =	vsub.f32 v22, v23;
	v19 =	vpop (erf)  }
0x2b9: {  	v16 =	vmul.f32 $2.500000000e+01, v16;
	v21 =	vpop (erf);
	(erf) = vpow2.f32 v18  }
0x2ba: {  	v22 =	vmul.f32 $2.500000000e+01, v22;
	v18 =	vpop (erf)  }
0x2bb: {  	v23 =	vsub.f32 v24, v25;
	v16 =	vmul.f32 $1.442695020e+00, v16;
	(erf) = vpow2.f32 v17;
	v17 =	vpop (erf)  }
0x2bc: {  	[tilespmem:s19+$0xFFFFFF60] =	vst v21;
	v21 =	vmul.f32 $1.442695020e+00, v22;
	v20 =	vsub.f32 v20, v26;
	v17 =	vadd.f32 $1.000000000e+00, v17  }
0x2bd: {  	v23 =	vmul.f32 $2.500000000e+01, v23;
	(erf) = vpow2.f32 v16  }
0x2be: {  	v22 =	vadd.f32 $1.000000000e+00, v28;
	v24 =	vld.idx.msk [tilespmem:v9+s31+$0xFFFFFD00], $0xffff;
	v25 =	vpop (erf);
	v20 =	vmul.f32 $2.500000000e+01, v20;
	(erf) = vrcp.f32 v17  }
0x2bf: {  	v23 =	vmul.f32 $1.442695020e+00, v23;
	v17 =	vld.idx.msk [tilespmem:v8+s31+$0xFFFFFD00], $0xffff;
	v16 =	vpop (erf);
	(erf) = vpow2.f32 v21  }
0x2c0: {  	[tilespmem:s19+$0xFFFFFF20] =	vst v25;
	v20 =	vmul.f32 $1.442695020e+00, v20;
	v21 =	vpop (erf);
	(erf) = vrcp.f32 v22  }
0x2c1: {  	v25 =	vld.idx.msk [tilespmem:v8+s31+$0xFFFFFC80], $0xffff;
	v21 =	vadd.f32 $1.000000000e+00, v21;
	(erf) = vpow2.f32 v23;
	v23 =	vadd.f32 $1.000000000e+00, v27  }
0x2c2: {  	v22 =	vld.idx.msk [tilespmem:v9+s31+$0xFFFFFC80], $0xffff;
	v26 =	vpop (erf);
	(erf) = vpow2.f32 v20  }
0x2c3: {  	[tilespmem:s19+$0xFFFFFFA0] =	vst v18;
	v18 =	vadd.f32 $1.000000000e+00, v29;
	v20 =	vadd.f32 $1.000000000e+00, v26;
	(erf) = vrcp.f32 v21  }
0x2c4: {  	v17 =	vsub.f32 v17, v24;
	v21 =	vld.idx.msk [tilespmem:v9+s31+$0xFFFFFD80], $0xffff;
	(erf) = vrcp.f32 v23  }
0x2c5: {  	v23 =	vpop (erf);
	(erf) = vrcp.f32 v20;
	v20 =	vld.idx.msk [tilespmem:v8+s31+$0xFFFFFD80], $0xffff  }
0x2c6: {  	v17 =	vmul.f32 $2.500000000e+01, v17;
	v23 =	vadd.f32 $1.000000000e+00, v23;
	v24 =	vpop (erf)  }
0x2c7: {  	v19 =	vadd.f32 $1.000000000e+00, v19;
	v22 =	vsub.f32 v25, v22;
	(erf) = vrcp.f32 v18;
	v18 =	vpop (erf)  }
0x2c8: {  	v17 =	vmul.f32 $1.442695020e+00, v17;
	v24 =	vadd.f32 $1.000000000e+00, v24;
	(erf) = vrcp.f32 v23;
	[tilespmem:s20+$0xD0] =	vst v18  }
0x2c9: {  	v22 =	vmul.f32 $2.500000000e+01, v22;
	v18 =	vpop (erf);
	(erf) = vrcp.f32 v19;
	v19 =	vld.idx.msk [tilespmem:v11+s24+$0x0], $0xffff  }
0x2ca: {  	v18 =	vadd.f32 $1.000000000e+00, v18;
	v23 =	vpop (erf);
	(erf) = vrcp.f32 v24;
	v24 =	vld.idx.msk [tilespmem:v10+s24+$0x0], $0xffff;
	v20 =	vsub.f32 v20, v21  }
0x2cb: {  	v21 =	vmul.f32 $1.442695020e+00, v22;
	v25 =	vpop (erf);
	[tilespmem:s19+$0xFFFFFFE0] =	vst v23;
	(erf) = vpow2.f32 v17  }
0x2cc: {  	v17 =	vpop (erf);
	(erf) = vrcp.f32 v18;
	v18 =	vld.idx.msk [tilespmem:v9+s31+$0xFFFFFE00], $0xffff;
	v20 =	vmul.f32 $2.500000000e+01, v20  }
0x2cd: {  	s21 =	simm.s32 $0x8B80;
	v26 =	vld.idx.msk [tilespmem:v8+s31+$0xFFFFFE00], $0xffff;
	v22 =	vpop (erf)  }
0x2ce: {  	v28 =	vld.idx.msk [tilespmem:v12+s21+$0x0], $0xffff;
	v25 =	vadd.f32 $1.000000000e+00, v25;
	(erf) = vpow2.f32 v21;
	[tilespmem:s20+$0xFFFFFF50] =	vst v22;
	v23 =	vpop (erf)  }
0x2cf: {  	v17 =	vadd.f32 $1.000000000e+00, v17;
	v21 =	vld.idx.msk [tilespmem:v11+s24+$0xFFFFFD00], $0xffff;
	v22 =	vpop (erf);
	v19 =	vsub.f32 v24, v19  }
0x2d0: {  	v27 =	vmul.f32 $1.442695020e+00, v20;
	(erf) = vrcp.f32 v25;
	v25 =	vld.idx.msk [tilespmem:v10+s24+$0xFFFFFD00], $0xffff;
	[tilespmem:s20+$0xFFFFFF90] =	vst v22;
	v20 =	vpop (erf)  }
0x2d1: {  	(erf) = vrcp.f32 v17;
	v17 =	vld.idx.msk [tilespmem:v11+s24+$0xFFFFFD80], $0xffff;
	v24 =	vpop (erf);
	v19 =	vmul.f32 $2.500000000e+01, v19  }
0x2d2: {  	(erf) = vpow2.f32 v27;
	v27 =	vld.idx.msk [tilespmem:v10+s24+$0xFFFFFD80], $0xffff;
	v18 =	vsub.f32 v26, v18;
	v22 =	vpop (erf)  }
0x2d3: {  	v29 =	vld.idx.msk [tilespmem:v13+s21+$0x0], $0xffff;
	v26 =	vpop (erf);
	v19 =	vmul.f32 $1.442695020e+00, v19  }
0x2d4: {  	v18 =	vmul.f32 $2.500000000e+01, v18;
	v39 =	vpop (erf)  }
0x2d5: {  	v30 =	vadd.f32 $1.000000000e+00, v39  }
0x2d6: {  	v42 =	vld.idx.msk [tilespmem:v12+s21+$0xFFFFFD00], $0xffff;
	v41 =	vpop (erf);
	(erf) = vpow2.f32 v19;
	v18 =	vmul.f32 $1.442695020e+00, v18  }
0x2d7: {  	v44 =	vld.idx.msk [tilespmem:v13+s21+$0xFFFFFD80], $0xffff;
	v21 =	vsub.f32 v25, v21;
	v17 =	vsub.f32 v27, v17;
	v19 =	vpop (erf);
	(erf) = vrcp.f32 v30  }
0x2d8: {  	v25 =	vld.idx.msk [tilespmem:v13+s21+$0xFFFFFD00], $0xffff;
	v19 =	vadd.f32 $1.000000000e+00, v19;
	(erf) = vpow2.f32 v18;
	v18 =	vsub.f32 v29, v28  }
0x2d9: {  	v45 =	vld.idx.msk [tilespmem:v13+s21+$0xFFFFFE00], $0xffff;
	v21 =	vmul.f32 $2.500000000e+01, v21  }
0x2da: {  	v27 =	vld.idx.msk [tilespmem:v12+s21+$0xFFFFFD80], $0xffff;
	v43 =	vpop (erf);
	v17 =	vmul.f32 $2.500000000e+01, v17;
	v18 =	vmul.f32 $2.500000000e+01, v18  }
0x2db: {  	v29 =	vld.idx.msk [tilespmem:v12+s21+$0xFFFFFE00], $0xffff;
	v21 =	vmul.f32 $1.442695020e+00, v21;
	v28 =	vpop (erf);
	(erf) = vrcp.f32 v19  }
0x2dc: {  	v40 =	vld.idx.msk [tilespmem:v13+s21+$0xFFFFFC80], $0xffff;
	v17 =	vmul.f32 $1.442695020e+00, v17;
	v19 =	vpop (erf);
	v18 =	vmul.f32 $1.442695020e+00, v18  }
0x2dd: {  	v46 =	vld.idx.msk [tilespmem:v12+s21+$0xFFFFFE80], $0xffff;
	(erf) = vpow2.f32 v21;
	v21 =	vsub.f32 v25, v42;
	v19 =	vadd.f32 $1.000000000e+00, v19  }
0x2de: {  	v47 =	vld.idx.msk [tilespmem:v12+s21+$0xFFFFFF00], $0xffff;
	(erf) = vpow2.f32 v17  }
0x2df: {  	v25 =	vld.idx.msk [tilespmem:v13+s21+$0xFFFFFE80], $0xffff;
	v17 =	vmul.f32 $2.500000000e+01, v21;
	(erf) = vrcp.f32 v19;
	v19 =	vsub.f32 v44, v27  }
0x2e0: {  	v21 =	vsub.f32 v45, v29;
	v27 =	vld.idx.msk [tilespmem:v13+s21+$0xFFFFFF00], $0xffff;
	(erf) = vpow2.f32 v18;
	v18 =	vpop (erf)  }
0x2e1: {  	v48 =	vld.idx.msk [tilespmem:v12+s21+$0xFFFFFF80], $0xffff;
	v18 =	vadd.f32 $1.000000000e+00, v18;
	v19 =	vmul.f32 $2.500000000e+01, v19  }
0x2e2: {  	v29 =	vld.idx.msk [tilespmem:v13+s21+$0xFFFFFF80], $0xffff;
	v49 =	vmul.f32 $1.442695020e+00, v17;
	v38 =	vmul.f32 $2.500000000e+01, v21  }
0x2e3: {  	v50 =	vld.idx.msk [tilespmem:v12+s21+$0xFFFFFC80], $0xffff;
	v17 =	vpop (erf);
	(erf) = vrcp.f32 v18;
	v19 =	vmul.f32 $1.442695020e+00, v19  }
0x2e4: {  	v25 =	vsub.f32 v25, v46;
	v51 =	vmul.f32 $1.442695020e+00, v38;
	v21 =	vpop (erf);
	(erf) = vpow2.f32 v49  }
0x2e5: {  	v27 =	vsub.f32 v27, v47;
	v18 =	vpop (erf);
	(erf) = vpow2.f32 v19  }
0x2e6: {  	v25 =	vmul.f32 $2.500000000e+01, v25;
	v52 =	vpop (erf);
	(erf) = vpow2.f32 v51  }
0x2e7: {  	[tilespmem:s20+$0xFFFFFFD0] =	vst v24;
	v29 =	vsub.f32 v29, v48;
	v27 =	vmul.f32 $2.500000000e+01, v27;
	v53 =	vpop (erf)  }
0x2e8: {  	v31 =	vsub.f32 v40, v50;
	v56 =	vld.idx.msk [tilespmem:v11+s24+$0xFFFFFE00], $0xffff;
	[tilespmem:s20+$0x10] =	vst v26;
	v25 =	vmul.f32 $1.442695020e+00, v25;
	v19 =	vpop (erf)  }
0x2e9: {  	v58 =	vld.idx.msk [tilespmem:v10+s24+$0xFFFFFE80], $0xffff;
	[tilespmem:s20+$0xFFFFFF10] =	vst v43;
	v29 =	vmul.f32 $2.500000000e+01, v29;
	v27 =	vmul.f32 $1.442695020e+00, v27;
	v55 =	vpop (erf)  }
0x2ea: {  	v31 =	vmul.f32 $2.500000000e+01, v31;
	v54 =	vld.idx.msk [tilespmem:v11+s24+$0xFFFFFC80], $0xffff;
	(erf) = vpow2.f32 v25;
	v35 =	vadd.f32 $1.000000000e+00, v55  }
0x2eb: {  	v24 =	vld.idx.msk [tilespmem:v10+s24+$0xFFFFFC80], $0xffff;
	[tilespmem:s20+$0x90] =	vst v28;
	v26 =	vmul.f32 $1.442695020e+00, v29;
	(erf) = vpow2.f32 v27  }
0x2ec: {  	[tilespmem:s20+$0x50] =	vst v41;
	v41 =	vld.idx.msk [tilespmem:v11+s24+$0xFFFFFF80], $0xffff;
	v29 =	vmul.f32 $1.442695020e+00, v31;
	(erf) = vrcp.f32 v35;
	v57 =	vpop (erf)  }
0x2ed: {  	[tilespmem:s19+$0x20] =	vst v23;
	v23 =	vld.idx.msk [tilespmem:v10+s24+$0xFFFFFF80], $0xffff;
	v59 =	vpop (erf);
	(erf) = vpow2.f32 v26  }
0x2ee: {  	v25 =	vld.idx.msk [tilespmem:v10+s24+$0xFFFFFE00], $0xffff;
	(erf) = vpow2.f32 v29;
	v61 =	vpop (erf)  }
0x2ef: {  	v27 =	vld.idx.msk [tilespmem:v11+s24+$0xFFFFFE80], $0xffff;
	[tilespmem:s20+$0xE0] =	vst v57;
	v60 =	vadd.f32 $1.000000000e+00, v59;
	v40 =	vpop (erf)  }
0x2f0: {  	v29 =	vld.idx.msk [tilespmem:v9+s24+$0x0], $0xffff;
	v28 =	vadd.f32 $1.000000000e+00, v40  }
0x2f1: {  	v24 =	vsub.f32 v24, v54;
	v62 =	vld.idx.msk [tilespmem:v8+s24+$0x0], $0xffff;
	v35 =	vadd.f32 $1.000000000e+00, v61;
	(erf) = vrcp.f32 v60  }
0x2f2: {  	v23 =	vsub.f32 v23, v41  }
0x2f3: {  	v63 =	vld.idx.msk [tilespmem:v10+s24+$0xFFFFFF00], $0xffff;
	v24 =	vmul.f32 $2.500000000e+01, v24;
	v25 =	vsub.f32 v25, v56;
	v42 =	vpop (erf);
	(erf) = vrcp.f32 v35  }
0x2f4: {  	v23 =	vmul.f32 $2.500000000e+01, v23;
	v26 =	vld.idx.msk [tilespmem:v11+s24+$0xFFFFFF00], $0xffff;
	(erf) = vrcp.f32 v28;
	v28 =	vpop (erf)  }
0x2f5: {  	v25 =	vmul.f32 $2.500000000e+01, v25;
	v27 =	vsub.f32 v58, v27;
	v32 =	vadd.f32 $1.000000000e+00, v42;
	v44 =	vpop (erf)  }
0x2f6: {  	v24 =	vmul.f32 $1.442695020e+00, v24;
	v29 =	vsub.f32 v62, v29;
	v28 =	vadd.f32 $1.000000000e+00, v28;
	v46 =	vpop (erf)  }
0x2f7: {  	s22 =	simm.s32 $0x14500;
	v43 =	vld.idx.msk [tilespmem:v9+s31+$0xFFFFFE80], $0xffff;
	v25 =	vmul.f32 $1.442695020e+00, v25;
	(erf) = vrcp.f32 v32;
	v32 =	vadd.f32 $1.000000000e+00, v46;
	v48 =	vpop (erf)  }
0x2f8: {  	v45 =	vld.idx.msk [tilespmem:v8+s31+$0xFFFFFE80], $0xffff;
	[tilespmem:s22+$0xC0] =	vst v44;
	(erf) = vrcp.f32 v28;
	v28 =	vmul.f32 $2.500000000e+01, v29;
	v29 =	vadd.f32 $1.000000000e+00, v48  }
0x2f9: {  	v27 =	vmul.f32 $2.500000000e+01, v27;
	v26 =	vsub.f32 v63, v26;
	v47 =	vld.idx.msk [tilespmem:v14+s21+$0x0], $0xffff;
	(erf) = vpow2.f32 v24  }
0x2fa: {  	v49 =	vld.idx.msk [tilespmem:v15+s21+$0x0], $0xffff;
	v24 =	vpop (erf);
	(erf) = vrcp.f32 v32;
	v28 =	vmul.f32 $1.442695020e+00, v28  }
0x2fb: {  	v26 =	vmul.f32 $2.500000000e+01, v26;
	[tilespmem:s22+$0xFFFFFF40] =	vst v24;
	(erf) = vrcp.f32 v29  }
0x2fc: {  	v27 =	vmul.f32 $1.442695020e+00, v27;
	v24 =	vld.idx.msk [tilespmem:v14+s21+$0xFFFFFD00], $0xffff;
	(erf) = vpow2.f32 v28;
	v29 =	vpop (erf)  }
0x2fd: {  	v26 =	vmul.f32 $1.442695020e+00, v26;
	v28 =	vsub.f32 v45, v43;
	v50 =	vld.idx.msk [tilespmem:v15+s21+$0xFFFFFD00], $0xffff;
	(erf) = vpow2.f32 v25;
	[tilespmem:s22+$0xFFFFFF80] =	vst v29  }
0x2fe: {  	v23 =	vmul.f32 $1.442695020e+00, v23;
	v51 =	vadd.f32 $1.000000000e+00, v52;
	v29 =	vpop (erf);
	(erf) = vpow2.f32 v27;
	v25 =	vld.idx.msk [tilespmem:v14+s21+$0xFFFFFD80], $0xffff  }
0x2ff: {  	v27 =	vsub.f32 v49, v47;
	v28 =	vmul.f32 $2.500000000e+01, v28;
	v52 =	vld.idx.msk [tilespmem:v15+s21+$0xFFFFFD80], $0xffff;
	[tilespmem:s22+$0xFFFFFFC0] =	vst v29;
	(erf) = vpow2.f32 v26  }
0x300: {  	v26 =	vadd.f32 $1.000000000e+00, v53;
	v53 =	vpop (erf);
	v29 =	vld.idx.msk [tilespmem:v14+s21+$0xFFFFFE00], $0xffff;
	(erf) = vpow2.f32 v23  }
0x301: {  	v23 =	vmul.f32 $2.500000000e+01, v27;
	v27 =	vmul.f32 $1.442695020e+00, v28;
	v28 =	vld.idx.msk [tilespmem:v15+s21+$0xFFFFFE00], $0xffff;
	[tilespmem:s22+$0x0] =	vst v53  }
0x302: {  	(erf) = vrcp.f32 v51;
	v55 =	vld.idx.msk [tilespmem:v14+s21+$0xFFFFFE80], $0xffff  }
0x303: {  	v54 =	vpop (erf);
	v24 =	vsub.f32 v50, v24;
	(erf) = vrcp.f32 v26;
	v26 =	vld.idx.msk [tilespmem:v15+s21+$0xFFFFFE80], $0xffff  }
0x304: {  	v56 =	vpop (erf);
	v23 =	vmul.f32 $1.442695020e+00, v23;
	[tilespmem:s22+$0x40] =	vst v54  }
0x305: {  	v57 =	vpop (erf);
	(erf) = vpow2.f32 v27;
	v27 =	vld.idx.msk [tilespmem:v14+s21+$0xFFFFFF00], $0xffff;
	v24 =	vmul.f32 $2.500000000e+01, v24  }
0x306: {  	v59 =	vld.idx.msk [tilespmem:v15+s21+$0xFFFFFF00], $0xffff;
	v58 =	vpop (erf);
	v25 =	vsub.f32 v52, v25;
	(erf) = vpow2.f32 v23;
	[tilespmem:s22+$0x80] =	vst v57  }
0x307: {  	v23 =	vadd.f32 $1.000000000e+00, v56;
	v60 =	vpop (erf);
	v24 =	vmul.f32 $1.442695020e+00, v24;
	v28 =	vsub.f32 v28, v29;
	v30 =	vld.idx.msk [tilespmem:v14+s21+$0xFFFFFF80], $0xffff  }
0x308: {  	[tilespmem:s22+$0xFFFFFF00] =	vst v58;
	v40 =	vld.idx.msk [tilespmem:v15+s21+$0xFFFFFF80], $0xffff;
	v33 =	vadd.f32 $1.000000000e+00, v60;
	v62 =	vpop (erf);
	v25 =	vmul.f32 $2.500000000e+01, v25;
	v26 =	vsub.f32 v26, v55  }
0x309: {  	v61 =	vld.idx.msk [tilespmem:v14+s21+$0xFFFFFC80], $0xffff;
	(erf) = vrcp.f32 v23;
	v29 =	vpop (erf);
	v28 =	vmul.f32 $2.500000000e+01, v28  }
0x30a: {  	v23 =	vld.idx.msk [tilespmem:v15+s21+$0xFFFFFC80], $0xffff;
	v63 =	vpop (erf);
	(erf) = vrcp.f32 v33;
	v26 =	vmul.f32 $2.500000000e+01, v26  }
0x30b: {  	v25 =	vmul.f32 $1.442695020e+00, v25;
	v27 =	vsub.f32 v59, v27;
	v41 =	vpop (erf);
	(erf) = vpow2.f32 v24  }
0x30c: {  	v24 =	vpop (erf)  }
0x30d: {  	v28 =	vmul.f32 $1.442695020e+00, v28;
	(erf) = vpow2.f32 v25;
	v42 =	vpop (erf)  }
0x30e: {  	[tilespmem:s19+$0x60] =	vst v20;
	v20 =	vmul.f32 $2.500000000e+01, v27;
	v25 =	vmul.f32 $1.442695020e+00, v26;
	v26 =	vpop (erf)  }
0x30f: {  	v30 =	vsub.f32 v40, v30;
	v23 =	vsub.f32 v23, v61;
	v27 =	vpop (erf)  }
0x310: {  	[tilespmem:s20+$0xFFFFFF60] =	vst v24;
	v24 =	vmul.f32 $1.442695020e+00, v20;
	(erf) = vpow2.f32 v28;
	v27 =	vadd.f32 $1.000000000e+00, v27  }
0x311: {  	v23 =	vmul.f32 $2.500000000e+01, v23;
	(erf) = vpow2.f32 v25  }
0x312: {  	v43 =	vld.idx.msk [tilespmem:v8+s31+$0xFFFFFF00], $0xffff;
	v30 =	vmul.f32 $2.500000000e+01, v30;
	v25 =	vadd.f32 $1.000000000e+00, v62;
	v45 =	vpop (erf);
	(erf) = vrcp.f32 v27  }
0x313: {  	v44 =	vld.idx.msk [tilespmem:v9+s24+$0xFFFFFD00], $0xffff;
	v23 =	vmul.f32 $1.442695020e+00, v23;
	v20 =	vpop (erf);
	(erf) = vpow2.f32 v24  }
0x314: {  	v27 =	vld.idx.msk [tilespmem:v8+s24+$0xFFFFFD00], $0xffff;
	v24 =	vmul.f32 $1.442695020e+00, v30;
	v46 =	vpop (erf);
	(erf) = vrcp.f32 v25  }
0x315: {  	v28 =	vld.idx.msk [tilespmem:v9+s31+$0xFFFFFF00], $0xffff;
	[tilespmem:s20+$0xFFFFFF20] =	vst v45;
	v30 =	vadd.f32 $1.000000000e+00, v46;
	(erf) = vpow2.f32 v23  }
0x316: {  	[tilespmem:s19+$0xA0] =	vst v22;
	v22 =	vadd.f32 $1.000000000e+00, v29;
	v25 =	vld.idx.msk [tilespmem:v9+s24+$0xFFFFFC80], $0xffff;
	(erf) = vpow2.f32 v24  }
0x317: {  	[tilespmem:s20+$0xFFFFFFA0] =	vst v42;
	v23 =	vld.idx.msk [tilespmem:v8+s24+$0xFFFFFC80], $0xffff;
	(erf) = vrcp.f32 v30  }
0x318: {  	v47 =	vld.idx.msk [tilespmem:v9+s24+$0xFFFFFD80], $0xffff;
	v29 =	vpop (erf);
	(erf) = vrcp.f32 v22;
	v22 =	vadd.f32 $1.000000000e+00, v63  }
0x319: {  	v31 =	vld.idx.msk [tilespmem:v8+s24+$0xFFFFFD80], $0xffff;
	v29 =	vadd.f32 $1.000000000e+00, v29;
	v27 =	vsub.f32 v27, v44  }
0x31a: {  	v33 =	vadd.f32 $1.000000000e+00, v41;
	v24 =	vld.idx.msk [tilespmem:v9+s31+$0xFFFFFF80], $0xffff;
	v48 =	vpop (erf)  }
0x31b: {  	v32 =	vadd.f32 $1.000000000e+00, v48;
	v49 =	vpop (erf);
	(erf) = vrcp.f32 v29;
	v29 =	vld.idx.msk [tilespmem:v8+s31+$0xFFFFFF80], $0xffff;
	v27 =	vmul.f32 $2.500000000e+01, v27  }
0x31c: {  	v28 =	vsub.f32 v43, v28;
	v23 =	vsub.f32 v23, v25;
	(erf) = vrcp.f32 v22;
	v22 =	vpop (erf)  }
0x31d: {  	v25 =	vmul.f32 $1.442695020e+00, v27;
	v27 =	vadd.f32 $1.000000000e+00, v49;
	(erf) = vrcp.f32 v32;
	[tilespmem:s22+$0xD0] =	vst v22  }
0x31e: {  	v23 =	vmul.f32 $2.500000000e+01, v23;
	v22 =	vpop (erf);
	(erf) = vrcp.f32 v33;
	v50 =	vld.idx.msk [tilespmem:v11+s21+$0x0], $0xffff  }
0x31f: {  	v28 =	vmul.f32 $2.500000000e+01, v28;
	v30 =	vsub.f32 v31, v47;
	v51 =	vpop (erf);
	(erf) = vrcp.f32 v27;
	v27 =	vld.idx.msk [tilespmem:v10+s21+$0x0], $0xffff  }
0x320: {  	v22 =	vadd.f32 $1.000000000e+00, v22;
	v24 =	vsub.f32 v29, v24;
	v23 =	vmul.f32 $1.442695020e+00, v23  }
0x321: {  	s23 =	simm.s32 $0x8F80;
	v29 =	vmul.f32 $2.500000000e+01, v30;
	v52 =	vpop (erf);
	(erf) = vpow2.f32 v25  }
0x322: {  	v58 =	vld.idx.msk [tilespmem:v12+s23+$0x0], $0xffff;
	[tilespmem:s20+$0xFFFFFFE0] =	vst v51;
	v25 =	vpop (erf);
	v53 =	vadd.f32 $1.000000000e+00, v52;
	(erf) = vrcp.f32 v22;
	v24 =	vmul.f32 $2.500000000e+01, v24  }
0x323: {  	v28 =	vmul.f32 $1.442695020e+00, v28;
	v22 =	vld.idx.msk [tilespmem:v9+s24+$0xFFFFFE00], $0xffff;
	v54 =	vpop (erf);
	v25 =	vadd.f32 $1.000000000e+00, v25;
	(erf) = vpow2.f32 v23  }
0x324: {  	v33 =	vld.idx.msk [tilespmem:v8+s24+$0xFFFFFE00], $0xffff;
	v23 =	vmul.f32 $1.442695020e+00, v29;
	[tilespmem:s22+$0xFFFFFF50] =	vst v54;
	v31 =	vpop (erf);
	(erf) = vrcp.f32 v53;
	v27 =	vsub.f32 v27, v50  }
0x325: {  	v56 =	vmul.f32 $1.442695020e+00, v24;
	v29 =	vld.idx.msk [tilespmem:v11+s21+$0xFFFFFD00], $0xffff;
	v55 =	vpop (erf);
	(erf) = vrcp.f32 v25  }
0x326: {  	v25 =	vld.idx.msk [tilespmem:v10+s21+$0xFFFFFD00], $0xffff;
	[tilespmem:s22+$0xFFFFFF90] =	vst v55;
	(erf) = vpow2.f32 v23;
	v24 =	vpop (erf);
	v27 =	vmul.f32 $2.500000000e+01, v27  }
0x327: {  	v21 =	vadd.f32 $1.000000000e+00, v21;
	v57 =	vld.idx.msk [tilespmem:v11+s21+$0xFFFFFD80], $0xffff;
	v34 =	vpop (erf);
	(erf) = vpow2.f32 v28  }
0x328: {  	v28 =	vld.idx.msk [tilespmem:v10+s21+$0xFFFFFD80], $0xffff;
	v23 =	vpop (erf);
	(erf) = vpow2.f32 v56;
	v27 =	vmul.f32 $1.442695020e+00, v27  }
0x329: {  	v26 =	vadd.f32 $1.000000000e+00, v26;
	v22 =	vsub.f32 v33, v22;
	v33 =	vpop (erf);
	(erf) = vrcp.f32 v21;
	v21 =	vld.idx.msk [tilespmem:v13+s23+$0x0], $0xffff  }
0x32a: {  	v40 =	vld.idx.msk [tilespmem:v13+s23+$0xFFFFFD80], $0xffff;
	v59 =	vpop (erf)  }
0x32b: {  	v61 =	vld.idx.msk [tilespmem:v12+s23+$0xFFFFFD00], $0xffff;
	v22 =	vmul.f32 $2.500000000e+01, v22;
	(erf) = vrcp.f32 v26;
	v37 =	vpop (erf)  }
0x32c: {  	v43 =	vld.idx.msk [tilespmem:v12+s23+$0xFFFFFE80], $0xffff;
	v25 =	vsub.f32 v25, v29;
	v26 =	vadd.f32 $1.000000000e+00, v59;
	(erf) = vpow2.f32 v27;
	v27 =	vpop (erf)  }
0x32d: {  	v29 =	vld.idx.msk [tilespmem:v13+s23+$0xFFFFFD00], $0xffff;
	v22 =	vmul.f32 $1.442695020e+00, v22;
	v28 =	vsub.f32 v28, v57;
	v27 =	vadd.f32 $1.000000000e+00, v27  }
0x32e: {  	v63 =	vld.idx.msk [tilespmem:v12+s23+$0xFFFFFD80], $0xffff;
	v25 =	vmul.f32 $2.500000000e+01, v25;
	(erf) = vrcp.f32 v26;
	v62 =	vpop (erf);
	v21 =	vsub.f32 v21, v58  }
0x32f: {  	v48 =	vld.idx.msk [tilespmem:v13+s23+$0xFFFFFE00], $0xffff;
	(erf) = vpow2.f32 v22;
	v22 =	vmul.f32 $2.500000000e+01, v28;
	v39 =	vpop (erf)  }
0x330: {  	v28 =	vld.idx.msk [tilespmem:v12+s23+$0xFFFFFE00], $0xffff;
	v25 =	vmul.f32 $1.442695020e+00, v25;
	v26 =	vpop (erf);
	(erf) = vrcp.f32 v27  }
0x331: {  	v44 =	vld.idx.msk [tilespmem:v12+s23+$0xFFFFFF00], $0xffff;
	v41 =	vmul.f32 $2.500000000e+01, v21;
	v22 =	vmul.f32 $1.442695020e+00, v22;
	v27 =	vpop (erf)  }
0x332: {  	v49 =	vld.idx.msk [tilespmem:v13+s23+$0xFFFFFE80], $0xffff;
	v29 =	vsub.f32 v29, v61;
	v42 =	vadd.f32 $1.000000000e+00, v26;
	(erf) = vpow2.f32 v25;
	v21 =	vpop (erf)  }
0x333: {  	v50 =	vld.idx.msk [tilespmem:v13+s23+$0xFFFFFF00], $0xffff;
	v41 =	vmul.f32 $1.442695020e+00, v41;
	(erf) = vpow2.f32 v22;
	v22 =	vsub.f32 v40, v63;
	v26 =	vpop (erf)  }
0x334: {  	v52 =	vld.idx.msk [tilespmem:v12+s23+$0xFFFFFF80], $0xffff;
	v29 =	vmul.f32 $2.500000000e+01, v29;
	v27 =	vadd.f32 $1.000000000e+00, v27;
	(erf) = vrcp.f32 v42;
	v25 =	vpop (erf)  }
0x335: {  	v54 =	vld.idx.msk [tilespmem:v13+s23+$0xFFFFFF80], $0xffff;
	(erf) = vpow2.f32 v41;
	v53 =	vmul.f32 $2.500000000e+01, v22;
	v22 =	vsub.f32 v48, v28;
	v51 =	vpop (erf)  }
0x336: {  	v60 =	vld.idx.msk [tilespmem:v13+s23+$0xFFFFFC80], $0xffff;
	v29 =	vmul.f32 $1.442695020e+00, v29;
	(erf) = vrcp.f32 v27;
	v28 =	vadd.f32 $1.000000000e+00, v51  }
0x337: {  	v55 =	vld.idx.msk [tilespmem:v12+s23+$0xFFFFFC80], $0xffff;
	v45 =	vmul.f32 $2.500000000e+01, v22;
	v42 =	vmul.f32 $1.442695020e+00, v53  }
0x338: {  	v38 =	vsub.f32 v50, v44;
	v27 =	vpop (erf);
	(erf) = vrcp.f32 v28  }
0x339: {  	v35 =	vsub.f32 v49, v43;
	v22 =	vpop (erf);
	(erf) = vpow2.f32 v29;
	v29 =	vmul.f32 $1.442695020e+00, v45  }
0x33a: {  	v30 =	vsub.f32 v54, v52;
	v28 =	vpop (erf)  }
0x33b: {  	v35 =	vmul.f32 $2.500000000e+01, v35;
	[tilespmem:s22+$0xFFFFFFD0] =	vst v34;
	(erf) = vpow2.f32 v42;
	v42 =	vpop (erf)  }
0x33c: {  	[tilespmem:s22+$0x10] =	vst v33;
	v36 =	vsub.f32 v60, v55;
	v30 =	vmul.f32 $2.500000000e+01, v30;
	v60 =	vld.idx.msk [tilespmem:v11+s21+$0xFFFFFE00], $0xffff;
	v56 =	vmul.f32 $2.500000000e+01, v38;
	v38 =	vpop (erf)  }
0x33d: {  	v35 =	vmul.f32 $1.442695020e+00, v35;
	v49 =	vld.idx.msk [tilespmem:v10+s21+$0xFFFFFE80], $0xffff;
	[tilespmem:s22+$0x50] =	vst v37;
	(erf) = vpow2.f32 v29;
	v29 =	vpop (erf)  }
0x33e: {  	v32 =	vmul.f32 $1.442695020e+00, v56;
	v56 =	vld.idx.msk [tilespmem:v10+s21+$0xFFFFFF00], $0xffff;
	v59 =	vpop (erf)  }
0x33f: {  	v36 =	vmul.f32 $2.500000000e+01, v36;
	[tilespmem:s22+$0xFFFFFF10] =	vst v62;
	v61 =	vld.idx.msk [tilespmem:v10+s21+$0xFFFFFE00], $0xffff;
	(erf) = vpow2.f32 v35;
	v40 =	vadd.f32 $1.000000000e+00, v59  }
0x340: {  	v62 =	vmul.f32 $1.442695020e+00, v30;
	v57 =	vld.idx.msk [tilespmem:v11+s21+$0xFFFFFC80], $0xffff;
	(erf) = vpow2.f32 v32;
	v30 =	vpop (erf)  }
0x341: {  	v36 =	vmul.f32 $1.442695020e+00, v36;
	v58 =	vld.idx.msk [tilespmem:v10+s21+$0xFFFFFC80], $0xffff;
	(erf) = vrcp.f32 v40;
	v48 =	vpop (erf)  }
0x342: {  	v63 =	vld.idx.msk [tilespmem:v11+s21+$0xFFFFFE80], $0xffff;
	v50 =	vpop (erf);
	(erf) = vpow2.f32 v62  }
0x343: {  	v51 =	vld.idx.msk [tilespmem:v11+s21+$0xFFFFFF00], $0xffff;
	[tilespmem:s22+$0xE0] =	vst v48;
	v52 =	vadd.f32 $1.000000000e+00, v50;
	(erf) = vpow2.f32 v36  }
0x344: {  	v33 =	vsub.f32 v61, v60;
	v53 =	vld.idx.msk [tilespmem:v9+s21+$0x0], $0xffff;
	v54 =	vpop (erf)  }
0x345: {  	v55 =	vld.idx.msk [tilespmem:v8+s21+$0x0], $0xffff;
	v44 =	vadd.f32 $1.000000000e+00, v54;
	(erf) = vrcp.f32 v52  }
0x346: {  	v34 =	vsub.f32 v58, v57;
	v33 =	vmul.f32 $2.500000000e+01, v33;
	v57 =	vpop (erf)  }
0x347: {  	[tilespmem:s22+$0x90] =	vst v39;
	v58 =	vadd.f32 $1.000000000e+00, v57;
	(erf) = vrcp.f32 v44  }
0x348: {  	v61 =	vld.idx.msk [tilespmem:v10+s21+$0xFFFFFF80], $0xffff;
	v34 =	vmul.f32 $2.500000000e+01, v34;
	v33 =	vmul.f32 $1.442695020e+00, v33;
	v35 =	vsub.f32 v56, v51;
	v60 =	vpop (erf)  }
0x349: {  	[tilespmem:s20+$0x20] =	vst v31;
	v32 =	vsub.f32 v49, v63;
	v59 =	vld.idx.msk [tilespmem:v11+s21+$0xFFFFFF80], $0xffff;
	v37 =	vadd.f32 $1.000000000e+00, v60;
	v62 =	vpop (erf);
	(erf) = vrcp.f32 v58  }
0x34a: {  	s25 =	simm.s32 $0x14700;
	v34 =	vmul.f32 $1.442695020e+00, v34;
	v63 =	vld.idx.msk [tilespmem:v9+s24+$0xFFFFFE80], $0xffff;
	v39 =	vadd.f32 $1.000000000e+00, v62;
	v36 =	vsub.f32 v55, v53;
	v47 =	vpop (erf)  }
0x34b: {  	v35 =	vmul.f32 $2.500000000e+01, v35;
	v48 =	vld.idx.msk [tilespmem:v8+s24+$0xFFFFFE80], $0xffff;
	(erf) = vrcp.f32 v37;
	[tilespmem:s25+$0xC0] =	vst v47;
	v49 =	vpop (erf)  }
0x34c: {  	(erf) = vrcp.f32 v39;
	v36 =	vmul.f32 $2.500000000e+01, v36;
	v37 =	vadd.f32 $1.000000000e+00, v49;
	v41 =	vld.idx.msk [tilespmem:v14+s23+$0x0], $0xffff;
	v50 =	vpop (erf)  }
0x34d: {  	v32 =	vmul.f32 $2.500000000e+01, v32;
	(erf) = vpow2.f32 v34;
	v51 =	vld.idx.msk [tilespmem:v15+s23+$0x0], $0xffff;
	v39 =	vadd.f32 $1.000000000e+00, v50  }
0x34e: {  	v31 =	vsub.f32 v61, v59;
	v36 =	vmul.f32 $1.442695020e+00, v36;
	v52 =	vpop (erf);
	(erf) = vrcp.f32 v37  }
0x34f: {  	v32 =	vmul.f32 $1.442695020e+00, v32;
	[tilespmem:s25+$0xFFFFFF40] =	vst v52;
	(erf) = vrcp.f32 v39  }
0x350: {  	v31 =	vmul.f32 $2.500000000e+01, v31;
	v54 =	vpop (erf);
	v53 =	vld.idx.msk [tilespmem:v14+s23+$0xFFFFFD00], $0xffff;
	(erf) = vpow2.f32 v36  }
0x351: {  	v35 =	vmul.f32 $1.442695020e+00, v35;
	v55 =	vsub.f32 v48, v63;
	v56 =	vld.idx.msk [tilespmem:v15+s23+$0xFFFFFD00], $0xffff;
	[tilespmem:s25+$0xFFFFFF80] =	vst v54;
	(erf) = vpow2.f32 v33  }
0x352: {  	v31 =	vmul.f32 $1.442695020e+00, v31;
	v57 =	vld.idx.msk [tilespmem:v14+s23+$0xFFFFFD80], $0xffff;
	v58 =	vpop (erf);
	v59 =	vsub.f32 v51, v41;
	(erf) = vpow2.f32 v32  }
0x353: {  	v60 =	vadd.f32 $1.000000000e+00, v42;
	v36 =	vmul.f32 $2.500000000e+01, v55;
	v61 =	vld.idx.msk [tilespmem:v15+s23+$0xFFFFFD80], $0xffff;
	[tilespmem:s25+$0xFFFFFFC0] =	vst v58;
	(erf) = vpow2.f32 v35  }
0x354: {  	v62 =	vadd.f32 $1.000000000e+00, v38;
	v45 =	vpop (erf);
	v63 =	vld.idx.msk [tilespmem:v14+s23+$0xFFFFFE00], $0xffff;
	v46 =	vmul.f32 $2.500000000e+01, v59;
	(erf) = vpow2.f32 v31  }
0x355: {  	v47 =	vmul.f32 $1.442695020e+00, v36;
	v48 =	vld.idx.msk [tilespmem:v15+s23+$0xFFFFFE00], $0xffff;
	[tilespmem:s25+$0x0] =	vst v45;
	v49 =	vpop (erf);
	(erf) = vrcp.f32 v60  }
0x356: {  	v50 =	vld.idx.msk [tilespmem:v14+s23+$0xFFFFFE80], $0xffff;
	v51 =	vpop (erf);
	v31 =	vmul.f32 $1.442695020e+00, v46;
	(erf) = vrcp.f32 v62  }
0x357: {  	[tilespmem:s25+$0x40] =	vst v49;
	v52 =	vsub.f32 v56, v53;
	v53 =	vld.idx.msk [tilespmem:v15+s23+$0xFFFFFE80], $0xffff;
	v54 =	vpop (erf);
	(erf) = vpow2.f32 v47  }
0x358: {  	v55 =	vld.idx.msk [tilespmem:v14+s23+$0xFFFFFF00], $0xffff;
	v33 =	vsub.f32 v61, v57;
	v56 =	vpop (erf);
	(erf) = vpow2.f32 v31  }
0x359: {  	v58 =	vld.idx.msk [tilespmem:v15+s23+$0xFFFFFF00], $0xffff;
	v57 =	vadd.f32 $1.000000000e+00, v51;
	[tilespmem:s25+$0x80] =	vst v54;
	v59 =	vpop (erf)  }
0x35a: {  	v35 =	vmul.f32 $2.500000000e+01, v52;
	v33 =	vmul.f32 $2.500000000e+01, v33;
	[tilespmem:s25+$0xFFFFFF00] =	vst v56;
	v39 =	vld.idx.msk [tilespmem:v14+s23+$0xFFFFFF80], $0xffff;
	v61 =	vpop (erf)  }
0x35b: {  	v36 =	vsub.f32 v48, v63;
	(erf) = vrcp.f32 v57;
	v60 =	vld.idx.msk [tilespmem:v14+s23+$0xFFFFFC80], $0xffff;
	v41 =	vadd.f32 $1.000000000e+00, v59;
	v63 =	vpop (erf)  }
0x35c: {  	v35 =	vmul.f32 $1.442695020e+00, v35;
	v62 =	vld.idx.msk [tilespmem:v15+s23+$0xFFFFFC80], $0xffff;
	v33 =	vmul.f32 $1.442695020e+00, v33;
	v34 =	vsub.f32 v53, v50;
	v48 =	vpop (erf)  }
0x35d: {  	v49 =	vld.idx.msk [tilespmem:v15+s23+$0xFFFFFF80], $0xffff;
	v36 =	vmul.f32 $2.500000000e+01, v36;
	(erf) = vrcp.f32 v41;
	v50 =	vpop (erf)  }
0x35e: {  	v34 =	vmul.f32 $2.500000000e+01, v34;
	(erf) = vpow2.f32 v35;
	v51 =	vpop (erf)  }
0x35f: {  	v32 =	vsub.f32 v58, v55;
	v36 =	vmul.f32 $1.442695020e+00, v36;
	v52 =	vpop (erf)  }
0x360: {  	[tilespmem:s20+$0x60] =	vst v24;
	(erf) = vpow2.f32 v33;
	v24 =	vmul.f32 $1.442695020e+00, v34;
	v53 =	vpop (erf)  }
0x361: {  	[tilespmem:s19+$0xF0] =	vst v16;
	v54 =	vld.idx.msk [tilespmem:v9+s24+$0xFFFFFF00], $0xffff;
	v32 =	vmul.f32 $2.500000000e+01, v32;
	v16 =	vsub.f32 v62, v60;
	(erf) = vpow2.f32 v36;
	v55 =	vpop (erf)  }
0x362: {  	[tilespmem:s19+$0xFFFFFF30] =	vst v18;
	v56 =	vsub.f32 v49, v39;
	(erf) = vpow2.f32 v24;
	v24 =	vld.idx.msk [tilespmem:v8+s24+$0xFFFFFF00], $0xffff;
	v36 =	vadd.f32 $1.000000000e+00, v55  }
0x363: {  	v18 =	vadd.f32 $1.000000000e+00, v61;
	v32 =	vmul.f32 $1.442695020e+00, v32;
	[tilespmem:s22+$0xFFFFFF60] =	vst v51;
	v16 =	vmul.f32 $2.500000000e+01, v16  }
0x364: {  	[tilespmem:s19+$0xFFFFFF70] =	vst v17;
	v17 =	vld.idx.msk [tilespmem:v9+s21+$0xFFFFFD00], $0xffff;
	v35 =	vmul.f32 $2.500000000e+01, v56;
	v58 =	vpop (erf);
	(erf) = vrcp.f32 v36  }
0x365: {  	v57 =	vld.idx.msk [tilespmem:v8+s21+$0xFFFFFD00], $0xffff;
	[tilespmem:s22+$0xFFFFFF20] =	vst v58;
	v16 =	vmul.f32 $1.442695020e+00, v16;
	(erf) = vpow2.f32 v32  }
0x366: {  	[tilespmem:s19+$0xFFFFFFB0] =	vst v19;
	v19 =	vld.idx.msk [tilespmem:v9+s21+$0xFFFFFC80], $0xffff;
	v59 =	vpop (erf);
	(erf) = vrcp.f32 v18  }
0x367: {  	[tilespmem:s20+$0xA0] =	vst v23;
	v35 =	vmul.f32 $1.442695020e+00, v35;
	v18 =	vpop (erf);
	v23 =	vsub.f32 v24, v54;
	(erf) = vpow2.f32 v16;
	v16 =	vld.idx.msk [tilespmem:v8+s21+$0xFFFFFC80], $0xffff  }
0x368: {  	[tilespmem:s19+$0xFFFFFFF0] =	vst v26;
	v60 =	vadd.f32 $1.000000000e+00, v63;
	v18 =	vadd.f32 $1.000000000e+00, v18  }
0x369: {  	[tilespmem:s22+$0xFFFFFFA0] =	vst v52;
	v61 =	vpop (erf);
	(erf) = vpow2.f32 v35;
	v26 =	vmul.f32 $2.500000000e+01, v23;
	v23 =	vadd.f32 $1.000000000e+00, v48  }
0x36a: {  	[tilespmem:s20+$0xF0] =	vst v20;
	v62 =	vld.idx.msk [tilespmem:v8+s21+$0xFFFFFD80], $0xffff;
	v20 =	vadd.f32 $1.000000000e+00, v61;
	(erf) = vrcp.f32 v18  }
0x36b: {  	v17 =	vsub.f32 v57, v17;
	v18 =	vld.idx.msk [tilespmem:v9+s21+$0xFFFFFD80], $0xffff;
	v63 =	vpop (erf);
	(erf) = vrcp.f32 v60  }
0x36c: {  	[tilespmem:s19+$0x30] =	vst v25;
	v25 =	vld.idx.msk [tilespmem:v8+s24+$0xFFFFFF80], $0xffff;
	v31 =	vadd.f32 $1.000000000e+00, v63;
	(erf) = vrcp.f32 v20;
	v16 =	vsub.f32 v16, v19;
	v19 =	vpop (erf)  }
0x36d: {  	v24 =	vld.idx.msk [tilespmem:v9+s24+$0xFFFFFF80], $0xffff;
	v20 =	vadd.f32 $1.000000000e+00, v50;
	(erf) = vrcp.f32 v23;
	v19 =	vadd.f32 $1.000000000e+00, v19;
	v23 =	vpop (erf)  }
0x36e: {  	[tilespmem:s20+$0xFFFFFF70] =	vst v27;
	v17 =	vmul.f32 $2.500000000e+01, v17;
	(erf) = vrcp.f32 v31;
	v27 =	vpop (erf)  }
0x36f: {  	(erf) = vrcp.f32 v20;
	v20 =	vadd.f32 $1.000000000e+00, v27  }
0x370: {  	[tilespmem:s20+$0xFFFFFF30] =	vst v28;
	v17 =	vmul.f32 $1.442695020e+00, v17;
	v18 =	vsub.f32 v62, v18  }
0x371: {  	[tilespmem:s20+$0xFFFFFFB0] =	vst v29;
	v16 =	vmul.f32 $2.500000000e+01, v16;
	(erf) = vrcp.f32 v19;
	v19 =	vpop (erf)  }
0x372: {  	[tilespmem:s25+$0xD0] =	vst v23;
	v23 =	vsub.f32 v25, v24;
	(erf) = vpow2.f32 v17;
	v17 =	vmul.f32 $2.500000000e+01, v18;
	v24 =	vpop (erf)  }
0x373: {  	[tilespmem:s19+$0x70] =	vst v30;
	v27 =	vld.idx.msk [tilespmem:v11+s23+$0x0], $0xffff;
	v16 =	vmul.f32 $1.442695020e+00, v16;
	(erf) = vrcp.f32 v20;
	v20 =	vpop (erf)  }
0x374: {  	v18 =	vld.idx.msk [tilespmem:v10+s23+$0x0], $0xffff;
	[tilespmem:s22+$0xFFFFFFE0] =	vst v19;
	v19 =	vadd.f32 $1.000000000e+00, v24;
	v20 =	vadd.f32 $1.000000000e+00, v20  }
0x375: {  	[tilespmem:s22+$0xF0] =	vst v59;
	v28 =	vmul.f32 $2.500000000e+01, v23;
	(erf) = vpow2.f32 v16;
	v23 =	vld.idx.msk [tilespmem:v9+s21+$0xFFFFFE00], $0xffff;
	v24 =	vpop (erf)  }
0x376: {  	v16 =	vmul.f32 $1.442695020e+00, v17;
	v25 =	vld.idx.msk [tilespmem:v8+s21+$0xFFFFFE00], $0xffff;
	[tilespmem:s25+$0xFFFFFF50] =	vst v24;
	(erf) = vrcp.f32 v19;
	v17 =	vpop (erf)  }
0x377: {  	v19 =	vmul.f32 $1.442695020e+00, v26;
	v24 =	vld.idx.msk [tilespmem:v11+s23+$0xFFFFFD00], $0xffff;
	v29 =	vpop (erf);
	(erf) = vrcp.f32 v20;
	[tilespmem:s22+$0x20] =	vst v17  }
0x378: {  	v28 =	vmul.f32 $1.442695020e+00, v28;
	v26 =	vld.idx.msk [tilespmem:v10+s23+$0xFFFFFD00], $0xffff;
	[tilespmem:s25+$0xFFFFFF90] =	vst v29;
	(erf) = vpow2.f32 v16;
	v20 =	vpop (erf)  }
0x379: {  	v27 =	vsub.f32 v18, v27;
	v17 =	vadd.f32 $1.000000000e+00, v22;
	v22 =	vld.idx.msk [tilespmem:v11+s23+$0xFFFFFD80], $0xffff;
	(erf) = vpow2.f32 v19;
	v29 =	vpop (erf);
	[tilespmem:s22+$0x60] =	vst v20  }
0x37a: {  	s26 =	simm.s32 $0x9380;
	s24 =	simm.s32 $0x18;
	v16 =	vadd.f32 $1.000000000e+00, v21;
	v21 =	vadd.f32 $1.000000000e+00, v53;
	v19 =	vld.idx.msk [tilespmem:v10+s23+$0xFFFFFD80], $0xffff;
	[tilespmem:s25+$0xFFFFFFD0] =	vst v29;
	v20 =	vpop (erf);
	(erf) = vpow2.f32 v28  }
.LBB2_4:
0x37b: {  	v18 =	vld.idx.msk [tilespmem:v12+s26+$0x0], $0xffff;
	v29 =	vmul.f32 $2.500000000e+01, v27;
	v28 =	vpop (erf);
	v23 =	vsub.f32 v25, v23;
	[tilespmem:s22+$0xA0] =	vst v20;
	(erf) = vrcp.f32 v17  }
0x37c: {  	v17 =	vld.idx.msk [tilespmem:v13+s26+$0x0], $0xffff;
	[tilespmem:s25+$0x10] =	vst v28;
	v20 =	vpop (erf);
	(erf) = vrcp.f32 v21  }
0x37d: {  	v21 =	vld.idx.msk [tilespmem:v13+s26+$0xFFFFFC80], $0xffff;
	v25 =	vmul.f32 $1.442695020e+00, v29;
	v27 =	vpop (erf);
	v20 =	vadd.f32 $1.000000000e+00, v20;
	v23 =	vmul.f32 $2.500000000e+01, v23  }
0x37e: {  	v24 =	vsub.f32 v26, v24;
	v28 =	vld.idx.msk [tilespmem:v12+s26+$0xFFFFFD00], $0xffff;
	[tilespmem:s25+$0x50] =	vst v27;
	v26 =	vpop (erf);
	(erf) = vrcp.f32 v16  }
0x37f: {  	s24 =	sadd.s32 $0x8, s24;
	v27 =	vld.idx.msk [tilespmem:v13+s26+$0xFFFFFD00], $0xffff;
	v16 =	vpop (erf);
	(erf) = vpow2.f32 v25;
	v25 =	vadd.f32 $1.000000000e+00, v26;
	v23 =	vmul.f32 $1.442695020e+00, v23  }
0x380: {  	p0 =	slt.u32 s24, $0xF8;
	v26 =	vld.idx.msk [tilespmem:v12+s26+$0xFFFFFD80], $0xffff;
	[tilespmem:s25+$0xFFFFFF10] =	vst v16;
	v16 =	vmul.f32 $2.500000000e+01, v24;
	v24 =	vsub.f32 v19, v22;
	v22 =	vpop (erf);
	(erf) = vrcp.f32 v20  }
0x381: {  	v20 =	vld.idx.msk [tilespmem:v13+s26+$0xFFFFFD80], $0xffff;
	[tilespmem:s25+$0x90] =	vst v22;
	v22 =	vpop (erf);
	(erf) = vpow2.f32 v23  }
0x382: {  	v17 =	vsub.f32 v17, v18;
	v23 =	vld.idx.msk [tilespmem:v12+s26+$0xFFFFFE00], $0xffff;
	v31 =	vmul.f32 $1.442695020e+00, v16;
	v16 =	vmul.f32 $2.500000000e+01, v24;
	v19 =	vpop (erf)  }
0x383: {  	v22 =	vadd.f32 $1.000000000e+00, v22;
	v24 =	vld.idx.msk [tilespmem:v13+s26+$0xFFFFFE00], $0xffff;
	(erf) = vrcp.f32 v25;
	v19 =	vadd.f32 $1.000000000e+00, v19;
	v25 =	vpop (erf)  }
0x384: {  	v17 =	vmul.f32 $2.500000000e+01, v17;
	v29 =	vld.idx.msk [tilespmem:v12+s26+$0xFFFFFE80], $0xffff;
	v30 =	vmul.f32 $1.442695020e+00, v16;
	v16 =	vadd.f32 $1.000000000e+00, v25;
	v25 =	vpop (erf)  }
0x385: {  	v27 =	vsub.f32 v27, v28;
	v28 =	vld.idx.msk [tilespmem:v13+s26+$0xFFFFFE80], $0xffff;
	(erf) = vpow2.f32 v31;
	[tilespmem:s20+$0xFFFFFFF0] =	vst v25;
	v18 =	vpop (erf)  }
0x386: {  	v31 =	vmul.f32 $1.442695020e+00, v17;
	v25 =	vld.idx.msk [tilespmem:v12+s26+$0xFFFFFF00], $0xffff;
	(erf) = vpow2.f32 v30;
	[tilespmem:s20+$0x30] =	vst v18  }
0x387: {  	v18 =	vmul.f32 $2.500000000e+01, v27;
	v20 =	vsub.f32 v20, v26;
	v26 =	vld.idx.msk [tilespmem:v13+s26+$0xFFFFFF00], $0xffff;
	(erf) = vrcp.f32 v22;
	v22 =	vpop (erf)  }
0x388: {  	v27 =	vld.idx.msk [tilespmem:v12+s26+$0xFFFFFF80], $0xffff;
	(erf) = vpow2.f32 v31;
	v17 =	vpop (erf);
	[tilespmem:s19+$0xB0] =	vst v22;
	s19 =	smov.u32 s20;
	s20 =	smov.u32 s22;
	s22 =	smov.u32 s25  }
0x389: {  	v20 =	vmul.f32 $2.500000000e+01, v20;
	v22 =	vsub.f32 v24, v23;
	v23 =	vld.idx.msk [tilespmem:v13+s26+$0xFFFFFF80], $0xffff;
	v17 =	vadd.f32 $1.000000000e+00, v17;
	v24 =	vpop (erf)  }
0x38a: {  	v18 =	vmul.f32 $1.442695020e+00, v18;
	v30 =	vld.idx.msk [tilespmem:v12+s26+$0xFFFFFC80], $0xffff;
	[tilespmem:s20+$0xFFFFFF70] =	vst v24;
	v24 =	vpop (erf);
	(erf) = vrcp.f32 v19  }
0x38b: {  	v19 =	vmul.f32 $2.500000000e+01, v22;
	v22 =	vsub.f32 v28, v29;
	v28 =	vld.idx.msk [tilespmem:v11+s23+$0xFFFFFC80], $0xffff;
	(erf) = vrcp.f32 v17  }
0x38c: {  	v31 =	vmul.f32 $1.442695020e+00, v20;
	v17 =	vadd.f32 $1.000000000e+00, v24;
	(erf) = vpow2.f32 v18;
	v18 =	vld.idx.msk [tilespmem:v10+s23+$0xFFFFFC80], $0xffff;
	v24 =	vpop (erf)  }
0x38d: {  	v19 =	vmul.f32 $1.442695020e+00, v19;
	v22 =	vmul.f32 $2.500000000e+01, v22;
	v25 =	vsub.f32 v26, v25;
	v26 =	vld.idx.msk [tilespmem:v11+s23+$0xFFFFFE00], $0xffff;
	[tilespmem:s20+$0xFFFFFF30] =	vst v24  }
0x38e: {  	(erf) = vpow2.f32 v31;
	v24 =	vld.idx.msk [tilespmem:v10+s23+$0xFFFFFE00], $0xffff;
	v20 =	vpop (erf)  }
0x38f: {  	v22 =	vmul.f32 $1.442695020e+00, v22;
	v25 =	vmul.f32 $2.500000000e+01, v25;
	v23 =	vsub.f32 v23, v27;
	v27 =	vld.idx.msk [tilespmem:v11+s23+$0xFFFFFE80], $0xffff;
	v29 =	vpop (erf)  }
0x390: {  	v30 =	vsub.f32 v21, v30;
	v20 =	vadd.f32 $1.000000000e+00, v20;
	(erf) = vpow2.f32 v19;
	v19 =	vld.idx.msk [tilespmem:v10+s23+$0xFFFFFE80], $0xffff;
	v31 =	vpop (erf)  }
0x391: {  	v25 =	vmul.f32 $1.442695020e+00, v25;
	v23 =	vmul.f32 $2.500000000e+01, v23;
	v21 =	vadd.f32 $1.000000000e+00, v29;
	v32 =	vpop (erf);
	v29 =	vld.idx.msk [tilespmem:v11+s23+$0xFFFFFF00], $0xffff;
	[tilespmem:s20+$0xFFFFFFB0] =	vst v31  }
0x392: {  	v30 =	vmul.f32 $2.500000000e+01, v30;
	v32 =	vadd.f32 $1.000000000e+00, v32;
	(erf) = vpow2.f32 v22;
	v22 =	vld.idx.msk [tilespmem:v10+s23+$0xFFFFFF00], $0xffff  }
0x393: {  	v18 =	vsub.f32 v18, v28;
	v23 =	vmul.f32 $1.442695020e+00, v23;
	(erf) = vpow2.f32 v25;
	v25 =	vld.idx.msk [tilespmem:v11+s23+$0xFFFFFF80], $0xffff;
	v28 =	vpop (erf)  }
0x394: {  	v33 =	vmul.f32 $1.442695020e+00, v30;
	v24 =	vsub.f32 v24, v26;
	(erf) = vrcp.f32 v32;
	v26 =	vld.idx.msk [tilespmem:v10+s23+$0xFFFFFF80], $0xffff;
	v31 =	vpop (erf);
	[tilespmem:s19+$0x70] =	vst v28  }
0x395: {  	v18 =	vmul.f32 $2.500000000e+01, v18;
	v28 =	vpop (erf);
	(erf) = vpow2.f32 v23;
	[tilespmem:s25+$0xE0] =	vst v31;
	v23 =	vld.idx.msk [tilespmem:v9+s21+$0xFFFFFE80], $0xffff  }
0x396: {  	v19 =	vsub.f32 v19, v27;
	v28 =	vadd.f32 $1.000000000e+00, v28;
	(erf) = vpow2.f32 v33;
	v27 =	vld.idx.msk [tilespmem:v9+s23+$0x0], $0xffff  }
0x397: {  	v18 =	vmul.f32 $1.442695020e+00, v18;
	v24 =	vmul.f32 $2.500000000e+01, v24;
	v30 =	vpop (erf);
	v31 =	vld.idx.msk [tilespmem:v8+s23+$0x0], $0xffff  }
0x398: {  	v22 =	vsub.f32 v22, v29;
	v33 =	vadd.f32 $1.000000000e+00, v30;
	(erf) = vrcp.f32 v28;
	v28 =	vld.idx.msk [tilespmem:v8+s21+$0xFFFFFE80], $0xffff  }
0x399: {  	v24 =	vmul.f32 $1.442695020e+00, v24;
	v19 =	vmul.f32 $2.500000000e+01, v19;
	v29 =	vpop (erf);
	v32 =	vld.idx.msk [tilespmem:v9+s21+$0xFFFFFF00], $0xffff  }
0x39a: {  	v25 =	vsub.f32 v26, v25;
	v34 =	vadd.f32 $1.000000000e+00, v29;
	(erf) = vrcp.f32 v33;
	v26 =	vld.idx.msk [tilespmem:v8+s21+$0xFFFFFF00], $0xffff  }
0x39b: {  	v19 =	vmul.f32 $1.442695020e+00, v19;
	v22 =	vmul.f32 $2.500000000e+01, v22;
	v30 =	vpop (erf);
	v33 =	vld.idx.msk [tilespmem:v9+s21+$0xFFFFFF80], $0xffff  }
0x39c: {  	v25 =	vmul.f32 $2.500000000e+01, v25;
	v36 =	vadd.f32 $1.000000000e+00, v30;
	(erf) = vrcp.f32 v34;
	v29 =	vpop (erf);
	v34 =	vld.idx.msk [tilespmem:v8+s21+$0xFFFFFF80], $0xffff;
	s21 =	smov.u32 s23;
	s23 =	smov.u32 s26  }
0x39d: {  	s25 =	sadd.s32 $0x200, s25;
	v22 =	vmul.f32 $1.442695020e+00, v22;
	v27 =	vsub.f32 v31, v27;
	v29 =	vadd.f32 $1.000000000e+00, v29;
	v35 =	vpop (erf)  }
0x39e: {  	v25 =	vmul.f32 $1.442695020e+00, v25;
	v23 =	vsub.f32 v28, v23;
	[tilespmem:s25+$0xC0] =	vst v35;
	(erf) = vrcp.f32 v36;
	v30 =	vpop (erf)  }
0x39f: {  	v27 =	vmul.f32 $2.500000000e+01, v27;
	v28 =	vadd.f32 $1.000000000e+00, v30;
	v30 =	vld.idx.msk [tilespmem:v14+s26+$0x0], $0xffff;
	v31 =	vpop (erf);
	(erf) = vrcp.f32 v29  }
0x3a0: {  	v35 =	vadd.f32 $1.000000000e+00, v31;
	v31 =	vld.idx.msk [tilespmem:v15+s26+$0x0], $0xffff;
	(erf) = vpow2.f32 v18;
	v18 =	vsub.f32 v26, v32  }
0x3a1: {  	v27 =	vmul.f32 $1.442695020e+00, v27;
	v26 =	vpop (erf);
	(erf) = vrcp.f32 v28  }
0x3a2: {  	v23 =	vmul.f32 $2.500000000e+01, v23;
	[tilespmem:s25+$0xFFFFFF40] =	vst v26;
	(erf) = vrcp.f32 v35;
	v26 =	vsub.f32 v34, v33  }
0x3a3: {  	v18 =	vmul.f32 $2.500000000e+01, v18;
	v28 =	vld.idx.msk [tilespmem:v14+s26+$0xFFFFFD00], $0xffff;
	v29 =	vpop (erf);
	(erf) = vpow2.f32 v27  }
0x3a4: {  	v27 =	vld.idx.msk [tilespmem:v15+s26+$0xFFFFFD00], $0xffff;
	[tilespmem:s25+$0xFFFFFF80] =	vst v29;
	(erf) = vpow2.f32 v24;
	v24 =	vmul.f32 $2.500000000e+01, v26  }
0x3a5: {  	v23 =	vmul.f32 $1.442695020e+00, v23;
	v26 =	vld.idx.msk [tilespmem:v14+s26+$0xFFFFFD80], $0xffff;
	v29 =	vpop (erf);
	(erf) = vpow2.f32 v19  }
0x3a6: {  	v31 =	vsub.f32 v31, v30;
	v19 =	vmul.f32 $1.442695020e+00, v18;
	v32 =	vld.idx.msk [tilespmem:v15+s26+$0xFFFFFD80], $0xffff;
	[tilespmem:s25+$0xFFFFFFC0] =	vst v29;
	(erf) = vpow2.f32 v22  }
0x3a7: {  	v18 =	vmul.f32 $1.442695020e+00, v24;
	v22 =	vld.idx.msk [tilespmem:v14+s26+$0xFFFFFE00], $0xffff;
	v30 =	vpop (erf);
	(erf) = vpow2.f32 v25  }
0x3a8: {  	v25 =	vmul.f32 $2.500000000e+01, v31;
	v24 =	vld.idx.msk [tilespmem:v15+s26+$0xFFFFFE00], $0xffff;
	[tilespmem:s25+$0x0] =	vst v30;
	v29 =	vpop (erf);
	(erf) = vrcp.f32 v20  }
0x3a9: {  	v20 =	vld.idx.msk [tilespmem:v14+s26+$0xFFFFFE80], $0xffff;
	[tilespmem:s25+$0x40] =	vst v29;
	v29 =	vpop (erf);
	(erf) = vrcp.f32 v21  }
0x3aa: {  	v21 =	vsub.f32 v27, v28;
	v31 =	vmul.f32 $1.442695020e+00, v25;
	v27 =	vld.idx.msk [tilespmem:v15+s26+$0xFFFFFE80], $0xffff;
	v28 =	vpop (erf);
	v33 =	vadd.f32 $1.000000000e+00, v29  }
0x3ab: {  	v30 =	vld.idx.msk [tilespmem:v14+s26+$0xFFFFFF00], $0xffff;
	[tilespmem:s25+$0x80] =	vst v28;
	v28 =	vpop (erf);
	(erf) = vpow2.f32 v23  }
0x3ac: {  	v21 =	vmul.f32 $2.500000000e+01, v21;
	v23 =	vsub.f32 v32, v26;
	[tilespmem:s25+$0xFFFFFF00] =	vst v28;
	v26 =	vld.idx.msk [tilespmem:v15+s26+$0xFFFFFF00], $0xffff;
	(erf) = vpow2.f32 v31;
	v25 =	vpop (erf)  }
0x3ad: {  	v28 =	vld.idx.msk [tilespmem:v14+s26+$0xFFFFFC80], $0xffff;
	v25 =	vadd.f32 $1.000000000e+00, v25;
	(erf) = vrcp.f32 v33;
	v29 =	vpop (erf)  }
0x3ae: {  	v34 =	vmul.f32 $1.442695020e+00, v21;
	v23 =	vmul.f32 $2.500000000e+01, v23;
	v22 =	vsub.f32 v24, v22;
	v31 =	vld.idx.msk [tilespmem:v15+s26+$0xFFFFFC80], $0xffff;
	v24 =	vpop (erf)  }
0x3af: {  	v29 =	vadd.f32 $1.000000000e+00, v29;
	v32 =	vld.idx.msk [tilespmem:v14+s26+$0xFFFFFF80], $0xffff;
	v24 =	vadd.f32 $1.000000000e+00, v24;
	v33 =	vpop (erf);
	(erf) = vrcp.f32 v25  }
0x3b0: {  	v23 =	vmul.f32 $1.442695020e+00, v23;
	v22 =	vmul.f32 $2.500000000e+01, v22;
	v20 =	vsub.f32 v27, v20;
	v25 =	vld.idx.msk [tilespmem:v15+s26+$0xFFFFFF80], $0xffff;
	v27 =	vpop (erf)  }
0x3b1: {  	v33 =	vadd.f32 $1.000000000e+00, v33;
	(erf) = vpow2.f32 v34;
	v27 =	vadd.f32 $1.000000000e+00, v27;
	v21 =	vpop (erf)  }
0x3b2: {  	v34 =	vmul.f32 $1.442695020e+00, v22;
	v20 =	vmul.f32 $2.500000000e+01, v20;
	v26 =	vsub.f32 v26, v30;
	[tilespmem:s22+$0xFFFFFF60] =	vst v21;
	v21 =	vpop (erf)  }
0x3b3: {  	(erf) = vpow2.f32 v23;
	v23 =	vld.idx.msk [tilespmem:v9+s21+$0xFFFFFD00], $0xffff;
	[tilespmem:s22+$0xFFFFFFA0] =	vst v21  }
0x3b4: {  	v28 =	vsub.f32 v31, v28;
	v20 =	vmul.f32 $1.442695020e+00, v20;
	v26 =	vmul.f32 $2.500000000e+01, v26;
	v30 =	vld.idx.msk [tilespmem:v8+s21+$0xFFFFFD00], $0xffff;
	v21 =	vpop (erf)  }
0x3b5: {  	(erf) = vpow2.f32 v34;
	v22 =	vpop (erf);
	v31 =	vld.idx.msk [tilespmem:v9+s21+$0xFFFFFD80], $0xffff;
	v21 =	vadd.f32 $1.000000000e+00, v21  }
0x3b6: {  	v28 =	vmul.f32 $2.500000000e+01, v28;
	v35 =	vsub.f32 v25, v32;
	v22 =	vadd.f32 $1.000000000e+00, v22;
	v32 =	vld.idx.msk [tilespmem:v8+s21+$0xFFFFFD80], $0xffff;
	v34 =	vpop (erf)  }
0x3b7: {  	v26 =	vmul.f32 $1.442695020e+00, v26;
	(erf) = vpow2.f32 v20;
	[tilespmem:s22+$0xFFFFFF20] =	vst v34  }
0x3b8: {  	v20 =	vmul.f32 $2.500000000e+01, v35;
	(erf) = vrcp.f32 v22;
	v22 =	vld.idx.msk [tilespmem:v9+s21+$0xFFFFFC80], $0xffff;
	v25 =	vpop (erf)  }
0x3b9: {  	v34 =	vmul.f32 $1.442695020e+00, v28;
	(erf) = vpow2.f32 v26;
	v26 =	vld.idx.msk [tilespmem:v8+s21+$0xFFFFFC80], $0xffff;
	[tilespmem:s22+$0xF0] =	vst v25  }
0x3ba: {  	v20 =	vmul.f32 $1.442695020e+00, v20;
	v23 =	vsub.f32 v30, v23;
	v25 =	vpop (erf);
	(erf) = vrcp.f32 v29  }
0x3bb: {  	v29 =	vadd.f32 $1.000000000e+00, v25;
	(erf) = vpow2.f32 v34  }
0x3bc: {  	v28 =	vpop (erf);
	(erf) = vpow2.f32 v20;
	v20 =	vmul.f32 $2.500000000e+01, v23;
	v23 =	vsub.f32 v32, v31  }
0x3bd: {  	v28 =	vadd.f32 $1.000000000e+00, v28;
	(erf) = vrcp.f32 v29  }
0x3be: {  	v25 =	vpop (erf);
	v23 =	vmul.f32 $2.500000000e+01, v23;
	(erf) = vrcp.f32 v24  }
0x3bf: {  	v22 =	vsub.f32 v26, v22;
	v29 =	vadd.f32 $1.000000000e+00, v25;
	(erf) = vrcp.f32 v28  }
0x3c0: {  	v20 =	vmul.f32 $1.442695020e+00, v20;
	v25 =	vpop (erf);
	(erf) = vrcp.f32 v33  }
0x3c1: {  	v22 =	vmul.f32 $2.500000000e+01, v22;
	v26 =	vadd.f32 $1.000000000e+00, v25;
	(erf) = vrcp.f32 v29;
	v24 =	vpop (erf)  }
0x3c2: {  	v28 =	vmul.f32 $1.442695020e+00, v23;
	[tilespmem:s25+$0xD0] =	vst v24;
	v24 =	vpop (erf);
	(erf) = vrcp.f32 v27  }
0x3c3: {  	v22 =	vmul.f32 $1.442695020e+00, v22;
	v23 =	vadd.f32 $1.000000000e+00, v24;
	v27 =	vld.idx.msk [tilespmem:v11+s26+$0x0], $0xffff;
	(erf) = vrcp.f32 v26;
	v24 =	vpop (erf)  }
0x3c4: {  	v29 =	vld.idx.msk [tilespmem:v10+s26+$0x0], $0xffff;
	v25 =	vpop (erf);
	[tilespmem:s22+$0xFFFFFFE0] =	vst v24;
	(erf) = vpow2.f32 v20  }
0x3c5: {  	v30 =	vadd.f32 $1.000000000e+00, v25;
	(erf) = vrcp.f32 v23;
	v24 =	vpop (erf);
	v23 =	vld.idx.msk [tilespmem:v9+s21+$0xFFFFFE00], $0xffff  }
0x3c6: {  	v26 =	vadd.f32 $1.000000000e+00, v24;
	v24 =	vpop (erf);
	v25 =	vld.idx.msk [tilespmem:v8+s21+$0xFFFFFE00], $0xffff;
	(erf) = vpow2.f32 v22  }
.Ltmp1:
0x3c7: {  	[tilespmem:s25+$0xFFFFFF50] =	vst v24;
	(erf) = vrcp.f32 v30;
	v20 =	vpop (erf);
	(pc) =	sbr.rel @p0 .LBB2_4-.Ltmp1, $4  }
0x3c8: {  	v24 =	vld.idx.msk [tilespmem:v11+s26+$0xFFFFFD00], $0xffff;
	v22 =	vpop (erf);
	(erf) = vrcp.f32 v26;
	[tilespmem:s22+$0x20] =	vst v20  }
0x3c9: {  	v26 =	vld.idx.msk [tilespmem:v10+s26+$0xFFFFFD00], $0xffff;
	[tilespmem:s25+$0xFFFFFF90] =	vst v22;
	(erf) = vpow2.f32 v28;
	v20 =	vpop (erf)  }
0x3ca: {  	v27 =	vsub.f32 v29, v27;
	v22 =	vld.idx.msk [tilespmem:v11+s26+$0xFFFFFD80], $0xffff;
	v28 =	vpop (erf);
	[tilespmem:s22+$0x60] =	vst v20;
	(erf) = vpow2.f32 v19  }
0x3cb: {  	s26 =	sadd.s32 $0x400, s26;
	v19 =	vld.idx.msk [tilespmem:v10+s23+$0xFFFFFD80], $0xffff;
	[tilespmem:s25+$0xFFFFFFD0] =	vst v28;
	v20 =	vpop (erf);
	(erf) = vpow2.f32 v18  }
0x3cc: {  	v12 =	vmul.f32 $2.500000000e+01, v27  }
0x3cd: {  	v40 =	vpop (erf);
	(erf) = vrcp.f32 v17  }
0x3ce: {  	v14 =	vsub.f32 v25, v23;
	v13 =	vpop (erf);
	(erf) = vrcp.f32 v21;
	v12 =	vmul.f32 $1.442695020e+00, v12  }
0x3cf: {  	v41 =	vpop (erf);
	(erf) = vrcp.f32 v16  }
0x3d0: {  	v43 =	vmul.f32 $2.500000000e+01, v14;
	v44 =	vsub.f32 v26, v24;
	v15 =	vpop (erf);
	(erf) = vpow2.f32 v12  }
0x3d1: {  	v42 =	vpop (erf)  }
0x3d2: {  	v12 =	vmul.f32 $1.442695020e+00, v43;
	v14 =	vmul.f32 $2.500000000e+01, v44;
	v45 =	vpop (erf)  }
0x3d3: {  	v13 =	vadd.f32 $1.000000000e+00, v13;
	v46 =	vsub.f32 v19, v22;
	v18 =	vpop (erf)  }
0x3d4: {  	v14 =	vmul.f32 $1.442695020e+00, v14;
	v47 =	vpop (erf)  }
0x3d5: {  	v15 =	vadd.f32 $1.000000000e+00, v15;
	(erf) = vrcp.f32 v13;
	v48 =	vmul.f32 $2.500000000e+01, v46;
	v19 =	vpop (erf)  }
0x3d6: {  	(erf) = vpow2.f32 v12;
	v12 =	vpop (erf)  }
0x3d7: {  	v49 =	vmul.f32 $1.442695020e+00, v48;
	(erf) = vrcp.f32 v15;
	v13 =	vpop (erf)  }
0x3d8: {  	v50 =	vadd.f32 $1.000000000e+00, v18;
	(erf) = vpow2.f32 v14;
	v14 =	vpop (erf)  }
0x3d9: {  	v51 =	vadd.f32 $1.000000000e+00, v47;
	(erf) = vpow2.f32 v49;
	v52 =	vpop (erf)  }
0x3da: {  	(erf) = vrcp.f32 v50;
	v15 =	vadd.f32 $1.000000000e+00, v52  }
0x3db: {  	(erf) = vrcp.f32 v51  }
0x3dc: {  	(erf) = vrcp.f32 v15;
	_ =	sdelay $0x1  }
0x3dd: {  	v15 =	vpop (erf)  }
0x3de: {  	v22 =	vpop (erf)  }
0x3df: {  	v16 =	vpop (erf)  }
0x3e0: {  	v29 =	vld.idx.msk [tilespmem:v11+s23+$0xFFFFFE00], $0xffff;
	v54 =	vpop (erf)  }
0x3e1: {  	v56 =	vld.idx.msk [tilespmem:v10+s23+$0xFFFFFE00], $0xffff;
	[tilespmem:s25+$0xFFFFFF10] =	vst v42;
	v28 =	vpop (erf)  }
0x3e2: {  	v53 =	vld.idx.msk [tilespmem:v11+s23+$0xFFFFFC80], $0xffff;
	v18 =	vpop (erf)  }
0x3e3: {  	[tilespmem:s25+$0x10] =	vst v40;
	v55 =	vld.idx.msk [tilespmem:v10+s23+$0xFFFFFC80], $0xffff;
	v17 =	vpop (erf)  }
0x3e4: {  	v30 =	vld.idx.msk [tilespmem:v11+s23+$0xFFFFFE80], $0xffff;
	v31 =	vpop (erf)  }
0x3e5: {  	v32 =	vld.idx.msk [tilespmem:v10+s23+$0xFFFFFE80], $0xffff;
	[tilespmem:s25+$0xE0] =	vst v31  }
0x3e6: {  	v31 =	vld.idx.msk [tilespmem:v9+s23+$0x0], $0xffff  }
0x3e7: {  	[tilespmem:s25+$0x50] =	vst v41;
	v57 =	vld.idx.msk [tilespmem:v8+s23+$0x0], $0xffff  }
0x3e8: {  	v58 =	vld.idx.msk [tilespmem:v11+s23+$0xFFFFFF00], $0xffff;
	v24 =	vsub.f32 v55, v53  }
0x3e9: {  	v59 =	vld.idx.msk [tilespmem:v10+s23+$0xFFFFFF00], $0xffff;
	[tilespmem:s25+$0x90] =	vst v45  }
0x3ea: {  	v60 =	vld.idx.msk [tilespmem:v11+s23+$0xFFFFFF80], $0xffff;
	v24 =	vmul.f32 $2.500000000e+01, v24  }
0x3eb: {  	v27 =	vsub.f32 v56, v29;
	v61 =	vld.idx.msk [tilespmem:v10+s23+$0xFFFFFF80], $0xffff  }
0x3ec: {  	v24 =	vmul.f32 $1.442695020e+00, v24;
	v21 =	vsub.f32 v57, v31  }
0x3ed: {  	v63 =	vld.idx.msk [tilespmem:v9+s21+$0xFFFFFE80], $0xffff;
	v62 =	vsub.f32 v32, v30;
	v27 =	vmul.f32 $2.500000000e+01, v27  }
0x3ee: {  	(erf) = vpow2.f32 v24;
	v31 =	vld.idx.msk [tilespmem:v8+s21+$0xFFFFFE80], $0xffff;
	v21 =	vmul.f32 $2.500000000e+01, v21  }
0x3ef: {  	v23 =	vsub.f32 v59, v58;
	v32 =	vmul.f32 $2.500000000e+01, v62  }
0x3f0: {  	v27 =	vmul.f32 $1.442695020e+00, v27;
	v10 =	vsub.f32 v61, v60;
	v33 =	vmul.f32 $1.442695020e+00, v21  }
0x3f1: {  	v34 =	vmul.f32 $1.442695020e+00, v32;
	v23 =	vmul.f32 $2.500000000e+01, v23  }
0x3f2: {  	v10 =	vmul.f32 $2.500000000e+01, v10;
	(erf) = vpow2.f32 v33  }
0x3f3: {  	v35 =	vmul.f32 $1.442695020e+00, v23;
	v36 =	vsub.f32 v31, v63;
	(erf) = vpow2.f32 v27  }
0x3f4: {  	v10 =	vmul.f32 $1.442695020e+00, v10;
	(erf) = vpow2.f32 v34  }
0x3f5: {  	v37 =	vadd.f32 $1.000000000e+00, v54;
	v23 =	vmul.f32 $2.500000000e+01, v36;
	(erf) = vpow2.f32 v35  }
0x3f6: {  	v38 =	vadd.f32 $1.000000000e+00, v28;
	(erf) = vpow2.f32 v10  }
0x3f7: {  	v40 =	vpop (erf);
	v39 =	vmul.f32 $1.442695020e+00, v23;
	(erf) = vrcp.f32 v37  }
0x3f8: {  	v41 =	vadd.f32 $1.000000000e+00, v40;
	(erf) = vrcp.f32 v38  }
0x3f9: {  	(erf) = vpow2.f32 v39  }
0x3fa: {  	(erf) = vrcp.f32 v41  }
0x3fb: {  	v42 =	vpop (erf)  }
0x3fc: {  	v43 =	vpop (erf)  }
0x3fd: {  	v44 =	vpop (erf)  }
0x3fe: {  	v45 =	vpop (erf)  }
0x3ff: {  	v46 =	vpop (erf)  }
0x400: {  	v56 =	vld.idx.msk [tilespmem:v9+s21+$0xFFFFFF00], $0xffff;
	v47 =	vpop (erf)  }
0x401: {  	v57 =	vld.idx.msk [tilespmem:v8+s21+$0xFFFFFF00], $0xffff;
	v10 =	vadd.f32 $1.000000000e+00, v42;
	[tilespmem:s25+$0xFFFFFF60] =	vst v47;
	v48 =	vpop (erf)  }
0x402: {  	v11 =	vadd.f32 $1.000000000e+00, v43;
	v49 =	vld.idx.msk [tilespmem:v9+s23+$0xFFFFFD00], $0xffff;
	v50 =	vpop (erf)  }
0x403: {  	(erf) = vrcp.f32 v10;
	[tilespmem:s25+$0xFFFFFFA0] =	vst v48;
	v51 =	vld.idx.msk [tilespmem:v8+s23+$0xFFFFFD00], $0xffff;
	v52 =	vpop (erf)  }
0x404: {  	v21 =	vadd.f32 $1.000000000e+00, v44;
	(erf) = vrcp.f32 v11;
	v53 =	vld.idx.msk [tilespmem:v9+s23+$0xFFFFFD80], $0xffff;
	[tilespmem:s25+$0xFFFFFF20] =	vst v52  }
0x405: {  	v28 =	vld.idx.msk [tilespmem:v9+s23+$0xFFFFFC80], $0xffff  }
0x406: {  	v23 =	vadd.f32 $1.000000000e+00, v45;
	(erf) = vrcp.f32 v21;
	v54 =	vld.idx.msk [tilespmem:v8+s23+$0xFFFFFC80], $0xffff  }
0x407: {  	v58 =	vadd.f32 $1.000000000e+00, v46;
	v55 =	vld.idx.msk [tilespmem:v8+s23+$0xFFFFFD80], $0xffff  }
0x408: {  	(erf) = vrcp.f32 v23  }
0x409: {  	(erf) = vrcp.f32 v58;
	v25 =	vsub.f32 v51, v49  }
0x40a: {  	[tilespmem:s22+$0xA0] =	vst v20  }
0x40b: {  	v59 =	vld.idx.msk [tilespmem:v9+s21+$0xFFFFFF80], $0xffff;
	v60 =	vmul.f32 $2.500000000e+01, v25;
	v11 =	vsub.f32 v54, v28  }
0x40c: {  	v61 =	vld.idx.msk [tilespmem:v8+s21+$0xFFFFFF80], $0xffff;
	v21 =	vsub.f32 v57, v56;
	v20 =	vpop (erf);
	v10 =	vsub.f32 v55, v53  }
0x40d: {  	v62 =	vpop (erf);
	v24 =	vmul.f32 $1.442695020e+00, v60;
	v11 =	vmul.f32 $2.500000000e+01, v11  }
0x40e: {  	v21 =	vmul.f32 $2.500000000e+01, v21;
	[tilespmem:s25+$0xFFFFFFE0] =	vst v62;
	v10 =	vmul.f32 $2.500000000e+01, v10  }
0x40f: {  	v30 =	vpop (erf);
	v63 =	vld.idx.msk [tilespmem:v9+s23+$0xFFFFFE00], $0xffff;
	(erf) = vpow2.f32 v24;
	v11 =	vmul.f32 $1.442695020e+00, v11  }
0x410: {  	v28 =	vld.idx.msk [tilespmem:v8+s23+$0xFFFFFE00], $0xffff;
	[tilespmem:s25+$0x20] =	vst v30;
	v10 =	vmul.f32 $1.442695020e+00, v10  }
0x411: {  	v23 =	vsub.f32 v61, v59;
	v29 =	vmul.f32 $1.442695020e+00, v21;
	v32 =	vpop (erf);
	v33 =	vld.idx.msk [tilespmem:v9+s23+$0xFFFFFE80], $0xffff;
	(erf) = vpow2.f32 v11  }
0x412: {  	[tilespmem:s25+$0x60] =	vst v32;
	v34 =	vld.idx.msk [tilespmem:v8+s23+$0xFFFFFE80], $0xffff;
	v35 =	vpop (erf);
	(erf) = vpow2.f32 v10  }
0x413: {  	v31 =	vmul.f32 $2.500000000e+01, v23;
	[tilespmem:s25+$0xA0] =	vst v35;
	v38 =	vld.idx.msk [tilespmem:v8+s23+$0xFFFFFF00], $0xffff;
	(erf) = vpow2.f32 v29  }
0x414: {  	v41 =	vld.idx.msk [tilespmem:v9+s23+$0xFFFFFF80], $0xffff  }
0x415: {  	v8 =	vld.idx.msk [tilespmem:v8+s23+$0xFFFFFF80], $0xffff;
	v10 =	vmul.f32 $1.442695020e+00, v31  }
0x416: {  	v22 =	vadd.f32 $1.000000000e+00, v22;
	v36 =	vld.idx.msk [tilespmem:v9+s23+$0xFFFFFF00], $0xffff;
	v24 =	vsub.f32 v28, v63  }
0x417: {  	v37 =	vadd.f32 $1.000000000e+00, v50;
	v11 =	vsub.f32 v34, v33;
	(erf) = vpow2.f32 v10  }
0x418: {  	v19 =	vadd.f32 $1.000000000e+00, v19;
	v40 =	vmul.f32 $2.500000000e+01, v24;
	(erf) = vrcp.f32 v22;
	v39 =	vpop (erf)  }
0x419: {  	v11 =	vmul.f32 $2.500000000e+01, v11;
	(erf) = vrcp.f32 v37;
	v22 =	vadd.f32 $1.000000000e+00, v39  }
0x41a: {  	v8 =	vsub.f32 v8, v41;
	v43 =	vmul.f32 $1.442695020e+00, v40;
	(erf) = vrcp.f32 v19;
	v42 =	vpop (erf)  }
0x41b: {  	v10 =	vsub.f32 v38, v36;
	(erf) = vrcp.f32 v22;
	v44 =	vadd.f32 $1.000000000e+00, v42;
	v45 =	vpop (erf)  }
0x41c: {  	v49 =	vmul.f32 $1.442695020e+00, v11;
	(erf) = vpow2.f32 v43;
	v46 =	vadd.f32 $1.000000000e+00, v45;
	v47 =	vpop (erf)  }
0x41d: {  	v8 =	vmul.f32 $2.500000000e+01, v8;
	(erf) = vrcp.f32 v44;
	v21 =	vadd.f32 $1.000000000e+00, v47  }
0x41e: {  	v48 =	vmul.f32 $2.500000000e+01, v10;
	(erf) = vrcp.f32 v46  }
0x41f: {  	v8 =	vmul.f32 $1.442695020e+00, v8;
	(erf) = vrcp.f32 v21  }
0x420: {  	v9 =	vmul.f32 $1.442695020e+00, v48;
	v50 =	vpop (erf);
	(erf) = vpow2.f32 v49  }
0x421: {  	v51 =	vpop (erf)  }
0x422: {  	v52 =	vpop (erf);
	(erf) = vpow2.f32 v9  }
0x423: {  	v53 =	vpop (erf);
	(erf) = vpow2.f32 v8  }
0x424: {  	v8 =	vpop (erf)  }
0x425: {  	v54 =	vpop (erf)  }
0x426: {  	[tilespmem:s20+$0xFFFFFFF0] =	vst v12;
	v55 =	vpop (erf)  }
0x427: {  	[tilespmem:s20+$0x30] =	vst v13;
	v56 =	vpop (erf)  }
0x428: {  	[tilespmem:s19+$0xB0] =	vst v14;
	v57 =	vpop (erf)  }
0x429: {  	[tilespmem:s22+$0xFFFFFF70] =	vst v15;
	v58 =	vadd.f32 $1.000000000e+00, v54;
	v59 =	vpop (erf)  }
0x42a: {  	[tilespmem:s22+$0xFFFFFF30] =	vst v16;
	v60 =	vadd.f32 $1.000000000e+00, v59  }
0x42b: {  	[tilespmem:s22+$0xFFFFFFB0] =	vst v18;
	v11 =	vadd.f32 $1.000000000e+00, v50;
	(erf) = vrcp.f32 v58;
	v61 =	vpop (erf)  }
0x42c: {  	[tilespmem:s20+$0x70] =	vst v17;
	v15 =	vadd.f32 $1.000000000e+00, v61;
	v62 =	vpop (erf);
	(erf) = vrcp.f32 v60  }
0x42d: {  	[tilespmem:s25+$0xF0] =	vst v20;
	v63 =	vadd.f32 $1.000000000e+00, v62;
	(erf) = vrcp.f32 v11  }
0x42e: {  	[tilespmem:s22+$0xFFFFFFF0] =	vst v51;
	(erf) = vrcp.f32 v15  }
0x42f: {  	[tilespmem:s22+$0x30] =	vst v52;
	(erf) = vrcp.f32 v63  }
0x430: {  	[tilespmem:s20+$0xB0] =	vst v53  }
0x431: {  	[tilespmem:s25+$0xFFFFFF70] =	vst v8  }
0x432: {  	[tilespmem:s25+$0xFFFFFF30] =	vst v55  }
0x433: {  	[tilespmem:s25+$0xFFFFFFB0] =	vst v56  }
0x434: {  	[tilespmem:s22+$0x70] =	vst v57;
	v8 =	vpop (erf)  }
0x435: {  	[tilespmem:s25+$0xFFFFFFF0] =	vst v8;
	v8 =	vpop (erf)  }
0x436: {  	[tilespmem:s25+$0x30] =	vst v8;
	v8 =	vpop (erf)  }
0x437: {  	[tilespmem:s22+$0xB0] =	vst v8;
	v8 =	vpop (erf)  }
0x438: {  	[tilespmem:s25+$0x70] =	vst v8;
	v8 =	vpop (erf)  }
0x439: {  	s18 =	sadd.s32 $0x1, s18;
	[tilespmem:s25+$0xB0] =	vst v8  }
0x43a: {  	[hbm4b:s7+s2] =	stream.linear.scatter [tilespmem:s15], [sflag:$0x4], $0x4000, $0x38;
	[tilespmem:$0x18080] =	vst v63  }
0x43b: {  	p0 =	sne.s32 s18, s8;
	_ =	swait.ge [sflag:s16], $0x4000  }
.Ltmp2:
0x43c: {  	[sflag:s16] =	ssyncset.done $0x0;
	(pc) =	sbr.rel @p0 .LBB2_1-.Ltmp2, $4  }
0x43d: {  	[sflag:s16] =	ssyncadd.s32 $0xFFFFC000  }
0x43e: {  	_ =	swait.ge [sflag:s17], $0x4000  }
0x43f: {  	[sflag:s17] =	ssyncset.done $0x0  }
0x440: {  	[sflag:s17] =	ssyncadd.s32 $0xFFFFC000  }
0x441: {  	_ =	sfence.sel $0x180000  }
0x442: {  	[bflag:$0x0] =	sbarrier.arrive $0xFFFF  }
0x443: {  	p0 =	sne.s32 s1, $0x0;
	_ =	strace $0x90000047  }
0x444: {  	s0 =	sadd.s32 @!p0 $0x100000, s0;
	[bflag:$0x2] =	sbarrier.arrive $0xFFFF  }
0x445: {  	[sflag:s0] =	ssyncadd.tile.s32 @!p0 $0x1;
	_ =	shalt  }
.Lfunc_end2:
_tile_overlayer_lowered:
.L_overlay_start_2:
0x446: {  	(tag) =	ssettag $0x2  }
0x447: {  	s0 =	rddreg [dreg:$0x0];
	s2 =	stileid.u32  }
0x448: {  	s1 =	rddreg [dreg:$0x1];
	p0 =	sne.s32 s2, $0x0  }
0x449: {  	s3 =	rddreg [dreg:$0x2];
	[bflag:$0x3] =	sbarrier.arrive $0xFFFF;
	s2 =	simm.s32 @!p0 $0x1C05  }
0x44a: {  	[timem:s3], [sflag:s2] =	dma.local @!p0 [hbm:s0], s1  }
0x44b: {  	s0 =	simm.s32 @!p0 $0x5  }
0x44c: {  	_ =	swait.ge @!p0 [sflag:s0], s1  }
0x44d: {  	s1 =	ssub.s32 @!p0 $0x0, s1;
	[sflag:s0] =	ssyncset.done @!p0 $0x0  }
0x44e: {  	[sflag:s0] =	ssyncadd.s32 @!p0 s1  }
0x44f: {  	[bflag:$0x3] =	sbarrier.arrive $0xFFFF  }
0x450: {  	_ =	shalt  }

</sc_bundles>
